<compile_context>
chip_gen: v7x
topology: tpu7x:2x2x1
jax: 0.10.2.dev20260603
libtpu: 0.0.44.dev20260713+nightly
codegen_flags: <defaults>
</compile_context>

<pallas_src>
import functools

import jax
import jax.numpy as jnp
from jax import lax
from jax.experimental import pallas as pl
from jax.experimental.pallas import tpu as pltpu
from jax.experimental.pallas import tpu_sc as plsc

_N = 10000
_E = 320000
_D = 128
_B = 16
_EPS = 1e-5

_NC = 2
_NS = 16
_HALF = _N // 2

_EPT = _E // _NS
_CH = 32
_NCH = _EPT // _CH
_IB = 800
_CPB = _IB // _CH
_NSLAB = _EPT // _IB
_ACC_R = 5008
_ZCH = _ACC_R // 16
_OCH = 40
_NOCH = _HALF // _OCH

_NW = _NC * _NS
_EPW = _E // _NW
_DCH = 80
_DNCH = _EPW // _DCH
_NZCH = _N // _DCH

_sc_mesh = plsc.VectorSubcoreMesh(core_axis_name="c", subcore_axis_name="s")

_f32 = jnp.float32


def _zero_vmem_2d(ref, nrows):
    zer = jnp.zeros((16,), _f32)

    def body(r, _):
        for cc in range(_D // 16):
            ref[r, pl.ds(cc * 16, 16)] = zer
        return 0

    lax.fori_loop(0, nrows, body, 0)


def _fill_vmem_1d(ref, n, value):
    for i in range(n // 16):
        ref[pl.ds(i * 16, 16)] = jnp.full((16,), value, _f32)


@functools.partial(
    pl.kernel,
    out_type=(
        jax.ShapeDtypeStruct((_N,), _f32),
        jax.ShapeDtypeStruct((_N,), _f32),
    ),
    mesh=_sc_mesh,
    scratch_types=[
        pltpu.VMEM((_DNCH, _DCH), jnp.int32),
        pltpu.VMEM((_DCH,), _f32),
        pltpu.VMEM((_DCH,), _f32),
        pltpu.VMEM_SHARED((_N,), _f32),
        pltpu.SemaphoreType.DMA,
    ],
)
def _sc_deg(src_hbm, out0, out1, srcv, onesv, zbuf, acc, dsem):
    c = lax.axis_index("c")
    s = lax.axis_index("s")
    wid = c * _NS + s
    pltpu.sync_copy(src_hbm.at[wid], srcv)
    _fill_vmem_1d(onesv, _DCH, 1.0)
    _fill_vmem_1d(zbuf, _DCH, 0.0)

    def zb(k, _):
        cid = s + _NS * k

        @pl.when(cid < _NZCH)
        def _():
            pltpu.sync_copy(zbuf, acc.at[pl.ds(cid * _DCH, _DCH)])

        return 0

    lax.fori_loop(0, _NZCH // _NS + 1, zb, 0)
    plsc.subcore_barrier()

    def body(j, _):
        pltpu.async_copy(onesv, acc.at[srcv.at[j]], sem=dsem, add=True)

        @pl.when(j >= 8)
        def _():
            pltpu.make_async_copy(onesv, acc.at[srcv.at[0]], dsem).wait()

        return 0

    lax.fori_loop(0, _DNCH, body, 0)
    for _ in range(8):
        pltpu.make_async_copy(onesv, acc.at[srcv.at[0]], dsem).wait()
    plsc.subcore_barrier()

    def cp(k, _):
        cid = s + _NS * k

        @pl.when(cid < _NZCH)
        def _():
            sl = pl.ds(cid * _DCH, _DCH)
            pltpu.sync_copy(acc.at[sl], zbuf)

            @pl.when(c == 0)
            def _():
                pltpu.sync_copy(zbuf, out0.at[sl])

            @pl.when(c == 1)
            def _():
                pltpu.sync_copy(zbuf, out1.at[sl])

        return 0

    lax.fori_loop(0, _NZCH // _NS + 1, cp, 0)


@functools.partial(
    pl.kernel,
    out_type=(
        jax.ShapeDtypeStruct((_HALF, _D), _f32),
        jax.ShapeDtypeStruct((_HALF, _D), _f32),
    ),
    mesh=_sc_mesh,
    scratch_types=[
        pltpu.VMEM((2 * _IB,), jnp.int32),
        pltpu.VMEM((2 * _IB,), jnp.int32),
        pltpu.VMEM((3 * _CH, _D), _f32),
        pltpu.VMEM_SHARED((_ACC_R, _D), _f32),
        pltpu.SemaphoreType.DMA,
        pltpu.SemaphoreType.DMA,
        pltpu.SemaphoreType.DMA,
        pltpu.SemaphoreType.DMA,
        pltpu.SemaphoreType.DMA,
        pltpu.SemaphoreType.DMA,
        pltpu.SemaphoreType.DMA,
    ],
)
def _sc_scatter(gst_hbm, gi0_hbm, gi1_hbm, df_hbm, out0, out1, srcv, dstv,
                rows, acc, gsem0, gsem1, gsem2, ssem0, ssem1, ssem2, isem):
    c = lax.axis_index("c")
    s = lax.axis_index("s")
    gsems = (gsem0, gsem1, gsem2)
    ssems = (ssem0, ssem1, ssem2)

    base = s * _EPT

    def load_slab(m, half, sem):
        off = base + m * _IB
        dst_sl = pl.ds(half * _IB, _IB)
        if sem is None:
            @pl.when(c == 0)
            def _():
                pltpu.sync_copy(gi0_hbm.at[pl.ds(off, _IB)], srcv.at[dst_sl])

            @pl.when(c == 1)
            def _():
                pltpu.sync_copy(gi1_hbm.at[pl.ds(off, _IB)], srcv.at[dst_sl])

            pltpu.sync_copy(df_hbm.at[pl.ds(off, _IB)], dstv.at[dst_sl])
        else:
            @pl.when(c == 0)
            def _():
                pltpu.async_copy(gi0_hbm.at[pl.ds(off, _IB)], srcv.at[dst_sl],
                                 sem)

            @pl.when(c == 1)
            def _():
                pltpu.async_copy(gi1_hbm.at[pl.ds(off, _IB)], srcv.at[dst_sl],
                                 sem)

            pltpu.async_copy(df_hbm.at[pl.ds(off, _IB)], dstv.at[dst_sl], sem)

    load_slab(0, 0, isem)
    load_slab(1, 1, isem)

    _zero_vmem_2d(rows, 16)

    def zchunk(k, _):
        cid = s + _NS * k

        @pl.when(cid < _ZCH)
        def _():
            pltpu.sync_copy(rows.at[pl.ds(0, 16)], acc.at[pl.ds(cid * 16, 16)])

        return 0

    lax.fori_loop(0, _ZCH // _NS + 1, zchunk, 0)
    plsc.subcore_barrier()

    pltpu.make_async_copy(df_hbm.at[pl.ds(base, 4 * _IB)],
                          srcv, isem).wait()
    pltpu.async_copy(gst_hbm.at[srcv.at[pl.ds(0, _CH)]],
                     rows.at[pl.ds(0, _CH)], gsem0)
    pltpu.async_copy(gst_hbm.at[srcv.at[pl.ds(_CH, _CH)]],
                     rows.at[pl.ds(_CH, _CH)], gsem1)

    def slab(m, _):
        half = lax.rem(m, 2) * _IB
        nhalf = _IB - half

        @pl.when((m >= 1) & (m + 1 < _NSLAB))
        def _():
            load_slab(m + 1, lax.rem(m + 1, 2), isem)

        def chunk(pos, _):
            sb = half + pos * _CH
            p2 = pos + 2
            sb2 = jnp.where(p2 < _CPB, half + p2 * _CH,
                            nhalf + (p2 - _CPB) * _CH)
            notlast2 = (m + 1 < _NSLAB) | (p2 < _CPB)

            @pl.when((p2 == _CPB) & (m + 1 < _NSLAB))
            def _():
                pltpu.make_async_copy(df_hbm.at[pl.ds(base, 2 * _IB)],
                                      srcv, isem).wait()

            def work(slot, nslot):
                roff = slot * _CH
                roff_n = nslot * _CH

                @pl.when((m > 0) | (pos > 0))
                def _():
                    pltpu.make_async_copy(
                        gst_hbm.at[pl.ds(0, _CH)],
                        rows.at[pl.ds(roff_n, _CH)], ssems[nslot]).wait()

                @pl.when(notlast2)
                def _():
                    pltpu.async_copy(gst_hbm.at[srcv.at[pl.ds(sb2, _CH)]],
                                     rows.at[pl.ds(roff_n, _CH)],
                                     gsems[nslot])

                pltpu.make_async_copy(gst_hbm.at[srcv.at[pl.ds(sb, _CH)]],
                                      rows.at[pl.ds(roff, _CH)],
                                      gsems[slot]).wait()
                for q in range(2):
                    idx16 = dstv[pl.ds(sb + q * 16, 16)]
                    pltpu.async_copy(rows.at[pl.ds(roff + q * 16, 16)],
                                     acc.at[idx16], ssems[slot], add=True)

            par = lax.rem(m + pos, 3)
            for slot in range(3):
                @pl.when(par == slot)
                def _(slot=slot):
                    work(slot, (slot + 2) % 3)

            return 0

        lax.fori_loop(0, _CPB, chunk, 0)
        return 0

    lax.fori_loop(0, _NSLAB, slab, 0)
    pltpu.make_async_copy(gst_hbm.at[pl.ds(0, _CH)],
                          rows.at[pl.ds(0, _CH)], ssem0).wait()
    plsc.subcore_barrier()

    def ochunk(k, _):
        cid = s + _NS * k

        @pl.when(cid < _NOCH)
        def _():
            sl = pl.ds(cid * _OCH, _OCH)

            @pl.when(c == 0)
            def _():
                pltpu.sync_copy(acc.at[sl], out0.at[sl])

            @pl.when(c == 1)
            def _():
                pltpu.sync_copy(acc.at[sl], out1.at[sl])

        return 0

    lax.fori_loop(0, _NOCH // _NS + 1, ochunk, 0)


_GRID = 10
_RBLK = _N // _GRID
_IBLK = _E // _D // _GRID


def _dot(a, b, dims):
    return lax.dot_general(a, b, (dims, ((), ())),
                           precision=lax.Precision.HIGHEST,
                           preferred_element_type=_f32)


def _half_map(i):
    return (lax.rem(i, _GRID // 2), 0)


def _tc_prep_body(dega_ref, degb_ref, feats_ref, dis_ref, gst_ref):
    deg = dega_ref[...] + degb_ref[...]
    safe = jnp.where(deg > 0, deg, 1.0)
    dis = jnp.where(deg > 0, lax.rsqrt(safe), 0.0)
    dis_ref[...] = dis
    g = feats_ref[...] * dis
    gst_ref[0] = g
    gst_ref[1] = -g


_tc_prep = pl.pallas_call(
    _tc_prep_body,
    grid=(_GRID,),
    in_specs=[
        pl.BlockSpec((_RBLK, 1), lambda i: (i, 0)),
        pl.BlockSpec((_RBLK, 1), lambda i: (i, 0)),
        pl.BlockSpec((_RBLK, _D), lambda i: (i, 0)),
    ],
    out_specs=[
        pl.BlockSpec((_RBLK, 1), lambda i: (i, 0)),
        pl.BlockSpec((2, _RBLK, _D), lambda i: (0, i, 0)),
    ],
    out_shape=[
        jax.ShapeDtypeStruct((_N, 1), _f32),
        jax.ShapeDtypeStruct((2, _N, _D), _f32),
    ],
)


def _tc_idx_body(src_ref, dst_ref, gi1_ref, df_ref):
    srci = src_ref[...]
    dsti = dst_ref[...]
    hi = dsti >= _HALF
    gi1_ref[...] = jnp.where(hi, srci + _N, srci)
    df_ref[...] = jnp.where(hi, dsti - _HALF, dsti)


_tc_idx = pl.pallas_call(
    _tc_idx_body,
    out_shape=[
        jax.ShapeDtypeStruct((_E // _D, _D), jnp.int32),
        jax.ShapeDtypeStruct((_E // _D, _D), jnp.int32),
    ],
)


def _fold_decode(a0, a1, i):
    sign = jnp.where(i < _GRID // 2, 0.5, -0.5)
    return 0.5 * a0 + sign * a1


def _tc_mid_a_body(a0_ref, a1_ref, dis_ref, gst1_ref):
    i = pl.program_id(0)
    s0 = _fold_decode(a0_ref[...], a1_ref[...], i)
    dis = dis_ref[...]
    g1 = -dis * dis * s0
    gst1_ref[0] = g1
    gst1_ref[1] = -g1


_tc_mid_a = pl.pallas_call(
    _tc_mid_a_body,
    grid=(_GRID,),
    in_specs=[
        pl.BlockSpec((_RBLK, _D), _half_map),
        pl.BlockSpec((_RBLK, _D), _half_map),
        pl.BlockSpec((_RBLK, 1), lambda i: (i, 0)),
    ],
    out_specs=pl.BlockSpec((2, _RBLK, _D), lambda i: (0, i, 0)),
    out_shape=jax.ShapeDtypeStruct((2, _N, _D), _f32),
)


def _tc_mid_b_body(a0_ref, a1_ref, dis_ref, feats_ref, w0_ref, w1_ref,
                   out01_ref):
    i = pl.program_id(0)
    s0 = _fold_decode(a0_ref[...], a1_ref[...], i)
    tx1 = -dis_ref[...] * s0
    out01_ref[...] = (_dot(feats_ref[...], w0_ref[...], ((1,), (0,)))
                      + _dot(tx1, w1_ref[...], ((1,), (0,))))


_tc_mid_b = pl.pallas_call(
    _tc_mid_b_body,
    grid=(_GRID,),
    in_specs=[
        pl.BlockSpec((_RBLK, _D), _half_map),
        pl.BlockSpec((_RBLK, _D), _half_map),
        pl.BlockSpec((_RBLK, 1), lambda i: (i, 0)),
        pl.BlockSpec((_RBLK, _D), lambda i: (i, 0)),
        pl.BlockSpec((_D, _D), lambda i: (0, 0)),
        pl.BlockSpec((_D, _D), lambda i: (0, 0)),
    ],
    out_specs=pl.BlockSpec((_RBLK, _D), lambda i: (i, 0)),
    out_shape=jax.ShapeDtypeStruct((_N, _D), _f32),
)


def _tc_final_body(a0_ref, a1_ref, dis_ref, feats_ref, out01_ref, batch_ref,
                   w2_ref, bch_ref, gnw_ref, gnb_ref, gnms_ref, ow_ref, ob_ref,
                   out_ref, sums1, sums2, cnt, maxz):
    i = pl.program_id(0)

    @pl.when(i == 0)
    def _():
        sums1[...] = jnp.zeros_like(sums1)
        sums2[...] = jnp.zeros_like(sums2)
        cnt[...] = jnp.zeros_like(cnt)
        maxz[...] = jnp.full_like(maxz, -3.0e38)

    s1 = _fold_decode(a0_ref[...], a1_ref[...], i)
    tx2 = -2.0 * dis_ref[...] * s1 - feats_ref[...]
    x1 = out01_ref[...] + _dot(tx2, w2_ref[...], ((1,), (0,))) + bch_ref[...]
    x1 = jnp.clip(x1, -1.0, 1.0)

    bcol = batch_ref[...]
    iota = lax.broadcasted_iota(jnp.int32, (1, _B), 1).astype(_f32)
    onehot = (bcol == iota).astype(_f32)
    cnt[...] += _dot(onehot, jnp.ones((_RBLK, 1), _f32), ((0,), (0,)))
    sums1[...] += _dot(onehot, x1, ((0,), (0,)))
    sums2[...] += _dot(onehot, x1 * x1, ((0,), (0,)))

    sign = jnp.where(gnw_ref[...] >= 0, 1.0, -1.0)
    z = x1 * sign
    for b in range(_B):
        mb = jnp.max(jnp.where(bcol == float(b), z, -3.0e38), axis=0)
        maxz[b, :] = jnp.maximum(maxz[b, :], mb)

    @pl.when(i == _GRID - 1)
    def _():
        cn = cnt[...]
        m1 = sums1[...] / cn
        m2 = sums2[...] / cn
        ms = gnms_ref[...]
        w = gnw_ref[...]
        var = m2 - (2.0 * ms - ms * ms) * m1 * m1
        std = jnp.sqrt(var + _EPS)
        pooled = (jnp.abs(w) * maxz[...] - w * ms * m1) / std + gnb_ref[...]
        out_ref[...] = _dot(pooled, ow_ref[...], ((1,), (1,))) + ob_ref[...]


_tc_final = pl.pallas_call(
    _tc_final_body,
    grid=(_GRID,),
    in_specs=[
        pl.BlockSpec((_RBLK, _D), _half_map),
        pl.BlockSpec((_RBLK, _D), _half_map),
        pl.BlockSpec((_RBLK, 1), lambda i: (i, 0)),
        pl.BlockSpec((_RBLK, _D), lambda i: (i, 0)),
        pl.BlockSpec((_RBLK, _D), lambda i: (i, 0)),
        pl.BlockSpec((_RBLK, 1), lambda i: (i, 0)),
        pl.BlockSpec((_D, _D), lambda i: (0, 0)),
        pl.BlockSpec((1, _D), lambda i: (0, 0)),
        pl.BlockSpec((1, _D), lambda i: (0, 0)),
        pl.BlockSpec((1, _D), lambda i: (0, 0)),
        pl.BlockSpec((1, _D), lambda i: (0, 0)),
        pl.BlockSpec((_D, _D), lambda i: (0, 0)),
        pl.BlockSpec((1, _D), lambda i: (0, 0)),
    ],
    out_specs=pl.BlockSpec((_B, _D), lambda i: (0, 0)),
    out_shape=jax.ShapeDtypeStruct((_B, _D), _f32),
    scratch_shapes=[
        pltpu.VMEM((_B, _D), _f32),
        pltpu.VMEM((_B, _D), _f32),
        pltpu.VMEM((_B, 1), _f32),
        pltpu.VMEM((_B, _D), _f32),
    ],
)


def kernel(x, edge_index, W_cheb, b_cheb, gn_weight, gn_bias, gn_mean_scale,
           out_W, out_b):
    feats = x[:, :_D]
    batchf = x[:, -1:]
    src = edge_index[0]
    dst = edge_index[1]
    srcd = src.reshape(_NW, _DNCH, _DCH)
    src2 = src.reshape(_E // _D, _D)
    dst2 = dst.reshape(_E // _D, _D)
    gi0 = src

    dega, degb = _sc_deg(srcd)
    gi1, df = _tc_idx(src2, dst2)
    dis, gst0 = _tc_prep(dega.reshape(_N, 1), degb.reshape(_N, 1), feats)
    gi1 = gi1.reshape(_E)
    df = df.reshape(_E)

    a0, a1 = _sc_scatter(gst0.reshape(2 * _N, _D), gi0, gi1, df)
    gst1 = _tc_mid_a(a0, a1, dis)
    b0, b1 = _sc_scatter(gst1.reshape(2 * _N, _D), gi0, gi1, df)
    out01 = _tc_mid_b(a0, a1, dis, feats, W_cheb[0], W_cheb[1])
    row = lambda v: v.reshape(1, _D)
    return _tc_final(b0, b1, dis, feats, out01, batchf, W_cheb[2],
                     row(b_cheb), row(gn_weight), row(gn_bias),
                     row(gn_mean_scale), out_W, row(out_b))

# --- scband reference (transcript-rebuilt; emitter-appended) ---
"""Pipeline reference for scband-multi-ga-t-53008486367317 (READ-ONLY COPY).

The authoritative reference and input builder live on the scoring server;
editing this copy changes nothing except your own understanding.
"""

import jax, jax.numpy as jnp
import numpy as np

N = 10000
E = 320000
D_IN = 128
HD = 128
K = 3
B = 16
OUT_DIM = 128
EPS = 1e-5


def setup_inputs(seed: int = 0) -> dict:
    key = jax.random.key(seed)
    ks = jax.random.split(key, 8)
    feats = jax.random.normal(ks[0], (N, 4 * D_IN), dtype=jnp.float32)
    batch = jnp.sort(jax.random.randint(ks[1], (N,), 0, B))
    x = jnp.concatenate([feats, batch.astype(jnp.float32)[:, None]], axis=1)
    edge_index = jax.random.randint(ks[2], (2, E), 0, N)
    glorot = float(np.sqrt(6.0 / (D_IN + HD)))
    W_cheb = jax.random.uniform(ks[3], (K, D_IN, HD), dtype=jnp.float32, minval=-glorot, maxval=glorot)
    b_cheb = jnp.zeros((HD,), dtype=jnp.float32)
    gn_weight = jnp.ones((HD,), dtype=jnp.float32)
    gn_bias = jnp.zeros((HD,), dtype=jnp.float32)
    gn_mean_scale = jnp.ones((HD,), dtype=jnp.float32)
    lim = float(np.sqrt(1.0 / HD))
    out_W = jax.random.uniform(ks[4], (OUT_DIM, HD), dtype=jnp.float32, minval=-lim, maxval=lim)
    out_b = jnp.zeros((OUT_DIM,), dtype=jnp.float32)
    return {"x": x, "edge_index": edge_index, "W_cheb": W_cheb, "b_cheb": b_cheb,
            "gn_weight": gn_weight, "gn_bias": gn_bias, "gn_mean_scale": gn_mean_scale,
            "out_W": out_W, "out_b": out_b}


def _cheb_norm(edge_index):
    # PyG ChebConv.__norm__ with normalization='sym', lambda_max=2.0 (default):
    # L = I - D^-1/2 A D^-1/2; scaled L_hat = 2L/lambda_max - I = -D^-1/2 A D^-1/2
    # (diagonal terms become exactly 0 and drop out of the propagation)
    src = edge_index[0]
    dst = edge_index[1]
    w = jnp.ones((E,), jnp.float32)
    deg = jax.ops.segment_sum(w, src, num_segments=N)
    dis = jnp.where(deg > 0, 1.0 / jnp.sqrt(jnp.where(deg > 0, deg, 1.0)), 0.0)
    norm = -dis[src] * w * dis[dst]
    return src, dst, norm


def reference(x, edge_index, W_cheb, b_cheb, gn_weight, gn_bias, gn_mean_scale, out_W, out_b):
    batch = x[:, -1].astype(jnp.int32)
    feats = x[:, :D_IN]
    src, dst, norm = _cheb_norm(edge_index)

    def spmv(h):
        return jax.ops.segment_sum(norm[:, None] * h[src], dst, num_segments=N)

    # ChebConv, K=3: out = Tx0 W0 + Tx1 W1 + Tx2 W2 + b
    Tx0 = feats
    out = Tx0 @ W_cheb[0]
    Tx1 = spmv(Tx0)
    out = out + Tx1 @ W_cheb[1]
    Tx2 = 2.0 * spmv(Tx1) - Tx0
    out = out + Tx2 @ W_cheb[2]
    out = out + b_cheb

    # Hardtanh
    x1 = jnp.clip(out, -1.0, 1.0)

    # GraphNorm (per-graph): weight * (x - mean_scale*mean) / sqrt(var + eps) + bias
    ones = jnp.ones((N,), jnp.float32)
    counts = jax.ops.segment_sum(ones, batch, num_segments=B)
    mean = jax.ops.segment_sum(x1, batch, num_segments=B) / counts[:, None]
    centered = x1 - gn_mean_scale[None, :] * mean[batch]
    var = jax.ops.segment_sum(centered * centered, batch, num_segments=B) / counts[:, None]
    std = jnp.sqrt(var + EPS)
    x1n = gn_weight[None, :] * centered / std[batch] + gn_bias[None, :]

    # AlphaDropout in eval mode = identity
    # global_max_pool
    pooled = jax.ops.segment_max(x1n, batch, num_segments=B)

    # outLayer
    return pooled @ out_W.T + out_b

if __name__ == "__main__":
    import jax
    _d = setup_inputs()
    print(jax.jit(kernel)(*tuple(_d.values())))

</pallas_src>

<mosaic_0001>
#map = affine_map<(d0, d1) -> (0, 0)>
#map1 = affine_map<(d0, d1) -> (0)>
module attributes {stable_mosaic.version = 14 : i64} {
  func.func @_sc_scatter(%arg0: i32, %arg1: i32, %arg2: memref<20000x128xf32, #tpu.memory_space<hbm>>, %arg3: memref<320000xi32, #tpu.memory_space<hbm>>, %arg4: memref<320000xi32, #tpu.memory_space<hbm>>, %arg5: memref<320000xi32, #tpu.memory_space<hbm>>, %arg6: memref<5000x128xf32, #tpu.memory_space<hbm>>, %arg7: memref<5000x128xf32, #tpu.memory_space<hbm>>, %arg8: memref<1600xi32, #tpu.memory_space<vmem>>, %arg9: memref<1600xi32, #tpu.memory_space<vmem>>, %arg10: memref<96x128xf32, #tpu.memory_space<vmem>>, %arg11: memref<5008x128xf32, #tpu.memory_space<vmem_shared>>, %arg12: memref<!tpu.dma_semaphore, #tpu.memory_space<semaphore_mem>>, %arg13: memref<!tpu.dma_semaphore, #tpu.memory_space<semaphore_mem>>, %arg14: memref<!tpu.dma_semaphore, #tpu.memory_space<semaphore_mem>>, %arg15: memref<!tpu.dma_semaphore, #tpu.memory_space<semaphore_mem>>, %arg16: memref<!tpu.dma_semaphore, #tpu.memory_space<semaphore_mem>>, %arg17: memref<!tpu.dma_semaphore, #tpu.memory_space<semaphore_mem>>, %arg18: memref<!tpu.dma_semaphore, #tpu.memory_space<semaphore_mem>>) attributes {dimension_semantics = [#tpu.dimension_semantics<core_parallel>, #tpu.dimension_semantics<subcore_parallel>], iteration_bounds = array<i64: 2, 16>, scalar_prefetch = 0 : i64, scratch_operands = 11 : i64, tpu.core_type = #tpu.core_type<sc_vector_subcore>, window_params = [{transform_indices = #map}, {transform_indices = #map1}, {transform_indices = #map1}, {transform_indices = #map1}, {transform_indices = #map}, {transform_indices = #map}]} {
    %mul3A = arith.constant 20000 : i32
    %mul3A_0 = arith.muli %arg1, %mul3A : i32
    %add3A = arith.constant 0 : i32
    %add3A_1 = arith.addi %mul3A_0, %add3A : i32
    %eq3A = arith.constant 0 : i32
    %eq3A_2 = arith.cmpi eq, %arg0, %eq3A : i32
    %convert_element_type3A = arith.extui %eq3A_2 : i1 to i32
    %cond3A = arith.constant 0 : i32
    %cond3A_3 = arith.cmpi ne, %convert_element_type3A, %cond3A : i32
    scf.if %cond3A_3 {
      %dma_start3A_90 = arith.constant 0 : i32
      %dma_start3A_91 = tpu.memref_slice %arg8[%dma_start3A_90] : memref<1600xi32, #tpu.memory_space<vmem>> -> memref<800xi32, #tpu.memory_space<vmem>>
      %dma_start3A_92 = tpu.memref_slice %arg3[%add3A_1] : memref<320000xi32, #tpu.memory_space<hbm>> -> memref<800xi32, #tpu.memory_space<hbm>>
      %dma_start3A_93 = arith.constant 0 : i32
      %dma_start3A_94 = tpu.memref_slice %arg8[%dma_start3A_93] : memref<1600xi32, #tpu.memory_space<vmem>> -> memref<800xi32, #tpu.memory_space<vmem>>
      %dma_start3A_95 = tpu.memref_slice %arg3[%add3A_1] : memref<320000xi32, #tpu.memory_space<hbm>> -> memref<800xi32, #tpu.memory_space<hbm>>
      tpu.enqueue_dma source(%dma_start3A_95 : memref<800xi32, #tpu.memory_space<hbm>>) target(%dma_start3A_94 : memref<800xi32, #tpu.memory_space<vmem>>) target_semaphore(%arg18 : memref<!tpu.dma_semaphore, #tpu.memory_space<semaphore_mem>>)
    } else {
    }
    %eq3A_4 = arith.constant 1 : i32
    %eq3A_5 = arith.cmpi eq, %arg0, %eq3A_4 : i32
    %convert_element_type3A_6 = arith.extui %eq3A_5 : i1 to i32
    %cond3A_7 = arith.constant 0 : i32
    %cond3A_8 = arith.cmpi ne, %convert_element_type3A_6, %cond3A_7 : i32
    scf.if %cond3A_8 {
      %dma_start3A_90 = arith.constant 0 : i32
      %dma_start3A_91 = tpu.memref_slice %arg8[%dma_start3A_90] : memref<1600xi32, #tpu.memory_space<vmem>> -> memref<800xi32, #tpu.memory_space<vmem>>
      %dma_start3A_92 = tpu.memref_slice %arg4[%add3A_1] : memref<320000xi32, #tpu.memory_space<hbm>> -> memref<800xi32, #tpu.memory_space<hbm>>
      %dma_start3A_93 = arith.constant 0 : i32
      %dma_start3A_94 = tpu.memref_slice %arg8[%dma_start3A_93] : memref<1600xi32, #tpu.memory_space<vmem>> -> memref<800xi32, #tpu.memory_space<vmem>>
      %dma_start3A_95 = tpu.memref_slice %arg4[%add3A_1] : memref<320000xi32, #tpu.memory_space<hbm>> -> memref<800xi32, #tpu.memory_space<hbm>>
      tpu.enqueue_dma source(%dma_start3A_95 : memref<800xi32, #tpu.memory_space<hbm>>) target(%dma_start3A_94 : memref<800xi32, #tpu.memory_space<vmem>>) target_semaphore(%arg18 : memref<!tpu.dma_semaphore, #tpu.memory_space<semaphore_mem>>)
    } else {
    }
    %dma_start3A = arith.constant 0 : i32
    %dma_start3A_9 = tpu.memref_slice %arg9[%dma_start3A] : memref<1600xi32, #tpu.memory_space<vmem>> -> memref<800xi32, #tpu.memory_space<vmem>>
    %dma_start3A_10 = tpu.memref_slice %arg5[%add3A_1] : memref<320000xi32, #tpu.memory_space<hbm>> -> memref<800xi32, #tpu.memory_space<hbm>>
    %dma_start3A_11 = arith.constant 0 : i32
    %dma_start3A_12 = tpu.memref_slice %arg9[%dma_start3A_11] : memref<1600xi32, #tpu.memory_space<vmem>> -> memref<800xi32, #tpu.memory_space<vmem>>
    %dma_start3A_13 = tpu.memref_slice %arg5[%add3A_1] : memref<320000xi32, #tpu.memory_space<hbm>> -> memref<800xi32, #tpu.memory_space<hbm>>
    tpu.enqueue_dma source(%dma_start3A_13 : memref<800xi32, #tpu.memory_space<hbm>>) target(%dma_start3A_12 : memref<800xi32, #tpu.memory_space<vmem>>) target_semaphore(%arg18 : memref<!tpu.dma_semaphore, #tpu.memory_space<semaphore_mem>>)
    %add3A_14 = arith.constant 800 : i32
    %add3A_15 = arith.addi %mul3A_0, %add3A_14 : i32
    %eq3A_16 = arith.constant 0 : i32
    %eq3A_17 = arith.cmpi eq, %arg0, %eq3A_16 : i32
    %convert_element_type3A_18 = arith.extui %eq3A_17 : i1 to i32
    %cond3A_19 = arith.constant 0 : i32
    %cond3A_20 = arith.cmpi ne, %convert_element_type3A_18, %cond3A_19 : i32
    scf.if %cond3A_20 {
      %dma_start3A_90 = arith.constant 800 : i32
      %dma_start3A_91 = tpu.memref_slice %arg8[%dma_start3A_90] : memref<1600xi32, #tpu.memory_space<vmem>> -> memref<800xi32, #tpu.memory_space<vmem>>
      %dma_start3A_92 = tpu.memref_slice %arg3[%add3A_15] : memref<320000xi32, #tpu.memory_space<hbm>> -> memref<800xi32, #tpu.memory_space<hbm>>
      %dma_start3A_93 = arith.constant 800 : i32
      %dma_start3A_94 = tpu.memref_slice %arg8[%dma_start3A_93] : memref<1600xi32, #tpu.memory_space<vmem>> -> memref<800xi32, #tpu.memory_space<vmem>>
      %dma_start3A_95 = tpu.memref_slice %arg3[%add3A_15] : memref<320000xi32, #tpu.memory_space<hbm>> -> memref<800xi32, #tpu.memory_space<hbm>>
      tpu.enqueue_dma source(%dma_start3A_95 : memref<800xi32, #tpu.memory_space<hbm>>) target(%dma_start3A_94 : memref<800xi32, #tpu.memory_space<vmem>>) target_semaphore(%arg18 : memref<!tpu.dma_semaphore, #tpu.memory_space<semaphore_mem>>)
    } else {
    }
    %eq3A_21 = arith.constant 1 : i32
    %eq3A_22 = arith.cmpi eq, %arg0, %eq3A_21 : i32
    %convert_element_type3A_23 = arith.extui %eq3A_22 : i1 to i32
    %cond3A_24 = arith.constant 0 : i32
    %cond3A_25 = arith.cmpi ne, %convert_element_type3A_23, %cond3A_24 : i32
    scf.if %cond3A_25 {
      %dma_start3A_90 = arith.constant 800 : i32
      %dma_start3A_91 = tpu.memref_slice %arg8[%dma_start3A_90] : memref<1600xi32, #tpu.memory_space<vmem>> -> memref<800xi32, #tpu.memory_space<vmem>>
      %dma_start3A_92 = tpu.memref_slice %arg4[%add3A_15] : memref<320000xi32, #tpu.memory_space<hbm>> -> memref<800xi32, #tpu.memory_space<hbm>>
      %dma_start3A_93 = arith.constant 800 : i32
      %dma_start3A_94 = tpu.memref_slice %arg8[%dma_start3A_93] : memref<1600xi32, #tpu.memory_space<vmem>> -> memref<800xi32, #tpu.memory_space<vmem>>
      %dma_start3A_95 = tpu.memref_slice %arg4[%add3A_15] : memref<320000xi32, #tpu.memory_space<hbm>> -> memref<800xi32, #tpu.memory_space<hbm>>
      tpu.enqueue_dma source(%dma_start3A_95 : memref<800xi32, #tpu.memory_space<hbm>>) target(%dma_start3A_94 : memref<800xi32, #tpu.memory_space<vmem>>) target_semaphore(%arg18 : memref<!tpu.dma_semaphore, #tpu.memory_space<semaphore_mem>>)
    } else {
    }
    %dma_start3A_26 = arith.constant 800 : i32
    %dma_start3A_27 = tpu.memref_slice %arg9[%dma_start3A_26] : memref<1600xi32, #tpu.memory_space<vmem>> -> memref<800xi32, #tpu.memory_space<vmem>>
    %dma_start3A_28 = tpu.memref_slice %arg5[%add3A_15] : memref<320000xi32, #tpu.memory_space<hbm>> -> memref<800xi32, #tpu.memory_space<hbm>>
    %dma_start3A_29 = arith.constant 800 : i32
    %dma_start3A_30 = tpu.memref_slice %arg9[%dma_start3A_29] : memref<1600xi32, #tpu.memory_space<vmem>> -> memref<800xi32, #tpu.memory_space<vmem>>
    %dma_start3A_31 = tpu.memref_slice %arg5[%add3A_15] : memref<320000xi32, #tpu.memory_space<hbm>> -> memref<800xi32, #tpu.memory_space<hbm>>
    tpu.enqueue_dma source(%dma_start3A_31 : memref<800xi32, #tpu.memory_space<hbm>>) target(%dma_start3A_30 : memref<800xi32, #tpu.memory_space<vmem>>) target_semaphore(%arg18 : memref<!tpu.dma_semaphore, #tpu.memory_space<semaphore_mem>>)
    %broadcast_in_dim3A = arith.constant 0.000000e+00 : f32
    %broadcast_in_dim3A_32 = vector.broadcast %broadcast_in_dim3A : f32 to vector<16xf32>
    %scan3A = arith.constant 0 : i32
    %scan3A_33 = arith.constant 0 : i32
    %scan3A_34 = arith.constant 16 : i32
    %scan3A_35 = arith.addi %scan3A_33, %scan3A_34 : i32
    %scan3A_36 = arith.constant 1 : i32
    %scan3A_37 = scf.for %scan3A_90 = %scan3A_33 to %scan3A_35 step %scan3A_36 iter_args(%scan3A_91 = %scan3A) -> (i32)  : i32 {
      %swap3A = arith.index_cast %scan3A_90 : i32 to index
      %swap3A_92 = arith.constant 0 : index
      %swap3A_93 = tpu.vector_load %arg10[%swap3A, %swap3A_92] {strides = array<i32>} : memref<96x128xf32, #tpu.memory_space<vmem>>, vector<1x16xf32>,
      %swap3A_94 = vector.shape_cast %swap3A_93 : vector<1x16xf32> to vector<16xf32>
      %swap3A_95 = vector.shape_cast %broadcast_in_dim3A_32 : vector<16xf32> to vector<1x16xf32>
      tpu.vector_store %arg10[%swap3A, %swap3A_92], %swap3A_95 {strides = array<i32>} : memref<96x128xf32, #tpu.memory_space<vmem>>, vector<1x16xf32>,
      %swap3A_96 = arith.index_cast %scan3A_90 : i32 to index
      %swap3A_97 = arith.constant 16 : index
      %swap3A_98 = tpu.vector_load %arg10[%swap3A_96, %swap3A_97] {strides = array<i32>} : memref<96x128xf32, #tpu.memory_space<vmem>>, vector<1x16xf32>,
      %swap3A_99 = vector.shape_cast %swap3A_98 : vector<1x16xf32> to vector<16xf32>
      %swap3A_100 = vector.shape_cast %broadcast_in_dim3A_32 : vector<16xf32> to vector<1x16xf32>
      tpu.vector_store %arg10[%swap3A_96, %swap3A_97], %swap3A_100 {strides = array<i32>} : memref<96x128xf32, #tpu.memory_space<vmem>>, vector<1x16xf32>,
      %swap3A_101 = arith.index_cast %scan3A_90 : i32 to index
      %swap3A_102 = arith.constant 32 : index
      %swap3A_103 = tpu.vector_load %arg10[%swap3A_101, %swap3A_102] {strides = array<i32>} : memref<96x128xf32, #tpu.memory_space<vmem>>, vector<1x16xf32>,
      %swap3A_104 = vector.shape_cast %swap3A_103 : vector<1x16xf32> to vector<16xf32>
      %swap3A_105 = vector.shape_cast %broadcast_in_dim3A_32 : vector<16xf32> to vector<1x16xf32>
      tpu.vector_store %arg10[%swap3A_101, %swap3A_102], %swap3A_105 {strides = array<i32>} : memref<96x128xf32, #tpu.memory_space<vmem>>, vector<1x16xf32>,
      %swap3A_106 = arith.index_cast %scan3A_90 : i32 to index
      %swap3A_107 = arith.constant 48 : index
      %swap3A_108 = tpu.vector_load %arg10[%swap3A_106, %swap3A_107] {strides = array<i32>} : memref<96x128xf32, #tpu.memory_space<vmem>>, vector<1x16xf32>,
      %swap3A_109 = vector.shape_cast %swap3A_108 : vector<1x16xf32> to vector<16xf32>
      %swap3A_110 = vector.shape_cast %broadcast_in_dim3A_32 : vector<16xf32> to vector<1x16xf32>
      tpu.vector_store %arg10[%swap3A_106, %swap3A_107], %swap3A_110 {strides = array<i32>} : memref<96x128xf32, #tpu.memory_space<vmem>>, vector<1x16xf32>,
      %swap3A_111 = arith.index_cast %scan3A_90 : i32 to index
      %swap3A_112 = arith.constant 64 : index
      %swap3A_113 = tpu.vector_load %arg10[%swap3A_111, %swap3A_112] {strides = array<i32>} : memref<96x128xf32, #tpu.memory_space<vmem>>, vector<1x16xf32>,
      %swap3A_114 = vector.shape_cast %swap3A_113 : vector<1x16xf32> to vector<16xf32>
      %swap3A_115 = vector.shape_cast %broadcast_in_dim3A_32 : vector<16xf32> to vector<1x16xf32>
      tpu.vector_store %arg10[%swap3A_111, %swap3A_112], %swap3A_115 {strides = array<i32>} : memref<96x128xf32, #tpu.memory_space<vmem>>, vector<1x16xf32>,
      %swap3A_116 = arith.index_cast %scan3A_90 : i32 to index
      %swap3A_117 = arith.constant 80 : index
      %swap3A_118 = tpu.vector_load %arg10[%swap3A_116, %swap3A_117] {strides = array<i32>} : memref<96x128xf32, #tpu.memory_space<vmem>>, vector<1x16xf32>,
      %swap3A_119 = vector.shape_cast %swap3A_118 : vector<1x16xf32> to vector<16xf32>
      %swap3A_120 = vector.shape_cast %broadcast_in_dim3A_32 : vector<16xf32> to vector<1x16xf32>
      tpu.vector_store %arg10[%swap3A_116, %swap3A_117], %swap3A_120 {strides = array<i32>} : memref<96x128xf32, #tpu.memory_space<vmem>>, vector<1x16xf32>,
      %swap3A_121 = arith.index_cast %scan3A_90 : i32 to index
      %swap3A_122 = arith.constant 96 : index
      %swap3A_123 = tpu.vector_load %arg10[%swap3A_121, %swap3A_122] {strides = array<i32>} : memref<96x128xf32, #tpu.memory_space<vmem>>, vector<1x16xf32>,
      %swap3A_124 = vector.shape_cast %swap3A_123 : vector<1x16xf32> to vector<16xf32>
      %swap3A_125 = vector.shape_cast %broadcast_in_dim3A_32 : vector<16xf32> to vector<1x16xf32>
      tpu.vector_store %arg10[%swap3A_121, %swap3A_122], %swap3A_125 {strides = array<i32>} : memref<96x128xf32, #tpu.memory_space<vmem>>, vector<1x16xf32>,
      %swap3A_126 = arith.index_cast %scan3A_90 : i32 to index
      %swap3A_127 = arith.constant 112 : index
      %swap3A_128 = tpu.vector_load %arg10[%swap3A_126, %swap3A_127] {strides = array<i32>} : memref<96x128xf32, #tpu.memory_space<vmem>>, vector<1x16xf32>,
      %swap3A_129 = vector.shape_cast %swap3A_128 : vector<1x16xf32> to vector<16xf32>
      %swap3A_130 = vector.shape_cast %broadcast_in_dim3A_32 : vector<16xf32> to vector<1x16xf32>
      tpu.vector_store %arg10[%swap3A_126, %swap3A_127], %swap3A_130 {strides = array<i32>} : memref<96x128xf32, #tpu.memory_space<vmem>>, vector<1x16xf32>,
      %scan3A_131 = arith.constant 0 : i32
      scf.yield %scan3A_131 : i32
    }
    %scan3A_38 = arith.constant 16 : i32
    %scan3A_39 = arith.constant 0 : i32
    %scan3A_40 = arith.constant 0 : i32
    %scan3A_41 = arith.constant 20 : i32
    %scan3A_42 = arith.addi %scan3A_40, %scan3A_41 : i32
    %scan3A_43 = arith.constant 1 : i32
    %scan3A_44 = scf.for %scan3A_90 = %scan3A_40 to %scan3A_42 step %scan3A_43 iter_args(%scan3A_91 = %scan3A_39) -> (i32)  : i32 {
      %mul3A_92 = arith.constant 16 : i32
      %mul3A_93 = arith.muli %mul3A_92, %scan3A_90 : i32
      %add3A_94 = arith.addi %arg1, %mul3A_93 : i32
      %lt3A = arith.constant 313 : i32
      %lt3A_95 = arith.cmpi slt, %add3A_94, %lt3A : i32
      %convert_element_type3A_96 = arith.extui %lt3A_95 : i1 to i32
      %cond3A_97 = arith.constant 0 : i32
      %cond3A_98 = arith.cmpi ne, %convert_element_type3A_96, %cond3A_97 : i32
      scf.if %cond3A_98 {
        %mul3A_100 = arith.constant 16 : i32
        %mul3A_101 = arith.muli %add3A_94, %mul3A_100 : i32
        "tpu.region"() ({
          %run_scoped3A = tpu.sem_alloc : memref<!tpu.dma_semaphore, #tpu.memory_space<semaphore_mem>>
          %dma_start3A_102 = arith.constant 0 : i32
          %dma_start3A_103 = arith.constant 0 : i32
          %dma_start3A_104 = tpu.memref_slice %arg10[%dma_start3A_102, %dma_start3A_103] : memref<96x128xf32, #tpu.memory_space<vmem>> -> memref<16x128xf32, #tpu.memory_space<vmem>>
          %dma_start3A_105 = arith.constant 0 : i32
          %dma_start3A_106 = tpu.memref_slice %arg11[%mul3A_101, %dma_start3A_105] : memref<5008x128xf32, #tpu.memory_space<vmem_shared>> -> memref<16x128xf32, #tpu.memory_space<vmem_shared>>
          %dma_start3A_107 = arith.constant 0 : i32
          %dma_start3A_108 = tpu.memref_slice %arg11[%mul3A_101, %dma_start3A_107] : memref<5008x128xf32, #tpu.memory_space<vmem_shared>> -> memref<16x128xf32, #tpu.memory_space<vmem_shared>>
          %dma_start3A_109 = arith.constant 0 : i32
          %dma_start3A_110 = arith.constant 0 : i32
          %dma_start3A_111 = tpu.memref_slice %arg10[%dma_start3A_109, %dma_start3A_110] : memref<96x128xf32, #tpu.memory_space<vmem>> -> memref<16x128xf32, #tpu.memory_space<vmem>>
          tpu.enqueue_dma source(%dma_start3A_111 : memref<16x128xf32, #tpu.memory_space<vmem>>) target(%dma_start3A_108 : memref<16x128xf32, #tpu.memory_space<vmem_shared>>) target_semaphore(%run_scoped3A : memref<!tpu.dma_semaphore, #tpu.memory_space<semaphore_mem>>)
          %dma_wait3A_112 = arith.constant 0 : i32
          %dma_wait3A_113 = arith.constant 0 : i32
          %dma_wait3A_114 = tpu.memref_slice %arg10[%dma_wait3A_112, %dma_wait3A_113] : memref<96x128xf32, #tpu.memory_space<vmem>> -> memref<16x128xf32, #tpu.memory_space<vmem>>
          %dma_wait3A_115 = arith.constant 0 : i32
          %dma_wait3A_116 = tpu.memref_slice %arg11[%mul3A_101, %dma_wait3A_115] : memref<5008x128xf32, #tpu.memory_space<vmem_shared>> -> memref<16x128xf32, #tpu.memory_space<vmem_shared>>
          %dma_wait3A_117 = arith.constant 0 : i32
          %dma_wait3A_118 = tpu.memref_slice %arg11[%mul3A_101, %dma_wait3A_117] : memref<5008x128xf32, #tpu.memory_space<vmem_shared>> -> memref<16x128xf32, #tpu.memory_space<vmem_shared>>
          %dma_wait3A_119 = arith.constant 0 : i32
          %dma_wait3A_120 = arith.constant 0 : i32
          %dma_wait3A_121 = tpu.memref_slice %arg10[%dma_wait3A_119, %dma_wait3A_120] : memref<96x128xf32, #tpu.memory_space<vmem>> -> memref<16x128xf32, #tpu.memory_space<vmem>>
          tpu.wait_dma2 semaphore(%run_scoped3A : memref<!tpu.dma_semaphore, #tpu.memory_space<semaphore_mem>>) src(%dma_wait3A_121 : memref<16x128xf32, #tpu.memory_space<vmem>>) dst(%dma_wait3A_118 : memref<16x128xf32, #tpu.memory_space<vmem_shared>>)
          tpu.yield
        }) : () -> ()
      } else {
      }
      %scan3A_99 = arith.constant 0 : i32
      scf.yield %scan3A_99 : i32
    }
    %scan3A_45 = arith.constant 20 : i32
    %barrier3A = arith.constant 0 : index
    tpu.barrier barrier_id(%barrier3A)
    %dma_wait3A = tpu.memref_slice %arg5[%mul3A_0] : memref<320000xi32, #tpu.memory_space<hbm>> -> memref<3200xi32, #tpu.memory_space<hbm>>
    %dma_wait3A_46 = tpu.memref_slice %arg5[%mul3A_0] : memref<320000xi32, #tpu.memory_space<hbm>> -> memref<3200xi32, #tpu.memory_space<hbm>>
    tpu.wait_dma2 semaphore(%arg18 : memref<!tpu.dma_semaphore, #tpu.memory_space<semaphore_mem>>) src(%dma_wait3A_46 : memref<3200xi32, #tpu.memory_space<hbm>>) dst(%arg8 : memref<1600xi32, #tpu.memory_space<vmem>>)
    %dma_start3A_47 = arith.constant 0 : i32
    %dma_start3A_48 = arith.constant 0 : i32
    %dma_start3A_49 = tpu.memref_slice %arg10[%dma_start3A_47, %dma_start3A_48] : memref<96x128xf32, #tpu.memory_space<vmem>> -> memref<32x128xf32, #tpu.memory_space<vmem>>
    %dma_start3A_50 = arith.constant 0 : i32
    %dma_start3A_51 = tpu.memref_slice %arg8[%dma_start3A_50] : memref<1600xi32, #tpu.memory_space<vmem>> -> memref<32xi32, #tpu.memory_space<vmem>>
    %dma_start3A_52 = arith.constant 0 : i32
    %dma_start3A_53 = arith.constant 0 : i32
    %dma_start3A_54 = tpu.memref_slice %arg2[%dma_start3A_52, %dma_start3A_53] : memref<20000x128xf32, #tpu.memory_space<hbm>> -> memref<20000x128xf32, #tpu.memory_space<hbm>>
    tpu.enqueue_indirect_dma source(%dma_start3A_54 : memref<20000x128xf32, #tpu.memory_space<hbm>>) target(%dma_start3A_49 : memref<32x128xf32, #tpu.memory_space<vmem>>) offsets(%dma_start3A_51 : memref<32xi32, #tpu.memory_space<vmem>>) semaphore(%arg12 : memref<!tpu.dma_semaphore, #tpu.memory_space<semaphore_mem>>)
    %dma_start3A_55 = arith.constant 32 : i32
    %dma_start3A_56 = arith.constant 0 : i32
    %dma_start3A_57 = tpu.memref_slice %arg10[%dma_start3A_55, %dma_start3A_56] : memref<96x128xf32, #tpu.memory_space<vmem>> -> memref<32x128xf32, #tpu.memory_space<vmem>>
    %dma_start3A_58 = arith.constant 32 : i32
    %dma_start3A_59 = tpu.memref_slice %arg8[%dma_start3A_58] : memref<1600xi32, #tpu.memory_space<vmem>> -> memref<32xi32, #tpu.memory_space<vmem>>
    %dma_start3A_60 = arith.constant 0 : i32
    %dma_start3A_61 = arith.constant 0 : i32
    %dma_start3A_62 = tpu.memref_slice %arg2[%dma_start3A_60, %dma_start3A_61] : memref<20000x128xf32, #tpu.memory_space<hbm>> -> memref<20000x128xf32, #tpu.memory_space<hbm>>
    tpu.enqueue_indirect_dma source(%dma_start3A_62 : memref<20000x128xf32, #tpu.memory_space<hbm>>) target(%dma_start3A_57 : memref<32x128xf32, #tpu.memory_space<vmem>>) offsets(%dma_start3A_59 : memref<32xi32, #tpu.memory_space<vmem>>) semaphore(%arg13 : memref<!tpu.dma_semaphore, #tpu.memory_space<semaphore_mem>>)
    %scan3A_63 = arith.constant 0 : i32
    %scan3A_64 = arith.constant 0 : i32
    %scan3A_65 = arith.constant 25 : i32
    %scan3A_66 = arith.addi %scan3A_64, %scan3A_65 : i32
    %scan3A_67 = arith.constant 1 : i32
    %scan3A_68 = scf.for %scan3A_90 = %scan3A_64 to %scan3A_66 step %scan3A_67 iter_args(%scan3A_91 = %scan3A_63) -> (i32)  : i32 {
      %rem3A = arith.constant 2 : i32
      %rem3A_92 = arith.remsi %scan3A_90, %rem3A : i32
      %mul3A_93 = arith.constant 800 : i32
      %mul3A_94 = arith.muli %rem3A_92, %mul3A_93 : i32
      %sub3A = arith.constant 800 : i32
      %sub3A_95 = arith.subi %sub3A, %mul3A_94 : i32
      %ge3A = arith.constant 1 : i32
      %ge3A_96 = arith.cmpi sge, %scan3A_90, %ge3A : i32
      %add3A_97 = arith.constant 1 : i32
      %add3A_98 = arith.addi %scan3A_90, %add3A_97 : i32
      %lt3A = arith.constant 25 : i32
      %lt3A_99 = arith.cmpi slt, %add3A_98, %lt3A : i32
      %and3A = arith.andi %ge3A_96, %lt3A_99 : i1
      %convert_element_type3A_100 = arith.extui %and3A : i1 to i32
      %cond3A_101 = arith.constant 0 : i32
      %cond3A_102 = arith.cmpi ne, %convert_element_type3A_100, %cond3A_101 : i32
      scf.if %cond3A_102 {
        %add3A_111 = arith.constant 1 : i32
        %add3A_112 = arith.addi %scan3A_90, %add3A_111 : i32
        %add3A_113 = arith.constant 1 : i32
        %add3A_114 = arith.addi %scan3A_90, %add3A_113 : i32
        %rem3A_115 = arith.constant 2 : i32
        %rem3A_116 = arith.remsi %add3A_114, %rem3A_115 : i32
        %mul3A_117 = arith.constant 800 : i32
        %mul3A_118 = arith.muli %add3A_112, %mul3A_117 : i32
        %add3A_119 = arith.addi %mul3A_0, %mul3A_118 : i32
        %mul3A_120 = arith.constant 800 : i32
        %mul3A_121 = arith.muli %rem3A_116, %mul3A_120 : i32
        %eq3A_122 = arith.constant 0 : i32
        %eq3A_123 = arith.cmpi eq, %arg0, %eq3A_122 : i32
        %convert_element_type3A_124 = arith.extui %eq3A_123 : i1 to i32
        %cond3A_125 = arith.constant 0 : i32
        %cond3A_126 = arith.cmpi ne, %convert_element_type3A_124, %cond3A_125 : i32
        scf.if %cond3A_126 {
          %dma_start3A_136 = tpu.memref_slice %arg8[%mul3A_121] : memref<1600xi32, #tpu.memory_space<vmem>> -> memref<800xi32, #tpu.memory_space<vmem>>
          %dma_start3A_137 = tpu.memref_slice %arg3[%add3A_119] : memref<320000xi32, #tpu.memory_space<hbm>> -> memref<800xi32, #tpu.memory_space<hbm>>
          %dma_start3A_138 = tpu.memref_slice %arg8[%mul3A_121] : memref<1600xi32, #tpu.memory_space<vmem>> -> memref<800xi32, #tpu.memory_space<vmem>>
          %dma_start3A_139 = tpu.memref_slice %arg3[%add3A_119] : memref<320000xi32, #tpu.memory_space<hbm>> -> memref<800xi32, #tpu.memory_space<hbm>>
          tpu.enqueue_dma source(%dma_start3A_139 : memref<800xi32, #tpu.memory_space<hbm>>) target(%dma_start3A_138 : memref<800xi32, #tpu.memory_space<vmem>>) target_semaphore(%arg18 : memref<!tpu.dma_semaphore, #tpu.memory_space<semaphore_mem>>)
        } else {
        }
        %eq3A_127 = arith.constant 1 : i32
        %eq3A_128 = arith.cmpi eq, %arg0, %eq3A_127 : i32
        %convert_element_type3A_129 = arith.extui %eq3A_128 : i1 to i32
        %cond3A_130 = arith.constant 0 : i32
        %cond3A_131 = arith.cmpi ne, %convert_element_type3A_129, %cond3A_130 : i32
        scf.if %cond3A_131 {
          %dma_start3A_136 = tpu.memref_slice %arg8[%mul3A_121] : memref<1600xi32, #tpu.memory_space<vmem>> -> memref<800xi32, #tpu.memory_space<vmem>>
          %dma_start3A_137 = tpu.memref_slice %arg4[%add3A_119] : memref<320000xi32, #tpu.memory_space<hbm>> -> memref<800xi32, #tpu.memory_space<hbm>>
          %dma_start3A_138 = tpu.memref_slice %arg8[%mul3A_121] : memref<1600xi32, #tpu.memory_space<vmem>> -> memref<800xi32, #tpu.memory_space<vmem>>
          %dma_start3A_139 = tpu.memref_slice %arg4[%add3A_119] : memref<320000xi32, #tpu.memory_space<hbm>> -> memref<800xi32, #tpu.memory_space<hbm>>
          tpu.enqueue_dma source(%dma_start3A_139 : memref<800xi32, #tpu.memory_space<hbm>>) target(%dma_start3A_138 : memref<800xi32, #tpu.memory_space<vmem>>) target_semaphore(%arg18 : memref<!tpu.dma_semaphore, #tpu.memory_space<semaphore_mem>>)
        } else {
        }
        %dma_start3A_132 = tpu.memref_slice %arg9[%mul3A_121] : memref<1600xi32, #tpu.memory_space<vmem>> -> memref<800xi32, #tpu.memory_space<vmem>>
        %dma_start3A_133 = tpu.memref_slice %arg5[%add3A_119] : memref<320000xi32, #tpu.memory_space<hbm>> -> memref<800xi32, #tpu.memory_space<hbm>>
        %dma_start3A_134 = tpu.memref_slice %arg9[%mul3A_121] : memref<1600xi32, #tpu.memory_space<vmem>> -> memref<800xi32, #tpu.memory_space<vmem>>
        %dma_start3A_135 = tpu.memref_slice %arg5[%add3A_119] : memref<320000xi32, #tpu.memory_space<hbm>> -> memref<800xi32, #tpu.memory_space<hbm>>
        tpu.enqueue_dma source(%dma_start3A_135 : memref<800xi32, #tpu.memory_space<hbm>>) target(%dma_start3A_134 : memref<800xi32, #tpu.memory_space<vmem>>) target_semaphore(%arg18 : memref<!tpu.dma_semaphore, #tpu.memory_space<semaphore_mem>>)
      } else {
      }
      %scan3A_103 = arith.constant 0 : i32
      %scan3A_104 = arith.constant 0 : i32
      %scan3A_105 = arith.constant 25 : i32
      %scan3A_106 = arith.addi %scan3A_104, %scan3A_105 : i32
      %scan3A_107 = arith.constant 1 : i32
      %scan3A_108 = scf.for %scan3A_111 = %scan3A_104 to %scan3A_106 step %scan3A_107 iter_args(%scan3A_112 = %scan3A_103) -> (i32)  : i32 {
        %mul3A_113 = arith.constant 32 : i32
        %mul3A_114 = arith.muli %scan3A_111, %mul3A_113 : i32
        %add3A_115 = arith.addi %mul3A_94, %mul3A_114 : i32
        %add3A_116 = arith.constant 2 : i32
        %add3A_117 = arith.addi %scan3A_111, %add3A_116 : i32
        %lt3A_118 = arith.constant 25 : i32
        %lt3A_119 = arith.cmpi slt, %add3A_117, %lt3A_118 : i32
        %mul3A_120 = arith.constant 32 : i32
        %mul3A_121 = arith.muli %add3A_117, %mul3A_120 : i32
        %add3A_122 = arith.addi %mul3A_94, %mul3A_121 : i32
        %sub3A_123 = arith.constant 25 : i32
        %sub3A_124 = arith.subi %add3A_117, %sub3A_123 : i32
        %mul3A_125 = arith.constant 32 : i32
        %mul3A_126 = arith.muli %sub3A_124, %mul3A_125 : i32
        %add3A_127 = arith.addi %sub3A_95, %mul3A_126 : i32
        %select_n3A = arith.select %lt3A_119, %add3A_122, %add3A_127 : i32
        %add3A_128 = arith.constant 1 : i32
        %add3A_129 = arith.addi %scan3A_90, %add3A_128 : i32
        %lt3A_130 = arith.constant 25 : i32
        %lt3A_131 = arith.cmpi slt, %add3A_129, %lt3A_130 : i32
        %lt3A_132 = arith.constant 25 : i32
        %lt3A_133 = arith.cmpi slt, %add3A_117, %lt3A_132 : i32
        %or3A = arith.ori %lt3A_131, %lt3A_133 : i1
        %eq3A_134 = arith.constant 25 : i32
        %eq3A_135 = arith.cmpi eq, %add3A_117, %eq3A_134 : i32
        %add3A_136 = arith.constant 1 : i32
        %add3A_137 = arith.addi %scan3A_90, %add3A_136 : i32
        %lt3A_138 = arith.constant 25 : i32
        %lt3A_139 = arith.cmpi slt, %add3A_137, %lt3A_138 : i32
        %and3A_140 = arith.andi %eq3A_135, %lt3A_139 : i1
        %convert_element_type3A_141 = arith.extui %and3A_140 : i1 to i32
        %cond3A_142 = arith.constant 0 : i32
        %cond3A_143 = arith.cmpi ne, %convert_element_type3A_141, %cond3A_142 : i32
        scf.if %cond3A_143 {
          %dma_wait3A_163 = tpu.memref_slice %arg5[%mul3A_0] : memref<320000xi32, #tpu.memory_space<hbm>> -> memref<1600xi32, #tpu.memory_space<hbm>>
          %dma_wait3A_164 = tpu.memref_slice %arg5[%mul3A_0] : memref<320000xi32, #tpu.memory_space<hbm>> -> memref<1600xi32, #tpu.memory_space<hbm>>
          tpu.wait_dma2 semaphore(%arg18 : memref<!tpu.dma_semaphore, #tpu.memory_space<semaphore_mem>>) src(%dma_wait3A_164 : memref<1600xi32, #tpu.memory_space<hbm>>) dst(%arg8 : memref<1600xi32, #tpu.memory_space<vmem>>)
        } else {
        }
        %add3A_144 = arith.addi %scan3A_90, %scan3A_111 : i32
        %rem3A_145 = arith.constant 3 : i32
        %rem3A_146 = arith.remsi %add3A_144, %rem3A_145 : i32
        %eq3A_147 = arith.constant 0 : i32
        %eq3A_148 = arith.cmpi eq, %rem3A_146, %eq3A_147 : i32
        %convert_element_type3A_149 = arith.extui %eq3A_148 : i1 to i32
        %cond3A_150 = arith.constant 0 : i32
        %cond3A_151 = arith.cmpi ne, %convert_element_type3A_149, %cond3A_150 : i32
        scf.if %cond3A_151 {
          %gt3A = arith.constant 0 : i32
          %gt3A_163 = arith.cmpi sgt, %scan3A_90, %gt3A : i32
          %gt3A_164 = arith.constant 0 : i32
          %gt3A_165 = arith.cmpi sgt, %scan3A_111, %gt3A_164 : i32
          %or3A_166 = arith.ori %gt3A_163, %gt3A_165 : i1
          %convert_element_type3A_167 = arith.extui %or3A_166 : i1 to i32
          %cond3A_168 = arith.constant 0 : i32
          %cond3A_169 = arith.cmpi ne, %convert_element_type3A_167, %cond3A_168 : i32
          scf.if %cond3A_169 {
            %dma_wait3A_201 = arith.constant 64 : i32
            %dma_wait3A_202 = arith.constant 0 : i32
            %dma_wait3A_203 = tpu.memref_slice %arg10[%dma_wait3A_201, %dma_wait3A_202] : memref<96x128xf32, #tpu.memory_space<vmem>> -> memref<32x128xf32, #tpu.memory_space<vmem>>
            %dma_wait3A_204 = arith.constant 0 : i32
            %dma_wait3A_205 = arith.constant 0 : i32
            %dma_wait3A_206 = tpu.memref_slice %arg2[%dma_wait3A_204, %dma_wait3A_205] : memref<20000x128xf32, #tpu.memory_space<hbm>> -> memref<32x128xf32, #tpu.memory_space<hbm>>
            %dma_wait3A_207 = arith.constant 64 : i32
            %dma_wait3A_208 = arith.constant 0 : i32
            %dma_wait3A_209 = tpu.memref_slice %arg10[%dma_wait3A_207, %dma_wait3A_208] : memref<96x128xf32, #tpu.memory_space<vmem>> -> memref<32x128xf32, #tpu.memory_space<vmem>>
            %dma_wait3A_210 = arith.constant 0 : i32
            %dma_wait3A_211 = arith.constant 0 : i32
            %dma_wait3A_212 = tpu.memref_slice %arg2[%dma_wait3A_210, %dma_wait3A_211] : memref<20000x128xf32, #tpu.memory_space<hbm>> -> memref<32x128xf32, #tpu.memory_space<hbm>>
            tpu.wait_dma2 semaphore(%arg17 : memref<!tpu.dma_semaphore, #tpu.memory_space<semaphore_mem>>) src(%dma_wait3A_212 : memref<32x128xf32, #tpu.memory_space<hbm>>) dst(%dma_wait3A_209 : memref<32x128xf32, #tpu.memory_space<vmem>>)
          } else {
          }
          %convert_element_type3A_170 = arith.extui %or3A : i1 to i32
          %cond3A_171 = arith.constant 0 : i32
          %cond3A_172 = arith.cmpi ne, %convert_element_type3A_170, %cond3A_171 : i32
          scf.if %cond3A_172 {
            %dma_start3A_201 = arith.constant 64 : i32
            %dma_start3A_202 = arith.constant 0 : i32
            %dma_start3A_203 = tpu.memref_slice %arg10[%dma_start3A_201, %dma_start3A_202] : memref<96x128xf32, #tpu.memory_space<vmem>> -> memref<32x128xf32, #tpu.memory_space<vmem>>
            %dma_start3A_204 = tpu.memref_slice %arg8[%select_n3A] : memref<1600xi32, #tpu.memory_space<vmem>> -> memref<32xi32, #tpu.memory_space<vmem>>
            %dma_start3A_205 = arith.constant 0 : i32
            %dma_start3A_206 = arith.constant 0 : i32
            %dma_start3A_207 = tpu.memref_slice %arg2[%dma_start3A_205, %dma_start3A_206] : memref<20000x128xf32, #tpu.memory_space<hbm>> -> memref<20000x128xf32, #tpu.memory_space<hbm>>
            tpu.enqueue_indirect_dma source(%dma_start3A_207 : memref<20000x128xf32, #tpu.memory_space<hbm>>) target(%dma_start3A_203 : memref<32x128xf32, #tpu.memory_space<vmem>>) offsets(%dma_start3A_204 : memref<32xi32, #tpu.memory_space<vmem>>) semaphore(%arg14 : memref<!tpu.dma_semaphore, #tpu.memory_space<semaphore_mem>>)
          } else {
          }
          %dma_wait3A_173 = arith.constant 0 : i32
          %dma_wait3A_174 = arith.constant 0 : i32
          %dma_wait3A_175 = tpu.memref_slice %arg10[%dma_wait3A_173, %dma_wait3A_174] : memref<96x128xf32, #tpu.memory_space<vmem>> -> memref<32x128xf32, #tpu.memory_space<vmem>>
          %dma_wait3A_176 = tpu.memref_slice %arg8[%add3A_115] : memref<1600xi32, #tpu.memory_space<vmem>> -> memref<32xi32, #tpu.memory_space<vmem>>
          %dma_wait3A_177 = arith.constant 0 : i32
          %dma_wait3A_178 = arith.constant 0 : i32
          %dma_wait3A_179 = tpu.memref_slice %arg2[%dma_wait3A_177, %dma_wait3A_178] : memref<20000x128xf32, #tpu.memory_space<hbm>> -> memref<20000x128xf32, #tpu.memory_space<hbm>>
          tpu.wait_indirect_dma semaphore(%arg12 : memref<!tpu.dma_semaphore, #tpu.memory_space<semaphore_mem>>) src(%dma_wait3A_179 : memref<20000x128xf32, #tpu.memory_space<hbm>>) dst(%dma_wait3A_175 : memref<32x128xf32, #tpu.memory_space<vmem>>)
          %add3A_180 = arith.constant 0 : i32
          %add3A_181 = arith.addi %add3A_115, %add3A_180 : i32
          %get3A = arith.index_cast %add3A_181 : i32 to index
          %get3A_182 = tpu.vector_load %arg9[%get3A] {strides = array<i32>} : memref<1600xi32, #tpu.memory_space<vmem>>, vector<16xi32>,
          %get3A_183 = vector.shape_cast %get3A_182 : vector<16xi32> to vector<16xi32>
          %dma_start3A_184 = arith.constant 0 : i32
          %dma_start3A_185 = arith.constant 0 : i32
          %dma_start3A_186 = tpu.memref_slice %arg10[%dma_start3A_184, %dma_start3A_185] : memref<96x128xf32, #tpu.memory_space<vmem>> -> memref<16x128xf32, #tpu.memory_space<vmem>>
          %dma_start3A_187 = arith.constant 0 : i32
          %dma_start3A_188 = arith.constant 0 : i32
          %dma_start3A_189 = tpu.memref_slice %arg11[%dma_start3A_187, %dma_start3A_188] : memref<5008x128xf32, #tpu.memory_space<vmem_shared>> -> memref<5008x128xf32, #tpu.memory_space<vmem_shared>>
          tpu.enqueue_indirect_dma source(%dma_start3A_186 : memref<16x128xf32, #tpu.memory_space<vmem>>) target(%dma_start3A_189 : memref<5008x128xf32, #tpu.memory_space<vmem_shared>>) offsets(%get3A_183 : vector<16xi32>) semaphore(%arg15 : memref<!tpu.dma_semaphore, #tpu.memory_space<semaphore_mem>>) {add = true}
          %add3A_190 = arith.constant 16 : i32
          %add3A_191 = arith.addi %add3A_115, %add3A_190 : i32
          %get3A_192 = arith.index_cast %add3A_191 : i32 to index
          %get3A_193 = tpu.vector_load %arg9[%get3A_192] {strides = array<i32>} : memref<1600xi32, #tpu.memory_space<vmem>>, vector<16xi32>,
          %get3A_194 = vector.shape_cast %get3A_193 : vector<16xi32> to vector<16xi32>
          %dma_start3A_195 = arith.constant 16 : i32
          %dma_start3A_196 = arith.constant 0 : i32
          %dma_start3A_197 = tpu.memref_slice %arg10[%dma_start3A_195, %dma_start3A_196] : memref<96x128xf32, #tpu.memory_space<vmem>> -> memref<16x128xf32, #tpu.memory_space<vmem>>
          %dma_start3A_198 = arith.constant 0 : i32
          %dma_start3A_199 = arith.constant 0 : i32
          %dma_start3A_200 = tpu.memref_slice %arg11[%dma_start3A_198, %dma_start3A_199] : memref<5008x128xf32, #tpu.memory_space<vmem_shared>> -> memref<5008x128xf32, #tpu.memory_space<vmem_shared>>
          tpu.enqueue_indirect_dma source(%dma_start3A_197 : memref<16x128xf32, #tpu.memory_space<vmem>>) target(%dma_start3A_200 : memref<5008x128xf32, #tpu.memory_space<vmem_shared>>) offsets(%get3A_194 : vector<16xi32>) semaphore(%arg15 : memref<!tpu.dma_semaphore, #tpu.memory_space<semaphore_mem>>) {add = true}
        } else {
        }
        %eq3A_152 = arith.constant 1 : i32
        %eq3A_153 = arith.cmpi eq, %rem3A_146, %eq3A_152 : i32
        %convert_element_type3A_154 = arith.extui %eq3A_153 : i1 to i32
        %cond3A_155 = arith.constant 0 : i32
        %cond3A_156 = arith.cmpi ne, %convert_element_type3A_154, %cond3A_155 : i32
        scf.if %cond3A_156 {
          %gt3A = arith.constant 0 : i32
          %gt3A_163 = arith.cmpi sgt, %scan3A_90, %gt3A : i32
          %gt3A_164 = arith.constant 0 : i32
          %gt3A_165 = arith.cmpi sgt, %scan3A_111, %gt3A_164 : i32
          %or3A_166 = arith.ori %gt3A_163, %gt3A_165 : i1
          %convert_element_type3A_167 = arith.extui %or3A_166 : i1 to i32
          %cond3A_168 = arith.constant 0 : i32
          %cond3A_169 = arith.cmpi ne, %convert_element_type3A_167, %cond3A_168 : i32
          scf.if %cond3A_169 {
            %dma_wait3A_201 = arith.constant 0 : i32
            %dma_wait3A_202 = arith.constant 0 : i32
            %dma_wait3A_203 = tpu.memref_slice %arg10[%dma_wait3A_201, %dma_wait3A_202] : memref<96x128xf32, #tpu.memory_space<vmem>> -> memref<32x128xf32, #tpu.memory_space<vmem>>
            %dma_wait3A_204 = arith.constant 0 : i32
            %dma_wait3A_205 = arith.constant 0 : i32
            %dma_wait3A_206 = tpu.memref_slice %arg2[%dma_wait3A_204, %dma_wait3A_205] : memref<20000x128xf32, #tpu.memory_space<hbm>> -> memref<32x128xf32, #tpu.memory_space<hbm>>
            %dma_wait3A_207 = arith.constant 0 : i32
            %dma_wait3A_208 = arith.constant 0 : i32
            %dma_wait3A_209 = tpu.memref_slice %arg10[%dma_wait3A_207, %dma_wait3A_208] : memref<96x128xf32, #tpu.memory_space<vmem>> -> memref<32x128xf32, #tpu.memory_space<vmem>>
            %dma_wait3A_210 = arith.constant 0 : i32
            %dma_wait3A_211 = arith.constant 0 : i32
            %dma_wait3A_212 = tpu.memref_slice %arg2[%dma_wait3A_210, %dma_wait3A_211] : memref<20000x128xf32, #tpu.memory_space<hbm>> -> memref<32x128xf32, #tpu.memory_space<hbm>>
            tpu.wait_dma2 semaphore(%arg15 : memref<!tpu.dma_semaphore, #tpu.memory_space<semaphore_mem>>) src(%dma_wait3A_212 : memref<32x128xf32, #tpu.memory_space<hbm>>) dst(%dma_wait3A_209 : memref<32x128xf32, #tpu.memory_space<vmem>>)
          } else {
          }
          %convert_element_type3A_170 = arith.extui %or3A : i1 to i32
          %cond3A_171 = arith.constant 0 : i32
          %cond3A_172 = arith.cmpi ne, %convert_element_type3A_170, %cond3A_171 : i32
          scf.if %cond3A_172 {
            %dma_start3A_201 = arith.constant 0 : i32
            %dma_start3A_202 = arith.constant 0 : i32
            %dma_start3A_203 = tpu.memref_slice %arg10[%dma_start3A_201, %dma_start3A_202] : memref<96x128xf32, #tpu.memory_space<vmem>> -> memref<32x128xf32, #tpu.memory_space<vmem>>
            %dma_start3A_204 = tpu.memref_slice %arg8[%select_n3A] : memref<1600xi32, #tpu.memory_space<vmem>> -> memref<32xi32, #tpu.memory_space<vmem>>
            %dma_start3A_205 = arith.constant 0 : i32
            %dma_start3A_206 = arith.constant 0 : i32
            %dma_start3A_207 = tpu.memref_slice %arg2[%dma_start3A_205, %dma_start3A_206] : memref<20000x128xf32, #tpu.memory_space<hbm>> -> memref<20000x128xf32, #tpu.memory_space<hbm>>
            tpu.enqueue_indirect_dma source(%dma_start3A_207 : memref<20000x128xf32, #tpu.memory_space<hbm>>) target(%dma_start3A_203 : memref<32x128xf32, #tpu.memory_space<vmem>>) offsets(%dma_start3A_204 : memref<32xi32, #tpu.memory_space<vmem>>) semaphore(%arg12 : memref<!tpu.dma_semaphore, #tpu.memory_space<semaphore_mem>>)
          } else {
          }
          %dma_wait3A_173 = arith.constant 32 : i32
          %dma_wait3A_174 = arith.constant 0 : i32
          %dma_wait3A_175 = tpu.memref_slice %arg10[%dma_wait3A_173, %dma_wait3A_174] : memref<96x128xf32, #tpu.memory_space<vmem>> -> memref<32x128xf32, #tpu.memory_space<vmem>>
          %dma_wait3A_176 = tpu.memref_slice %arg8[%add3A_115] : memref<1600xi32, #tpu.memory_space<vmem>> -> memref<32xi32, #tpu.memory_space<vmem>>
          %dma_wait3A_177 = arith.constant 0 : i32
          %dma_wait3A_178 = arith.constant 0 : i32
          %dma_wait3A_179 = tpu.memref_slice %arg2[%dma_wait3A_177, %dma_wait3A_178] : memref<20000x128xf32, #tpu.memory_space<hbm>> -> memref<20000x128xf32, #tpu.memory_space<hbm>>
          tpu.wait_indirect_dma semaphore(%arg13 : memref<!tpu.dma_semaphore, #tpu.memory_space<semaphore_mem>>) src(%dma_wait3A_179 : memref<20000x128xf32, #tpu.memory_space<hbm>>) dst(%dma_wait3A_175 : memref<32x128xf32, #tpu.memory_space<vmem>>)
          %add3A_180 = arith.constant 0 : i32
          %add3A_181 = arith.addi %add3A_115, %add3A_180 : i32
          %get3A = arith.index_cast %add3A_181 : i32 to index
          %get3A_182 = tpu.vector_load %arg9[%get3A] {strides = array<i32>} : memref<1600xi32, #tpu.memory_space<vmem>>, vector<16xi32>,
          %get3A_183 = vector.shape_cast %get3A_182 : vector<16xi32> to vector<16xi32>
          %dma_start3A_184 = arith.constant 32 : i32
          %dma_start3A_185 = arith.constant 0 : i32
          %dma_start3A_186 = tpu.memref_slice %arg10[%dma_start3A_184, %dma_start3A_185] : memref<96x128xf32, #tpu.memory_space<vmem>> -> memref<16x128xf32, #tpu.memory_space<vmem>>
          %dma_start3A_187 = arith.constant 0 : i32
          %dma_start3A_188 = arith.constant 0 : i32
          %dma_start3A_189 = tpu.memref_slice %arg11[%dma_start3A_187, %dma_start3A_188] : memref<5008x128xf32, #tpu.memory_space<vmem_shared>> -> memref<5008x128xf32, #tpu.memory_space<vmem_shared>>
          tpu.enqueue_indirect_dma source(%dma_start3A_186 : memref<16x128xf32, #tpu.memory_space<vmem>>) target(%dma_start3A_189 : memref<5008x128xf32, #tpu.memory_space<vmem_shared>>) offsets(%get3A_183 : vector<16xi32>) semaphore(%arg16 : memref<!tpu.dma_semaphore, #tpu.memory_space<semaphore_mem>>) {add = true}
          %add3A_190 = arith.constant 16 : i32
          %add3A_191 = arith.addi %add3A_115, %add3A_190 : i32
          %get3A_192 = arith.index_cast %add3A_191 : i32 to index
          %get3A_193 = tpu.vector_load %arg9[%get3A_192] {strides = array<i32>} : memref<1600xi32, #tpu.memory_space<vmem>>, vector<16xi32>,
          %get3A_194 = vector.shape_cast %get3A_193 : vector<16xi32> to vector<16xi32>
          %dma_start3A_195 = arith.constant 48 : i32
          %dma_start3A_196 = arith.constant 0 : i32
          %dma_start3A_197 = tpu.memref_slice %arg10[%dma_start3A_195, %dma_start3A_196] : memref<96x128xf32, #tpu.memory_space<vmem>> -> memref<16x128xf32, #tpu.memory_space<vmem>>
          %dma_start3A_198 = arith.constant 0 : i32
          %dma_start3A_199 = arith.constant 0 : i32
          %dma_start3A_200 = tpu.memref_slice %arg11[%dma_start3A_198, %dma_start3A_199] : memref<5008x128xf32, #tpu.memory_space<vmem_shared>> -> memref<5008x128xf32, #tpu.memory_space<vmem_shared>>
          tpu.enqueue_indirect_dma source(%dma_start3A_197 : memref<16x128xf32, #tpu.memory_space<vmem>>) target(%dma_start3A_200 : memref<5008x128xf32, #tpu.memory_space<vmem_shared>>) offsets(%get3A_194 : vector<16xi32>) semaphore(%arg16 : memref<!tpu.dma_semaphore, #tpu.memory_space<semaphore_mem>>) {add = true}
        } else {
        }
        %eq3A_157 = arith.constant 2 : i32
        %eq3A_158 = arith.cmpi eq, %rem3A_146, %eq3A_157 : i32
        %convert_element_type3A_159 = arith.extui %eq3A_158 : i1 to i32
        %cond3A_160 = arith.constant 0 : i32
        %cond3A_161 = arith.cmpi ne, %convert_element_type3A_159, %cond3A_160 : i32
        scf.if %cond3A_161 {
          %gt3A = arith.constant 0 : i32
          %gt3A_163 = arith.cmpi sgt, %scan3A_90, %gt3A : i32
          %gt3A_164 = arith.constant 0 : i32
          %gt3A_165 = arith.cmpi sgt, %scan3A_111, %gt3A_164 : i32
          %or3A_166 = arith.ori %gt3A_163, %gt3A_165 : i1
          %convert_element_type3A_167 = arith.extui %or3A_166 : i1 to i32
          %cond3A_168 = arith.constant 0 : i32
          %cond3A_169 = arith.cmpi ne, %convert_element_type3A_167, %cond3A_168 : i32
          scf.if %cond3A_169 {
            %dma_wait3A_201 = arith.constant 32 : i32
            %dma_wait3A_202 = arith.constant 0 : i32
            %dma_wait3A_203 = tpu.memref_slice %arg10[%dma_wait3A_201, %dma_wait3A_202] : memref<96x128xf32, #tpu.memory_space<vmem>> -> memref<32x128xf32, #tpu.memory_space<vmem>>
            %dma_wait3A_204 = arith.constant 0 : i32
            %dma_wait3A_205 = arith.constant 0 : i32
            %dma_wait3A_206 = tpu.memref_slice %arg2[%dma_wait3A_204, %dma_wait3A_205] : memref<20000x128xf32, #tpu.memory_space<hbm>> -> memref<32x128xf32, #tpu.memory_space<hbm>>
            %dma_wait3A_207 = arith.constant 32 : i32
            %dma_wait3A_208 = arith.constant 0 : i32
            %dma_wait3A_209 = tpu.memref_slice %arg10[%dma_wait3A_207, %dma_wait3A_208] : memref<96x128xf32, #tpu.memory_space<vmem>> -> memref<32x128xf32, #tpu.memory_space<vmem>>
            %dma_wait3A_210 = arith.constant 0 : i32
            %dma_wait3A_211 = arith.constant 0 : i32
            %dma_wait3A_212 = tpu.memref_slice %arg2[%dma_wait3A_210, %dma_wait3A_211] : memref<20000x128xf32, #tpu.memory_space<hbm>> -> memref<32x128xf32, #tpu.memory_space<hbm>>
            tpu.wait_dma2 semaphore(%arg16 : memref<!tpu.dma_semaphore, #tpu.memory_space<semaphore_mem>>) src(%dma_wait3A_212 : memref<32x128xf32, #tpu.memory_space<hbm>>) dst(%dma_wait3A_209 : memref<32x128xf32, #tpu.memory_space<vmem>>)
          } else {
          }
          %convert_element_type3A_170 = arith.extui %or3A : i1 to i32
          %cond3A_171 = arith.constant 0 : i32
          %cond3A_172 = arith.cmpi ne, %convert_element_type3A_170, %cond3A_171 : i32
          scf.if %cond3A_172 {
            %dma_start3A_201 = arith.constant 32 : i32
            %dma_start3A_202 = arith.constant 0 : i32
            %dma_start3A_203 = tpu.memref_slice %arg10[%dma_start3A_201, %dma_start3A_202] : memref<96x128xf32, #tpu.memory_space<vmem>> -> memref<32x128xf32, #tpu.memory_space<vmem>>
            %dma_start3A_204 = tpu.memref_slice %arg8[%select_n3A] : memref<1600xi32, #tpu.memory_space<vmem>> -> memref<32xi32, #tpu.memory_space<vmem>>
            %dma_start3A_205 = arith.constant 0 : i32
            %dma_start3A_206 = arith.constant 0 : i32
            %dma_start3A_207 = tpu.memref_slice %arg2[%dma_start3A_205, %dma_start3A_206] : memref<20000x128xf32, #tpu.memory_space<hbm>> -> memref<20000x128xf32, #tpu.memory_space<hbm>>
            tpu.enqueue_indirect_dma source(%dma_start3A_207 : memref<20000x128xf32, #tpu.memory_space<hbm>>) target(%dma_start3A_203 : memref<32x128xf32, #tpu.memory_space<vmem>>) offsets(%dma_start3A_204 : memref<32xi32, #tpu.memory_space<vmem>>) semaphore(%arg13 : memref<!tpu.dma_semaphore, #tpu.memory_space<semaphore_mem>>)
          } else {
          }
          %dma_wait3A_173 = arith.constant 64 : i32
          %dma_wait3A_174 = arith.constant 0 : i32
          %dma_wait3A_175 = tpu.memref_slice %arg10[%dma_wait3A_173, %dma_wait3A_174] : memref<96x128xf32, #tpu.memory_space<vmem>> -> memref<32x128xf32, #tpu.memory_space<vmem>>
          %dma_wait3A_176 = tpu.memref_slice %arg8[%add3A_115] : memref<1600xi32, #tpu.memory_space<vmem>> -> memref<32xi32, #tpu.memory_space<vmem>>
          %dma_wait3A_177 = arith.constant 0 : i32
          %dma_wait3A_178 = arith.constant 0 : i32
          %dma_wait3A_179 = tpu.memref_slice %arg2[%dma_wait3A_177, %dma_wait3A_178] : memref<20000x128xf32, #tpu.memory_space<hbm>> -> memref<20000x128xf32, #tpu.memory_space<hbm>>
          tpu.wait_indirect_dma semaphore(%arg14 : memref<!tpu.dma_semaphore, #tpu.memory_space<semaphore_mem>>) src(%dma_wait3A_179 : memref<20000x128xf32, #tpu.memory_space<hbm>>) dst(%dma_wait3A_175 : memref<32x128xf32, #tpu.memory_space<vmem>>)
          %add3A_180 = arith.constant 0 : i32
          %add3A_181 = arith.addi %add3A_115, %add3A_180 : i32
          %get3A = arith.index_cast %add3A_181 : i32 to index
          %get3A_182 = tpu.vector_load %arg9[%get3A] {strides = array<i32>} : memref<1600xi32, #tpu.memory_space<vmem>>, vector<16xi32>,
          %get3A_183 = vector.shape_cast %get3A_182 : vector<16xi32> to vector<16xi32>
          %dma_start3A_184 = arith.constant 64 : i32
          %dma_start3A_185 = arith.constant 0 : i32
          %dma_start3A_186 = tpu.memref_slice %arg10[%dma_start3A_184, %dma_start3A_185] : memref<96x128xf32, #tpu.memory_space<vmem>> -> memref<16x128xf32, #tpu.memory_space<vmem>>
          %dma_start3A_187 = arith.constant 0 : i32
          %dma_start3A_188 = arith.constant 0 : i32
          %dma_start3A_189 = tpu.memref_slice %arg11[%dma_start3A_187, %dma_start3A_188] : memref<5008x128xf32, #tpu.memory_space<vmem_shared>> -> memref<5008x128xf32, #tpu.memory_space<vmem_shared>>
          tpu.enqueue_indirect_dma source(%dma_start3A_186 : memref<16x128xf32, #tpu.memory_space<vmem>>) target(%dma_start3A_189 : memref<5008x128xf32, #tpu.memory_space<vmem_shared>>) offsets(%get3A_183 : vector<16xi32>) semaphore(%arg17 : memref<!tpu.dma_semaphore, #tpu.memory_space<semaphore_mem>>) {add = true}
          %add3A_190 = arith.constant 16 : i32
          %add3A_191 = arith.addi %add3A_115, %add3A_190 : i32
          %get3A_192 = arith.index_cast %add3A_191 : i32 to index
          %get3A_193 = tpu.vector_load %arg9[%get3A_192] {strides = array<i32>} : memref<1600xi32, #tpu.memory_space<vmem>>, vector<16xi32>,
          %get3A_194 = vector.shape_cast %get3A_193 : vector<16xi32> to vector<16xi32>
          %dma_start3A_195 = arith.constant 80 : i32
          %dma_start3A_196 = arith.constant 0 : i32
          %dma_start3A_197 = tpu.memref_slice %arg10[%dma_start3A_195, %dma_start3A_196] : memref<96x128xf32, #tpu.memory_space<vmem>> -> memref<16x128xf32, #tpu.memory_space<vmem>>
          %dma_start3A_198 = arith.constant 0 : i32
          %dma_start3A_199 = arith.constant 0 : i32
          %dma_start3A_200 = tpu.memref_slice %arg11[%dma_start3A_198, %dma_start3A_199] : memref<5008x128xf32, #tpu.memory_space<vmem_shared>> -> memref<5008x128xf32, #tpu.memory_space<vmem_shared>>
          tpu.enqueue_indirect_dma source(%dma_start3A_197 : memref<16x128xf32, #tpu.memory_space<vmem>>) target(%dma_start3A_200 : memref<5008x128xf32, #tpu.memory_space<vmem_shared>>) offsets(%get3A_194 : vector<16xi32>) semaphore(%arg17 : memref<!tpu.dma_semaphore, #tpu.memory_space<semaphore_mem>>) {add = true}
        } else {
        }
        %scan3A_162 = arith.constant 0 : i32
        scf.yield %scan3A_162 : i32
      }
      %scan3A_109 = arith.constant 25 : i32
      %scan3A_110 = arith.constant 0 : i32
      scf.yield %scan3A_110 : i32
    }
    %scan3A_69 = arith.constant 25 : i32
    %dma_wait3A_70 = arith.constant 0 : i32
    %dma_wait3A_71 = arith.constant 0 : i32
    %dma_wait3A_72 = tpu.memref_slice %arg10[%dma_wait3A_70, %dma_wait3A_71] : memref<96x128xf32, #tpu.memory_space<vmem>> -> memref<32x128xf32, #tpu.memory_space<vmem>>
    %dma_wait3A_73 = arith.constant 0 : i32
    %dma_wait3A_74 = arith.constant 0 : i32
    %dma_wait3A_75 = tpu.memref_slice %arg2[%dma_wait3A_73, %dma_wait3A_74] : memref<20000x128xf32, #tpu.memory_space<hbm>> -> memref<32x128xf32, #tpu.memory_space<hbm>>
    %dma_wait3A_76 = arith.constant 0 : i32
    %dma_wait3A_77 = arith.constant 0 : i32
    %dma_wait3A_78 = tpu.memref_slice %arg10[%dma_wait3A_76, %dma_wait3A_77] : memref<96x128xf32, #tpu.memory_space<vmem>> -> memref<32x128xf32, #tpu.memory_space<vmem>>
    %dma_wait3A_79 = arith.constant 0 : i32
    %dma_wait3A_80 = arith.constant 0 : i32
    %dma_wait3A_81 = tpu.memref_slice %arg2[%dma_wait3A_79, %dma_wait3A_80] : memref<20000x128xf32, #tpu.memory_space<hbm>> -> memref<32x128xf32, #tpu.memory_space<hbm>>
    tpu.wait_dma2 semaphore(%arg15 : memref<!tpu.dma_semaphore, #tpu.memory_space<semaphore_mem>>) src(%dma_wait3A_81 : memref<32x128xf32, #tpu.memory_space<hbm>>) dst(%dma_wait3A_78 : memref<32x128xf32, #tpu.memory_space<vmem>>)
    %barrier3A_82 = arith.constant 0 : index
    tpu.barrier barrier_id(%barrier3A_82)
    %scan3A_83 = arith.constant 0 : i32
    %scan3A_84 = arith.constant 0 : i32
    %scan3A_85 = arith.constant 8 : i32
    %scan3A_86 = arith.addi %scan3A_84, %scan3A_85 : i32
    %scan3A_87 = arith.constant 1 : i32
    %scan3A_88 = scf.for %scan3A_90 = %scan3A_84 to %scan3A_86 step %scan3A_87 iter_args(%scan3A_91 = %scan3A_83) -> (i32)  : i32 {
      %mul3A_92 = arith.constant 16 : i32
      %mul3A_93 = arith.muli %mul3A_92, %scan3A_90 : i32
      %add3A_94 = arith.addi %arg1, %mul3A_93 : i32
      %lt3A = arith.constant 125 : i32
      %lt3A_95 = arith.cmpi slt, %add3A_94, %lt3A : i32
      %convert_element_type3A_96 = arith.extui %lt3A_95 : i1 to i32
      %cond3A_97 = arith.constant 0 : i32
      %cond3A_98 = arith.cmpi ne, %convert_element_type3A_96, %cond3A_97 : i32
      scf.if %cond3A_98 {
        %mul3A_100 = arith.constant 40 : i32
        %mul3A_101 = arith.muli %add3A_94, %mul3A_100 : i32
        %eq3A_102 = arith.constant 0 : i32
        %eq3A_103 = arith.cmpi eq, %arg0, %eq3A_102 : i32
        %convert_element_type3A_104 = arith.extui %eq3A_103 : i1 to i32
        %cond3A_105 = arith.constant 0 : i32
        %cond3A_106 = arith.cmpi ne, %convert_element_type3A_104, %cond3A_105 : i32
        scf.if %cond3A_106 {
          "tpu.region"() ({
            %run_scoped3A = tpu.sem_alloc : memref<!tpu.dma_semaphore, #tpu.memory_space<semaphore_mem>>
            %dma_start3A_112 = arith.constant 0 : i32
            %dma_start3A_113 = tpu.memref_slice %arg6[%mul3A_101, %dma_start3A_112] : memref<5000x128xf32, #tpu.memory_space<hbm>> -> memref<40x128xf32, #tpu.memory_space<hbm>>
            %dma_start3A_114 = arith.constant 0 : i32
            %dma_start3A_115 = tpu.memref_slice %arg11[%mul3A_101, %dma_start3A_114] : memref<5008x128xf32, #tpu.memory_space<vmem_shared>> -> memref<40x128xf32, #tpu.memory_space<vmem_shared>>
            tpu.enqueue_dma source(%dma_start3A_115 : memref<40x128xf32, #tpu.memory_space<vmem_shared>>) target(%dma_start3A_113 : memref<40x128xf32, #tpu.memory_space<hbm>>) target_semaphore(%run_scoped3A : memref<!tpu.dma_semaphore, #tpu.memory_space<semaphore_mem>>)
            %dma_wait3A_116 = arith.constant 0 : i32
            %dma_wait3A_117 = tpu.memref_slice %arg6[%mul3A_101, %dma_wait3A_116] : memref<5000x128xf32, #tpu.memory_space<hbm>> -> memref<40x128xf32, #tpu.memory_space<hbm>>
            %dma_wait3A_118 = arith.constant 0 : i32
            %dma_wait3A_119 = tpu.memref_slice %arg11[%mul3A_101, %dma_wait3A_118] : memref<5008x128xf32, #tpu.memory_space<vmem_shared>> -> memref<40x128xf32, #tpu.memory_space<vmem_shared>>
            tpu.wait_dma2 semaphore(%run_scoped3A : memref<!tpu.dma_semaphore, #tpu.memory_space<semaphore_mem>>) src(%dma_wait3A_119 : memref<40x128xf32, #tpu.memory_space<vmem_shared>>) dst(%dma_wait3A_117 : memref<40x128xf32, #tpu.memory_space<hbm>>)
            tpu.yield
          }) : () -> ()
        } else {
        }
        %eq3A_107 = arith.constant 1 : i32
        %eq3A_108 = arith.cmpi eq, %arg0, %eq3A_107 : i32
        %convert_element_type3A_109 = arith.extui %eq3A_108 : i1 to i32
        %cond3A_110 = arith.constant 0 : i32
        %cond3A_111 = arith.cmpi ne, %convert_element_type3A_109, %cond3A_110 : i32
        scf.if %cond3A_111 {
          "tpu.region"() ({
            %run_scoped3A = tpu.sem_alloc : memref<!tpu.dma_semaphore, #tpu.memory_space<semaphore_mem>>
            %dma_start3A_112 = arith.constant 0 : i32
            %dma_start3A_113 = tpu.memref_slice %arg7[%mul3A_101, %dma_start3A_112] : memref<5000x128xf32, #tpu.memory_space<hbm>> -> memref<40x128xf32, #tpu.memory_space<hbm>>
            %dma_start3A_114 = arith.constant 0 : i32
            %dma_start3A_115 = tpu.memref_slice %arg11[%mul3A_101, %dma_start3A_114] : memref<5008x128xf32, #tpu.memory_space<vmem_shared>> -> memref<40x128xf32, #tpu.memory_space<vmem_shared>>
            tpu.enqueue_dma source(%dma_start3A_115 : memref<40x128xf32, #tpu.memory_space<vmem_shared>>) target(%dma_start3A_113 : memref<40x128xf32, #tpu.memory_space<hbm>>) target_semaphore(%run_scoped3A : memref<!tpu.dma_semaphore, #tpu.memory_space<semaphore_mem>>)
            %dma_wait3A_116 = arith.constant 0 : i32
            %dma_wait3A_117 = tpu.memref_slice %arg7[%mul3A_101, %dma_wait3A_116] : memref<5000x128xf32, #tpu.memory_space<hbm>> -> memref<40x128xf32, #tpu.memory_space<hbm>>
            %dma_wait3A_118 = arith.constant 0 : i32
            %dma_wait3A_119 = tpu.memref_slice %arg11[%mul3A_101, %dma_wait3A_118] : memref<5008x128xf32, #tpu.memory_space<vmem_shared>> -> memref<40x128xf32, #tpu.memory_space<vmem_shared>>
            tpu.wait_dma2 semaphore(%run_scoped3A : memref<!tpu.dma_semaphore, #tpu.memory_space<semaphore_mem>>) src(%dma_wait3A_119 : memref<40x128xf32, #tpu.memory_space<vmem_shared>>) dst(%dma_wait3A_117 : memref<40x128xf32, #tpu.memory_space<hbm>>)
            tpu.yield
          }) : () -> ()
        } else {
        }
      } else {
      }
      %scan3A_99 = arith.constant 0 : i32
      scf.yield %scan3A_99 : i32
    }
    %scan3A_89 = arith.constant 8 : i32
    return
  }
}

#map = affine_map<(d0, d1) -> (0, 0)>
#map1 = affine_map<(d0, d1) -> (0)>
module attributes {stable_mosaic.version = 14 : i64} {
  func.func @_sc_scatter(%arg0: i32, %arg1: i32, %arg2: memref<20000x128xf32, #tpu.memory_space<hbm>>, %arg3: memref<320000xi32, #tpu.memory_space<hbm>>, %arg4: memref<320000xi32, #tpu.memory_space<hbm>>, %arg5: memref<320000xi32, #tpu.memory_space<hbm>>, %arg6: memref<5000x128xf32, #tpu.memory_space<hbm>>, %arg7: memref<5000x128xf32, #tpu.memory_space<hbm>>, %arg8: memref<1600xi32, #tpu.memory_space<vmem>>, %arg9: memref<1600xi32, #tpu.memory_space<vmem>>, %arg10: memref<96x128xf32, #tpu.memory_space<vmem>>, %arg11: memref<5008x128xf32, #tpu.memory_space<vmem_shared>>, %arg12: memref<!tpu.dma_semaphore, #tpu.memory_space<semaphore_mem>>, %arg13: memref<!tpu.dma_semaphore, #tpu.memory_space<semaphore_mem>>, %arg14: memref<!tpu.dma_semaphore, #tpu.memory_space<semaphore_mem>>, %arg15: memref<!tpu.dma_semaphore, #tpu.memory_space<semaphore_mem>>, %arg16: memref<!tpu.dma_semaphore, #tpu.memory_space<semaphore_mem>>, %arg17: memref<!tpu.dma_semaphore, #tpu.memory_space<semaphore_mem>>, %arg18: memref<!tpu.dma_semaphore, #tpu.memory_space<semaphore_mem>>) attributes {dimension_semantics = [#tpu.dimension_semantics<core_parallel>, #tpu.dimension_semantics<subcore_parallel>], iteration_bounds = array<i64: 2, 16>, scalar_prefetch = 0 : i64, scratch_operands = 11 : i64, tpu.core_type = #tpu.core_type<sc_vector_subcore>, window_params = [{transform_indices = #map}, {transform_indices = #map1}, {transform_indices = #map1}, {transform_indices = #map1}, {transform_indices = #map}, {transform_indices = #map}]} {
    %mul3A = arith.constant 20000 : i32
    %mul3A_0 = arith.muli %arg1, %mul3A : i32
    %add3A = arith.constant 0 : i32
    %add3A_1 = arith.addi %mul3A_0, %add3A : i32
    %eq3A = arith.constant 0 : i32
    %eq3A_2 = arith.cmpi eq, %arg0, %eq3A : i32
    %convert_element_type3A = arith.extui %eq3A_2 : i1 to i32
    %cond3A = arith.constant 0 : i32
    %cond3A_3 = arith.cmpi ne, %convert_element_type3A, %cond3A : i32
    scf.if %cond3A_3 {
      %dma_start3A_90 = arith.constant 0 : i32
      %dma_start3A_91 = tpu.memref_slice %arg8[%dma_start3A_90] : memref<1600xi32, #tpu.memory_space<vmem>> -> memref<800xi32, #tpu.memory_space<vmem>>
      %dma_start3A_92 = tpu.memref_slice %arg3[%add3A_1] : memref<320000xi32, #tpu.memory_space<hbm>> -> memref<800xi32, #tpu.memory_space<hbm>>
      %dma_start3A_93 = arith.constant 0 : i32
      %dma_start3A_94 = tpu.memref_slice %arg8[%dma_start3A_93] : memref<1600xi32, #tpu.memory_space<vmem>> -> memref<800xi32, #tpu.memory_space<vmem>>
      %dma_start3A_95 = tpu.memref_slice %arg3[%add3A_1] : memref<320000xi32, #tpu.memory_space<hbm>> -> memref<800xi32, #tpu.memory_space<hbm>>
      tpu.enqueue_dma source(%dma_start3A_95 : memref<800xi32, #tpu.memory_space<hbm>>) target(%dma_start3A_94 : memref<800xi32, #tpu.memory_space<vmem>>) target_semaphore(%arg18 : memref<!tpu.dma_semaphore, #tpu.memory_space<semaphore_mem>>)
    } else {
    }
    %eq3A_4 = arith.constant 1 : i32
    %eq3A_5 = arith.cmpi eq, %arg0, %eq3A_4 : i32
    %convert_element_type3A_6 = arith.extui %eq3A_5 : i1 to i32
    %cond3A_7 = arith.constant 0 : i32
    %cond3A_8 = arith.cmpi ne, %convert_element_type3A_6, %cond3A_7 : i32
    scf.if %cond3A_8 {
      %dma_start3A_90 = arith.constant 0 : i32
      %dma_start3A_91 = tpu.memref_slice %arg8[%dma_start3A_90] : memref<1600xi32, #tpu.memory_space<vmem>> -> memref<800xi32, #tpu.memory_space<vmem>>
      %dma_start3A_92 = tpu.memref_slice %arg4[%add3A_1] : memref<320000xi32, #tpu.memory_space<hbm>> -> memref<800xi32, #tpu.memory_space<hbm>>
      %dma_start3A_93 = arith.constant 0 : i32
      %dma_start3A_94 = tpu.memref_slice %arg8[%dma_start3A_93] : memref<1600xi32, #tpu.memory_space<vmem>> -> memref<800xi32, #tpu.memory_space<vmem>>
      %dma_start3A_95 = tpu.memref_slice %arg4[%add3A_1] : memref<320000xi32, #tpu.memory_space<hbm>> -> memref<800xi32, #tpu.memory_space<hbm>>
      tpu.enqueue_dma source(%dma_start3A_95 : memref<800xi32, #tpu.memory_space<hbm>>) target(%dma_start3A_94 : memref<800xi32, #tpu.memory_space<vmem>>) target_semaphore(%arg18 : memref<!tpu.dma_semaphore, #tpu.memory_space<semaphore_mem>>)
    } else {
    }
    %dma_start3A = arith.constant 0 : i32
    %dma_start3A_9 = tpu.memref_slice %arg9[%dma_start3A] : memref<1600xi32, #tpu.memory_space<vmem>> -> memref<800xi32, #tpu.memory_space<vmem>>
    %dma_start3A_10 = tpu.memref_slice %arg5[%add3A_1] : memref<320000xi32, #tpu.memory_space<hbm>> -> memref<800xi32, #tpu.memory_space<hbm>>
    %dma_start3A_11 = arith.constant 0 : i32
    %dma_start3A_12 = tpu.memref_slice %arg9[%dma_start3A_11] : memref<1600xi32, #tpu.memory_space<vmem>> -> memref<800xi32, #tpu.memory_space<vmem>>
    %dma_start3A_13 = tpu.memref_slice %arg5[%add3A_1] : memref<320000xi32, #tpu.memory_space<hbm>> -> memref<800xi32, #tpu.memory_space<hbm>>
    tpu.enqueue_dma source(%dma_start3A_13 : memref<800xi32, #tpu.memory_space<hbm>>) target(%dma_start3A_12 : memref<800xi32, #tpu.memory_space<vmem>>) target_semaphore(%arg18 : memref<!tpu.dma_semaphore, #tpu.memory_space<semaphore_mem>>)
    %add3A_14 = arith.constant 800 : i32
    %add3A_15 = arith.addi %mul3A_0, %add3A_14 : i32
    %eq3A_16 = arith.constant 0 : i32
    %eq3A_17 = arith.cmpi eq, %arg0, %eq3A_16 : i32
    %convert_element_type3A_18 = arith.extui %eq3A_17 : i1 to i32
    %cond3A_19 = arith.constant 0 : i32
    %cond3A_20 = arith.cmpi ne, %convert_element_type3A_18, %cond3A_19 : i32
    scf.if %cond3A_20 {
      %dma_start3A_90 = arith.constant 800 : i32
      %dma_start3A_91 = tpu.memref_slice %arg8[%dma_start3A_90] : memref<1600xi32, #tpu.memory_space<vmem>> -> memref<800xi32, #tpu.memory_space<vmem>>
      %dma_start3A_92 = tpu.memref_slice %arg3[%add3A_15] : memref<320000xi32, #tpu.memory_space<hbm>> -> memref<800xi32, #tpu.memory_space<hbm>>
      %dma_start3A_93 = arith.constant 800 : i32
      %dma_start3A_94 = tpu.memref_slice %arg8[%dma_start3A_93] : memref<1600xi32, #tpu.memory_space<vmem>> -> memref<800xi32, #tpu.memory_space<vmem>>
      %dma_start3A_95 = tpu.memref_slice %arg3[%add3A_15] : memref<320000xi32, #tpu.memory_space<hbm>> -> memref<800xi32, #tpu.memory_space<hbm>>
      tpu.enqueue_dma source(%dma_start3A_95 : memref<800xi32, #tpu.memory_space<hbm>>) target(%dma_start3A_94 : memref<800xi32, #tpu.memory_space<vmem>>) target_semaphore(%arg18 : memref<!tpu.dma_semaphore, #tpu.memory_space<semaphore_mem>>)
    } else {
    }
    %eq3A_21 = arith.constant 1 : i32
    %eq3A_22 = arith.cmpi eq, %arg0, %eq3A_21 : i32
    %convert_element_type3A_23 = arith.extui %eq3A_22 : i1 to i32
    %cond3A_24 = arith.constant 0 : i32
    %cond3A_25 = arith.cmpi ne, %convert_element_type3A_23, %cond3A_24 : i32
    scf.if %cond3A_25 {
      %dma_start3A_90 = arith.constant 800 : i32
      %dma_start3A_91 = tpu.memref_slice %arg8[%dma_start3A_90] : memref<1600xi32, #tpu.memory_space<vmem>> -> memref<800xi32, #tpu.memory_space<vmem>>
      %dma_start3A_92 = tpu.memref_slice %arg4[%add3A_15] : memref<320000xi32, #tpu.memory_space<hbm>> -> memref<800xi32, #tpu.memory_space<hbm>>
      %dma_start3A_93 = arith.constant 800 : i32
      %dma_start3A_94 = tpu.memref_slice %arg8[%dma_start3A_93] : memref<1600xi32, #tpu.memory_space<vmem>> -> memref<800xi32, #tpu.memory_space<vmem>>
      %dma_start3A_95 = tpu.memref_slice %arg4[%add3A_15] : memref<320000xi32, #tpu.memory_space<hbm>> -> memref<800xi32, #tpu.memory_space<hbm>>
      tpu.enqueue_dma source(%dma_start3A_95 : memref<800xi32, #tpu.memory_space<hbm>>) target(%dma_start3A_94 : memref<800xi32, #tpu.memory_space<vmem>>) target_semaphore(%arg18 : memref<!tpu.dma_semaphore, #tpu.memory_space<semaphore_mem>>)
    } else {
    }
    %dma_start3A_26 = arith.constant 800 : i32
    %dma_start3A_27 = tpu.memref_slice %arg9[%dma_start3A_26] : memref<1600xi32, #tpu.memory_space<vmem>> -> memref<800xi32, #tpu.memory_space<vmem>>
    %dma_start3A_28 = tpu.memref_slice %arg5[%add3A_15] : memref<320000xi32, #tpu.memory_space<hbm>> -> memref<800xi32, #tpu.memory_space<hbm>>
    %dma_start3A_29 = arith.constant 800 : i32
    %dma_start3A_30 = tpu.memref_slice %arg9[%dma_start3A_29] : memref<1600xi32, #tpu.memory_space<vmem>> -> memref<800xi32, #tpu.memory_space<vmem>>
    %dma_start3A_31 = tpu.memref_slice %arg5[%add3A_15] : memref<320000xi32, #tpu.memory_space<hbm>> -> memref<800xi32, #tpu.memory_space<hbm>>
    tpu.enqueue_dma source(%dma_start3A_31 : memref<800xi32, #tpu.memory_space<hbm>>) target(%dma_start3A_30 : memref<800xi32, #tpu.memory_space<vmem>>) target_semaphore(%arg18 : memref<!tpu.dma_semaphore, #tpu.memory_space<semaphore_mem>>)
    %broadcast_in_dim3A = arith.constant 0.000000e+00 : f32
    %broadcast_in_dim3A_32 = vector.broadcast %broadcast_in_dim3A : f32 to vector<16xf32>
    %scan3A = arith.constant 0 : i32
    %scan3A_33 = arith.constant 0 : i32
    %scan3A_34 = arith.constant 16 : i32
    %scan3A_35 = arith.addi %scan3A_33, %scan3A_34 : i32
    %scan3A_36 = arith.constant 1 : i32
    %scan3A_37 = scf.for %scan3A_90 = %scan3A_33 to %scan3A_35 step %scan3A_36 iter_args(%scan3A_91 = %scan3A) -> (i32)  : i32 {
      %swap3A = arith.index_cast %scan3A_90 : i32 to index
      %swap3A_92 = arith.constant 0 : index
      %swap3A_93 = tpu.vector_load %arg10[%swap3A, %swap3A_92] {strides = array<i32>} : memref<96x128xf32, #tpu.memory_space<vmem>>, vector<1x16xf32>,
      %swap3A_94 = vector.shape_cast %swap3A_93 : vector<1x16xf32> to vector<16xf32>
      %swap3A_95 = vector.shape_cast %broadcast_in_dim3A_32 : vector<16xf32> to vector<1x16xf32>
      tpu.vector_store %arg10[%swap3A, %swap3A_92], %swap3A_95 {strides = array<i32>} : memref<96x128xf32, #tpu.memory_space<vmem>>, vector<1x16xf32>,
      %swap3A_96 = arith.index_cast %scan3A_90 : i32 to index
      %swap3A_97 = arith.constant 16 : index
      %swap3A_98 = tpu.vector_load %arg10[%swap3A_96, %swap3A_97] {strides = array<i32>} : memref<96x128xf32, #tpu.memory_space<vmem>>, vector<1x16xf32>,
      %swap3A_99 = vector.shape_cast %swap3A_98 : vector<1x16xf32> to vector<16xf32>
      %swap3A_100 = vector.shape_cast %broadcast_in_dim3A_32 : vector<16xf32> to vector<1x16xf32>
      tpu.vector_store %arg10[%swap3A_96, %swap3A_97], %swap3A_100 {strides = array<i32>} : memref<96x128xf32, #tpu.memory_space<vmem>>, vector<1x16xf32>,
      %swap3A_101 = arith.index_cast %scan3A_90 : i32 to index
      %swap3A_102 = arith.constant 32 : index
      %swap3A_103 = tpu.vector_load %arg10[%swap3A_101, %swap3A_102] {strides = array<i32>} : memref<96x128xf32, #tpu.memory_space<vmem>>, vector<1x16xf32>,
      %swap3A_104 = vector.shape_cast %swap3A_103 : vector<1x16xf32> to vector<16xf32>
      %swap3A_105 = vector.shape_cast %broadcast_in_dim3A_32 : vector<16xf32> to vector<1x16xf32>
      tpu.vector_store %arg10[%swap3A_101, %swap3A_102], %swap3A_105 {strides = array<i32>} : memref<96x128xf32, #tpu.memory_space<vmem>>, vector<1x16xf32>,
      %swap3A_106 = arith.index_cast %scan3A_90 : i32 to index
      %swap3A_107 = arith.constant 48 : index
      %swap3A_108 = tpu.vector_load %arg10[%swap3A_106, %swap3A_107] {strides = array<i32>} : memref<96x128xf32, #tpu.memory_space<vmem>>, vector<1x16xf32>,
      %swap3A_109 = vector.shape_cast %swap3A_108 : vector<1x16xf32> to vector<16xf32>
      %swap3A_110 = vector.shape_cast %broadcast_in_dim3A_32 : vector<16xf32> to vector<1x16xf32>
      tpu.vector_store %arg10[%swap3A_106, %swap3A_107], %swap3A_110 {strides = array<i32>} : memref<96x128xf32, #tpu.memory_space<vmem>>, vector<1x16xf32>,
      %swap3A_111 = arith.index_cast %scan3A_90 : i32 to index
      %swap3A_112 = arith.constant 64 : index
      %swap3A_113 = tpu.vector_load %arg10[%swap3A_111, %swap3A_112] {strides = array<i32>} : memref<96x128xf32, #tpu.memory_space<vmem>>, vector<1x16xf32>,
      %swap3A_114 = vector.shape_cast %swap3A_113 : vector<1x16xf32> to vector<16xf32>
      %swap3A_115 = vector.shape_cast %broadcast_in_dim3A_32 : vector<16xf32> to vector<1x16xf32>
      tpu.vector_store %arg10[%swap3A_111, %swap3A_112], %swap3A_115 {strides = array<i32>} : memref<96x128xf32, #tpu.memory_space<vmem>>, vector<1x16xf32>,
      %swap3A_116 = arith.index_cast %scan3A_90 : i32 to index
      %swap3A_117 = arith.constant 80 : index
      %swap3A_118 = tpu.vector_load %arg10[%swap3A_116, %swap3A_117] {strides = array<i32>} : memref<96x128xf32, #tpu.memory_space<vmem>>, vector<1x16xf32>,
      %swap3A_119 = vector.shape_cast %swap3A_118 : vector<1x16xf32> to vector<16xf32>
      %swap3A_120 = vector.shape_cast %broadcast_in_dim3A_32 : vector<16xf32> to vector<1x16xf32>
      tpu.vector_store %arg10[%swap3A_116, %swap3A_117], %swap3A_120 {strides = array<i32>} : memref<96x128xf32, #tpu.memory_space<vmem>>, vector<1x16xf32>,
      %swap3A_121 = arith.index_cast %scan3A_90 : i32 to index
      %swap3A_122 = arith.constant 96 : index
      %swap3A_123 = tpu.vector_load %arg10[%swap3A_121, %swap3A_122] {strides = array<i32>} : memref<96x128xf32, #tpu.memory_space<vmem>>, vector<1x16xf32>,
      %swap3A_124 = vector.shape_cast %swap3A_123 : vector<1x16xf32> to vector<16xf32>
      %swap3A_125 = vector.shape_cast %broadcast_in_dim3A_32 : vector<16xf32> to vector<1x16xf32>
      tpu.vector_store %arg10[%swap3A_121, %swap3A_122], %swap3A_125 {strides = array<i32>} : memref<96x128xf32, #tpu.memory_space<vmem>>, vector<1x16xf32>,
      %swap3A_126 = arith.index_cast %scan3A_90 : i32 to index
      %swap3A_127 = arith.constant 112 : index
      %swap3A_128 = tpu.vector_load %arg10[%swap3A_126, %swap3A_127] {strides = array<i32>} : memref<96x128xf32, #tpu.memory_space<vmem>>, vector<1x16xf32>,
      %swap3A_129 = vector.shape_cast %swap3A_128 : vector<1x16xf32> to vector<16xf32>
      %swap3A_130 = vector.shape_cast %broadcast_in_dim3A_32 : vector<16xf32> to vector<1x16xf32>
      tpu.vector_store %arg10[%swap3A_126, %swap3A_127], %swap3A_130 {strides = array<i32>} : memref<96x128xf32, #tpu.memory_space<vmem>>, vector<1x16xf32>,
      %scan3A_131 = arith.constant 0 : i32
      scf.yield %scan3A_131 : i32
    }
    %scan3A_38 = arith.constant 16 : i32
    %scan3A_39 = arith.constant 0 : i32
    %scan3A_40 = arith.constant 0 : i32
    %scan3A_41 = arith.constant 20 : i32
    %scan3A_42 = arith.addi %scan3A_40, %scan3A_41 : i32
    %scan3A_43 = arith.constant 1 : i32
    %scan3A_44 = scf.for %scan3A_90 = %scan3A_40 to %scan3A_42 step %scan3A_43 iter_args(%scan3A_91 = %scan3A_39) -> (i32)  : i32 {
      %mul3A_92 = arith.constant 16 : i32
      %mul3A_93 = arith.muli %mul3A_92, %scan3A_90 : i32
      %add3A_94 = arith.addi %arg1, %mul3A_93 : i32
      %lt3A = arith.constant 313 : i32
      %lt3A_95 = arith.cmpi slt, %add3A_94, %lt3A : i32
      %convert_element_type3A_96 = arith.extui %lt3A_95 : i1 to i32
      %cond3A_97 = arith.constant 0 : i32
      %cond3A_98 = arith.cmpi ne, %convert_element_type3A_96, %cond3A_97 : i32
      scf.if %cond3A_98 {
        %mul3A_100 = arith.constant 16 : i32
        %mul3A_101 = arith.muli %add3A_94, %mul3A_100 : i32
        "tpu.region"() ({
          %run_scoped3A = tpu.sem_alloc : memref<!tpu.dma_semaphore, #tpu.memory_space<semaphore_mem>>
          %dma_start3A_102 = arith.constant 0 : i32
          %dma_start3A_103 = arith.constant 0 : i32
          %dma_start3A_104 = tpu.memref_slice %arg10[%dma_start3A_102, %dma_start3A_103] : memref<96x128xf32, #tpu.memory_space<vmem>> -> memref<16x128xf32, #tpu.memory_space<vmem>>
          %dma_start3A_105 = arith.constant 0 : i32
          %dma_start3A_106 = tpu.memref_slice %arg11[%mul3A_101, %dma_start3A_105] : memref<5008x128xf32, #tpu.memory_space<vmem_shared>> -> memref<16x128xf32, #tpu.memory_space<vmem_shared>>
          %dma_start3A_107 = arith.constant 0 : i32
          %dma_start3A_108 = tpu.memref_slice %arg11[%mul3A_101, %dma_start3A_107] : memref<5008x128xf32, #tpu.memory_space<vmem_shared>> -> memref<16x128xf32, #tpu.memory_space<vmem_shared>>
          %dma_start3A_109 = arith.constant 0 : i32
          %dma_start3A_110 = arith.constant 0 : i32
          %dma_start3A_111 = tpu.memref_slice %arg10[%dma_start3A_109, %dma_start3A_110] : memref<96x128xf32, #tpu.memory_space<vmem>> -> memref<16x128xf32, #tpu.memory_space<vmem>>
          tpu.enqueue_dma source(%dma_start3A_111 : memref<16x128xf32, #tpu.memory_space<vmem>>) target(%dma_start3A_108 : memref<16x128xf32, #tpu.memory_space<vmem_shared>>) target_semaphore(%run_scoped3A : memref<!tpu.dma_semaphore, #tpu.memory_space<semaphore_mem>>)
          %dma_wait3A_112 = arith.constant 0 : i32
          %dma_wait3A_113 = arith.constant 0 : i32
          %dma_wait3A_114 = tpu.memref_slice %arg10[%dma_wait3A_112, %dma_wait3A_113] : memref<96x128xf32, #tpu.memory_space<vmem>> -> memref<16x128xf32, #tpu.memory_space<vmem>>
          %dma_wait3A_115 = arith.constant 0 : i32
          %dma_wait3A_116 = tpu.memref_slice %arg11[%mul3A_101, %dma_wait3A_115] : memref<5008x128xf32, #tpu.memory_space<vmem_shared>> -> memref<16x128xf32, #tpu.memory_space<vmem_shared>>
          %dma_wait3A_117 = arith.constant 0 : i32
          %dma_wait3A_118 = tpu.memref_slice %arg11[%mul3A_101, %dma_wait3A_117] : memref<5008x128xf32, #tpu.memory_space<vmem_shared>> -> memref<16x128xf32, #tpu.memory_space<vmem_shared>>
          %dma_wait3A_119 = arith.constant 0 : i32
          %dma_wait3A_120 = arith.constant 0 : i32
          %dma_wait3A_121 = tpu.memref_slice %arg10[%dma_wait3A_119, %dma_wait3A_120] : memref<96x128xf32, #tpu.memory_space<vmem>> -> memref<16x128xf32, #tpu.memory_space<vmem>>
          tpu.wait_dma2 semaphore(%run_scoped3A : memref<!tpu.dma_semaphore, #tpu.memory_space<semaphore_mem>>) src(%dma_wait3A_121 : memref<16x128xf32, #tpu.memory_space<vmem>>) dst(%dma_wait3A_118 : memref<16x128xf32, #tpu.memory_space<vmem_shared>>)
          tpu.yield
        }) : () -> ()
      } else {
      }
      %scan3A_99 = arith.constant 0 : i32
      scf.yield %scan3A_99 : i32
    }
    %scan3A_45 = arith.constant 20 : i32
    %barrier3A = arith.constant 0 : index
    tpu.barrier barrier_id(%barrier3A)
    %dma_wait3A = tpu.memref_slice %arg5[%mul3A_0] : memref<320000xi32, #tpu.memory_space<hbm>> -> memref<3200xi32, #tpu.memory_space<hbm>>
    %dma_wait3A_46 = tpu.memref_slice %arg5[%mul3A_0] : memref<320000xi32, #tpu.memory_space<hbm>> -> memref<3200xi32, #tpu.memory_space<hbm>>
    tpu.wait_dma2 semaphore(%arg18 : memref<!tpu.dma_semaphore, #tpu.memory_space<semaphore_mem>>) src(%dma_wait3A_46 : memref<3200xi32, #tpu.memory_space<hbm>>) dst(%arg8 : memref<1600xi32, #tpu.memory_space<vmem>>)
    %dma_start3A_47 = arith.constant 0 : i32
    %dma_start3A_48 = arith.constant 0 : i32
    %dma_start3A_49 = tpu.memref_slice %arg10[%dma_start3A_47, %dma_start3A_48] : memref<96x128xf32, #tpu.memory_space<vmem>> -> memref<32x128xf32, #tpu.memory_space<vmem>>
    %dma_start3A_50 = arith.constant 0 : i32
    %dma_start3A_51 = tpu.memref_slice %arg8[%dma_start3A_50] : memref<1600xi32, #tpu.memory_space<vmem>> -> memref<32xi32, #tpu.memory_space<vmem>>
    %dma_start3A_52 = arith.constant 0 : i32
    %dma_start3A_53 = arith.constant 0 : i32
    %dma_start3A_54 = tpu.memref_slice %arg2[%dma_start3A_52, %dma_start3A_53] : memref<20000x128xf32, #tpu.memory_space<hbm>> -> memref<20000x128xf32, #tpu.memory_space<hbm>>
    tpu.enqueue_indirect_dma source(%dma_start3A_54 : memref<20000x128xf32, #tpu.memory_space<hbm>>) target(%dma_start3A_49 : memref<32x128xf32, #tpu.memory_space<vmem>>) offsets(%dma_start3A_51 : memref<32xi32, #tpu.memory_space<vmem>>) semaphore(%arg12 : memref<!tpu.dma_semaphore, #tpu.memory_space<semaphore_mem>>)
    %dma_start3A_55 = arith.constant 32 : i32
    %dma_start3A_56 = arith.constant 0 : i32
    %dma_start3A_57 = tpu.memref_slice %arg10[%dma_start3A_55, %dma_start3A_56] : memref<96x128xf32, #tpu.memory_space<vmem>> -> memref<32x128xf32, #tpu.memory_space<vmem>>
    %dma_start3A_58 = arith.constant 32 : i32
    %dma_start3A_59 = tpu.memref_slice %arg8[%dma_start3A_58] : memref<1600xi32, #tpu.memory_space<vmem>> -> memref<32xi32, #tpu.memory_space<vmem>>
    %dma_start3A_60 = arith.constant 0 : i32
    %dma_start3A_61 = arith.constant 0 : i32
    %dma_start3A_62 = tpu.memref_slice %arg2[%dma_start3A_60, %dma_start3A_61] : memref<20000x128xf32, #tpu.memory_space<hbm>> -> memref<20000x128xf32, #tpu.memory_space<hbm>>
    tpu.enqueue_indirect_dma source(%dma_start3A_62 : memref<20000x128xf32, #tpu.memory_space<hbm>>) target(%dma_start3A_57 : memref<32x128xf32, #tpu.memory_space<vmem>>) offsets(%dma_start3A_59 : memref<32xi32, #tpu.memory_space<vmem>>) semaphore(%arg13 : memref<!tpu.dma_semaphore, #tpu.memory_space<semaphore_mem>>)
    %scan3A_63 = arith.constant 0 : i32
    %scan3A_64 = arith.constant 0 : i32
    %scan3A_65 = arith.constant 25 : i32
    %scan3A_66 = arith.addi %scan3A_64, %scan3A_65 : i32
    %scan3A_67 = arith.constant 1 : i32
    %scan3A_68 = scf.for %scan3A_90 = %scan3A_64 to %scan3A_66 step %scan3A_67 iter_args(%scan3A_91 = %scan3A_63) -> (i32)  : i32 {
      %rem3A = arith.constant 2 : i32
      %rem3A_92 = arith.remsi %scan3A_90, %rem3A : i32
      %mul3A_93 = arith.constant 800 : i32
      %mul3A_94 = arith.muli %rem3A_92, %mul3A_93 : i32
      %sub3A = arith.constant 800 : i32
      %sub3A_95 = arith.subi %sub3A, %mul3A_94 : i32
      %ge3A = arith.constant 1 : i32
      %ge3A_96 = arith.cmpi sge, %scan3A_90, %ge3A : i32
      %add3A_97 = arith.constant 1 : i32
      %add3A_98 = arith.addi %scan3A_90, %add3A_97 : i32
      %lt3A = arith.constant 25 : i32
      %lt3A_99 = arith.cmpi slt, %add3A_98, %lt3A : i32
      %and3A = arith.andi %ge3A_96, %lt3A_99 : i1
      %convert_element_type3A_100 = arith.extui %and3A : i1 to i32
      %cond3A_101 = arith.constant 0 : i32
      %cond3A_102 = arith.cmpi ne, %convert_element_type3A_100, %cond3A_101 : i32
      scf.if %cond3A_102 {
        %add3A_111 = arith.constant 1 : i32
        %add3A_112 = arith.addi %scan3A_90, %add3A_111 : i32
        %add3A_113 = arith.constant 1 : i32
        %add3A_114 = arith.addi %scan3A_90, %add3A_113 : i32
        %rem3A_115 = arith.constant 2 : i32
        %rem3A_116 = arith.remsi %add3A_114, %rem3A_115 : i32
        %mul3A_117 = arith.constant 800 : i32
        %mul3A_118 = arith.muli %add3A_112, %mul3A_117 : i32
        %add3A_119 = arith.addi %mul3A_0, %mul3A_118 : i32
        %mul3A_120 = arith.constant 800 : i32
        %mul3A_121 = arith.muli %rem3A_116, %mul3A_120 : i32
        %eq3A_122 = arith.constant 0 : i32
        %eq3A_123 = arith.cmpi eq, %arg0, %eq3A_122 : i32
        %convert_element_type3A_124 = arith.extui %eq3A_123 : i1 to i32
        %cond3A_125 = arith.constant 0 : i32
        %cond3A_126 = arith.cmpi ne, %convert_element_type3A_124, %cond3A_125 : i32
        scf.if %cond3A_126 {
          %dma_start3A_136 = tpu.memref_slice %arg8[%mul3A_121] : memref<1600xi32, #tpu.memory_space<vmem>> -> memref<800xi32, #tpu.memory_space<vmem>>
          %dma_start3A_137 = tpu.memref_slice %arg3[%add3A_119] : memref<320000xi32, #tpu.memory_space<hbm>> -> memref<800xi32, #tpu.memory_space<hbm>>
          %dma_start3A_138 = tpu.memref_slice %arg8[%mul3A_121] : memref<1600xi32, #tpu.memory_space<vmem>> -> memref<800xi32, #tpu.memory_space<vmem>>
          %dma_start3A_139 = tpu.memref_slice %arg3[%add3A_119] : memref<320000xi32, #tpu.memory_space<hbm>> -> memref<800xi32, #tpu.memory_space<hbm>>
          tpu.enqueue_dma source(%dma_start3A_139 : memref<800xi32, #tpu.memory_space<hbm>>) target(%dma_start3A_138 : memref<800xi32, #tpu.memory_space<vmem>>) target_semaphore(%arg18 : memref<!tpu.dma_semaphore, #tpu.memory_space<semaphore_mem>>)
        } else {
        }
        %eq3A_127 = arith.constant 1 : i32
        %eq3A_128 = arith.cmpi eq, %arg0, %eq3A_127 : i32
        %convert_element_type3A_129 = arith.extui %eq3A_128 : i1 to i32
        %cond3A_130 = arith.constant 0 : i32
        %cond3A_131 = arith.cmpi ne, %convert_element_type3A_129, %cond3A_130 : i32
        scf.if %cond3A_131 {
          %dma_start3A_136 = tpu.memref_slice %arg8[%mul3A_121] : memref<1600xi32, #tpu.memory_space<vmem>> -> memref<800xi32, #tpu.memory_space<vmem>>
          %dma_start3A_137 = tpu.memref_slice %arg4[%add3A_119] : memref<320000xi32, #tpu.memory_space<hbm>> -> memref<800xi32, #tpu.memory_space<hbm>>
          %dma_start3A_138 = tpu.memref_slice %arg8[%mul3A_121] : memref<1600xi32, #tpu.memory_space<vmem>> -> memref<800xi32, #tpu.memory_space<vmem>>
          %dma_start3A_139 = tpu.memref_slice %arg4[%add3A_119] : memref<320000xi32, #tpu.memory_space<hbm>> -> memref<800xi32, #tpu.memory_space<hbm>>
          tpu.enqueue_dma source(%dma_start3A_139 : memref<800xi32, #tpu.memory_space<hbm>>) target(%dma_start3A_138 : memref<800xi32, #tpu.memory_space<vmem>>) target_semaphore(%arg18 : memref<!tpu.dma_semaphore, #tpu.memory_space<semaphore_mem>>)
        } else {
        }
        %dma_start3A_132 = tpu.memref_slice %arg9[%mul3A_121] : memref<1600xi32, #tpu.memory_space<vmem>> -> memref<800xi32, #tpu.memory_space<vmem>>
        %dma_start3A_133 = tpu.memref_slice %arg5[%add3A_119] : memref<320000xi32, #tpu.memory_space<hbm>> -> memref<800xi32, #tpu.memory_space<hbm>>
        %dma_start3A_134 = tpu.memref_slice %arg9[%mul3A_121] : memref<1600xi32, #tpu.memory_space<vmem>> -> memref<800xi32, #tpu.memory_space<vmem>>
        %dma_start3A_135 = tpu.memref_slice %arg5[%add3A_119] : memref<320000xi32, #tpu.memory_space<hbm>> -> memref<800xi32, #tpu.memory_space<hbm>>
        tpu.enqueue_dma source(%dma_start3A_135 : memref<800xi32, #tpu.memory_space<hbm>>) target(%dma_start3A_134 : memref<800xi32, #tpu.memory_space<vmem>>) target_semaphore(%arg18 : memref<!tpu.dma_semaphore, #tpu.memory_space<semaphore_mem>>)
      } else {
      }
      %scan3A_103 = arith.constant 0 : i32
      %scan3A_104 = arith.constant 0 : i32
      %scan3A_105 = arith.constant 25 : i32
      %scan3A_106 = arith.addi %scan3A_104, %scan3A_105 : i32
      %scan3A_107 = arith.constant 1 : i32
      %scan3A_108 = scf.for %scan3A_111 = %scan3A_104 to %scan3A_106 step %scan3A_107 iter_args(%scan3A_112 = %scan3A_103) -> (i32)  : i32 {
        %mul3A_113 = arith.constant 32 : i32
        %mul3A_114 = arith.muli %scan3A_111, %mul3A_113 : i32
        %add3A_115 = arith.addi %mul3A_94, %mul3A_114 : i32
        %add3A_116 = arith.constant 2 : i32
        %add3A_117 = arith.addi %scan3A_111, %add3A_116 : i32
        %lt3A_118 = arith.constant 25 : i32
        %lt3A_119 = arith.cmpi slt, %add3A_117, %lt3A_118 : i32
        %mul3A_120 = arith.constant 32 : i32
        %mul3A_121 = arith.muli %add3A_117, %mul3A_120 : i32
        %add3A_122 = arith.addi %mul3A_94, %mul3A_121 : i32
        %sub3A_123 = arith.constant 25 : i32
        %sub3A_124 = arith.subi %add3A_117, %sub3A_123 : i32
        %mul3A_125 = arith.constant 32 : i32
        %mul3A_126 = arith.muli %sub3A_124, %mul3A_125 : i32
        %add3A_127 = arith.addi %sub3A_95, %mul3A_126 : i32
        %select_n3A = arith.select %lt3A_119, %add3A_122, %add3A_127 : i32
        %add3A_128 = arith.constant 1 : i32
        %add3A_129 = arith.addi %scan3A_90, %add3A_128 : i32
        %lt3A_130 = arith.constant 25 : i32
        %lt3A_131 = arith.cmpi slt, %add3A_129, %lt3A_130 : i32
        %lt3A_132 = arith.constant 25 : i32
        %lt3A_133 = arith.cmpi slt, %add3A_117, %lt3A_132 : i32
        %or3A = arith.ori %lt3A_131, %lt3A_133 : i1
        %eq3A_134 = arith.constant 25 : i32
        %eq3A_135 = arith.cmpi eq, %add3A_117, %eq3A_134 : i32
        %add3A_136 = arith.constant 1 : i32
        %add3A_137 = arith.addi %scan3A_90, %add3A_136 : i32
        %lt3A_138 = arith.constant 25 : i32
        %lt3A_139 = arith.cmpi slt, %add3A_137, %lt3A_138 : i32
        %and3A_140 = arith.andi %eq3A_135, %lt3A_139 : i1
        %convert_element_type3A_141 = arith.extui %and3A_140 : i1 to i32
        %cond3A_142 = arith.constant 0 : i32
        %cond3A_143 = arith.cmpi ne, %convert_element_type3A_141, %cond3A_142 : i32
        scf.if %cond3A_143 {
          %dma_wait3A_163 = tpu.memref_slice %arg5[%mul3A_0] : memref<320000xi32, #tpu.memory_space<hbm>> -> memref<1600xi32, #tpu.memory_space<hbm>>
          %dma_wait3A_164 = tpu.memref_slice %arg5[%mul3A_0] : memref<320000xi32, #tpu.memory_space<hbm>> -> memref<1600xi32, #tpu.memory_space<hbm>>
          tpu.wait_dma2 semaphore(%arg18 : memref<!tpu.dma_semaphore, #tpu.memory_space<semaphore_mem>>) src(%dma_wait3A_164 : memref<1600xi32, #tpu.memory_space<hbm>>) dst(%arg8 : memref<1600xi32, #tpu.memory_space<vmem>>)
        } else {
        }
        %add3A_144 = arith.addi %scan3A_90, %scan3A_111 : i32
        %rem3A_145 = arith.constant 3 : i32
        %rem3A_146 = arith.remsi %add3A_144, %rem3A_145 : i32
        %eq3A_147 = arith.constant 0 : i32
        %eq3A_148 = arith.cmpi eq, %rem3A_146, %eq3A_147 : i32
        %convert_element_type3A_149 = arith.extui %eq3A_148 : i1 to i32
        %cond3A_150 = arith.constant 0 : i32
        %cond3A_151 = arith.cmpi ne, %convert_element_type3A_149, %cond3A_150 : i32
        scf.if %cond3A_151 {
          %gt3A = arith.constant 0 : i32
          %gt3A_163 = arith.cmpi sgt, %scan3A_90, %gt3A : i32
          %gt3A_164 = arith.constant 0 : i32
          %gt3A_165 = arith.cmpi sgt, %scan3A_111, %gt3A_164 : i32
          %or3A_166 = arith.ori %gt3A_163, %gt3A_165 : i1
          %convert_element_type3A_167 = arith.extui %or3A_166 : i1 to i32
          %cond3A_168 = arith.constant 0 : i32
          %cond3A_169 = arith.cmpi ne, %convert_element_type3A_167, %cond3A_168 : i32
          scf.if %cond3A_169 {
            %dma_wait3A_201 = arith.constant 64 : i32
            %dma_wait3A_202 = arith.constant 0 : i32
            %dma_wait3A_203 = tpu.memref_slice %arg10[%dma_wait3A_201, %dma_wait3A_202] : memref<96x128xf32, #tpu.memory_space<vmem>> -> memref<32x128xf32, #tpu.memory_space<vmem>>
            %dma_wait3A_204 = arith.constant 0 : i32
            %dma_wait3A_205 = arith.constant 0 : i32
            %dma_wait3A_206 = tpu.memref_slice %arg2[%dma_wait3A_204, %dma_wait3A_205] : memref<20000x128xf32, #tpu.memory_space<hbm>> -> memref<32x128xf32, #tpu.memory_space<hbm>>
            %dma_wait3A_207 = arith.constant 64 : i32
            %dma_wait3A_208 = arith.constant 0 : i32
            %dma_wait3A_209 = tpu.memref_slice %arg10[%dma_wait3A_207, %dma_wait3A_208] : memref<96x128xf32, #tpu.memory_space<vmem>> -> memref<32x128xf32, #tpu.memory_space<vmem>>
            %dma_wait3A_210 = arith.constant 0 : i32
            %dma_wait3A_211 = arith.constant 0 : i32
            %dma_wait3A_212 = tpu.memref_slice %arg2[%dma_wait3A_210, %dma_wait3A_211] : memref<20000x128xf32, #tpu.memory_space<hbm>> -> memref<32x128xf32, #tpu.memory_space<hbm>>
            tpu.wait_dma2 semaphore(%arg17 : memref<!tpu.dma_semaphore, #tpu.memory_space<semaphore_mem>>) src(%dma_wait3A_212 : memref<32x128xf32, #tpu.memory_space<hbm>>) dst(%dma_wait3A_209 : memref<32x128xf32, #tpu.memory_space<vmem>>)
          } else {
          }
          %convert_element_type3A_170 = arith.extui %or3A : i1 to i32
          %cond3A_171 = arith.constant 0 : i32
          %cond3A_172 = arith.cmpi ne, %convert_element_type3A_170, %cond3A_171 : i32
          scf.if %cond3A_172 {
            %dma_start3A_201 = arith.constant 64 : i32
            %dma_start3A_202 = arith.constant 0 : i32
            %dma_start3A_203 = tpu.memref_slice %arg10[%dma_start3A_201, %dma_start3A_202] : memref<96x128xf32, #tpu.memory_space<vmem>> -> memref<32x128xf32, #tpu.memory_space<vmem>>
            %dma_start3A_204 = tpu.memref_slice %arg8[%select_n3A] : memref<1600xi32, #tpu.memory_space<vmem>> -> memref<32xi32, #tpu.memory_space<vmem>>
            %dma_start3A_205 = arith.constant 0 : i32
            %dma_start3A_206 = arith.constant 0 : i32
            %dma_start3A_207 = tpu.memref_slice %arg2[%dma_start3A_205, %dma_start3A_206] : memref<20000x128xf32, #tpu.memory_space<hbm>> -> memref<20000x128xf32, #tpu.memory_space<hbm>>
            tpu.enqueue_indirect_dma source(%dma_start3A_207 : memref<20000x128xf32, #tpu.memory_space<hbm>>) target(%dma_start3A_203 : memref<32x128xf32, #tpu.memory_space<vmem>>) offsets(%dma_start3A_204 : memref<32xi32, #tpu.memory_space<vmem>>) semaphore(%arg14 : memref<!tpu.dma_semaphore, #tpu.memory_space<semaphore_mem>>)
          } else {
          }
          %dma_wait3A_173 = arith.constant 0 : i32
          %dma_wait3A_174 = arith.constant 0 : i32
          %dma_wait3A_175 = tpu.memref_slice %arg10[%dma_wait3A_173, %dma_wait3A_174] : memref<96x128xf32, #tpu.memory_space<vmem>> -> memref<32x128xf32, #tpu.memory_space<vmem>>
          %dma_wait3A_176 = tpu.memref_slice %arg8[%add3A_115] : memref<1600xi32, #tpu.memory_space<vmem>> -> memref<32xi32, #tpu.memory_space<vmem>>
          %dma_wait3A_177 = arith.constant 0 : i32
          %dma_wait3A_178 = arith.constant 0 : i32
          %dma_wait3A_179 = tpu.memref_slice %arg2[%dma_wait3A_177, %dma_wait3A_178] : memref<20000x128xf32, #tpu.memory_space<hbm>> -> memref<20000x128xf32, #tpu.memory_space<hbm>>
          tpu.wait_indirect_dma semaphore(%arg12 : memref<!tpu.dma_semaphore, #tpu.memory_space<semaphore_mem>>) src(%dma_wait3A_179 : memref<20000x128xf32, #tpu.memory_space<hbm>>) dst(%dma_wait3A_175 : memref<32x128xf32, #tpu.memory_space<vmem>>)
          %add3A_180 = arith.constant 0 : i32
          %add3A_181 = arith.addi %add3A_115, %add3A_180 : i32
          %get3A = arith.index_cast %add3A_181 : i32 to index
          %get3A_182 = tpu.vector_load %arg9[%get3A] {strides = array<i32>} : memref<1600xi32, #tpu.memory_space<vmem>>, vector<16xi32>,
          %get3A_183 = vector.shape_cast %get3A_182 : vector<16xi32> to vector<16xi32>
          %dma_start3A_184 = arith.constant 0 : i32
          %dma_start3A_185 = arith.constant 0 : i32
          %dma_start3A_186 = tpu.memref_slice %arg10[%dma_start3A_184, %dma_start3A_185] : memref<96x128xf32, #tpu.memory_space<vmem>> -> memref<16x128xf32, #tpu.memory_space<vmem>>
          %dma_start3A_187 = arith.constant 0 : i32
          %dma_start3A_188 = arith.constant 0 : i32
          %dma_start3A_189 = tpu.memref_slice %arg11[%dma_start3A_187, %dma_start3A_188] : memref<5008x128xf32, #tpu.memory_space<vmem_shared>> -> memref<5008x128xf32, #tpu.memory_space<vmem_shared>>
          tpu.enqueue_indirect_dma source(%dma_start3A_186 : memref<16x128xf32, #tpu.memory_space<vmem>>) target(%dma_start3A_189 : memref<5008x128xf32, #tpu.memory_space<vmem_shared>>) offsets(%get3A_183 : vector<16xi32>) semaphore(%arg15 : memref<!tpu.dma_semaphore, #tpu.memory_space<semaphore_mem>>) {add = true}
          %add3A_190 = arith.constant 16 : i32
          %add3A_191 = arith.addi %add3A_115, %add3A_190 : i32
          %get3A_192 = arith.index_cast %add3A_191 : i32 to index
          %get3A_193 = tpu.vector_load %arg9[%get3A_192] {strides = array<i32>} : memref<1600xi32, #tpu.memory_space<vmem>>, vector<16xi32>,
          %get3A_194 = vector.shape_cast %get3A_193 : vector<16xi32> to vector<16xi32>
          %dma_start3A_195 = arith.constant 16 : i32
          %dma_start3A_196 = arith.constant 0 : i32
          %dma_start3A_197 = tpu.memref_slice %arg10[%dma_start3A_195, %dma_start3A_196] : memref<96x128xf32, #tpu.memory_space<vmem>> -> memref<16x128xf32, #tpu.memory_space<vmem>>
          %dma_start3A_198 = arith.constant 0 : i32
          %dma_start3A_199 = arith.constant 0 : i32
          %dma_start3A_200 = tpu.memref_slice %arg11[%dma_start3A_198, %dma_start3A_199] : memref<5008x128xf32, #tpu.memory_space<vmem_shared>> -> memref<5008x128xf32, #tpu.memory_space<vmem_shared>>
          tpu.enqueue_indirect_dma source(%dma_start3A_197 : memref<16x128xf32, #tpu.memory_space<vmem>>) target(%dma_start3A_200 : memref<5008x128xf32, #tpu.memory_space<vmem_shared>>) offsets(%get3A_194 : vector<16xi32>) semaphore(%arg15 : memref<!tpu.dma_semaphore, #tpu.memory_space<semaphore_mem>>) {add = true}
        } else {
        }
        %eq3A_152 = arith.constant 1 : i32
        %eq3A_153 = arith.cmpi eq, %rem3A_146, %eq3A_152 : i32
        %convert_element_type3A_154 = arith.extui %eq3A_153 : i1 to i32
        %cond3A_155 = arith.constant 0 : i32
        %cond3A_156 = arith.cmpi ne, %convert_element_type3A_154, %cond3A_155 : i32
        scf.if %cond3A_156 {
          %gt3A = arith.constant 0 : i32
          %gt3A_163 = arith.cmpi sgt, %scan3A_90, %gt3A : i32
          %gt3A_164 = arith.constant 0 : i32
          %gt3A_165 = arith.cmpi sgt, %scan3A_111, %gt3A_164 : i32
          %or3A_166 = arith.ori %gt3A_163, %gt3A_165 : i1
          %convert_element_type3A_167 = arith.extui %or3A_166 : i1 to i32
          %cond3A_168 = arith.constant 0 : i32
          %cond3A_169 = arith.cmpi ne, %convert_element_type3A_167, %cond3A_168 : i32
          scf.if %cond3A_169 {
            %dma_wait3A_201 = arith.constant 0 : i32
            %dma_wait3A_202 = arith.constant 0 : i32
            %dma_wait3A_203 = tpu.memref_slice %arg10[%dma_wait3A_201, %dma_wait3A_202] : memref<96x128xf32, #tpu.memory_space<vmem>> -> memref<32x128xf32, #tpu.memory_space<vmem>>
            %dma_wait3A_204 = arith.constant 0 : i32
            %dma_wait3A_205 = arith.constant 0 : i32
            %dma_wait3A_206 = tpu.memref_slice %arg2[%dma_wait3A_204, %dma_wait3A_205] : memref<20000x128xf32, #tpu.memory_space<hbm>> -> memref<32x128xf32, #tpu.memory_space<hbm>>
            %dma_wait3A_207 = arith.constant 0 : i32
            %dma_wait3A_208 = arith.constant 0 : i32
            %dma_wait3A_209 = tpu.memref_slice %arg10[%dma_wait3A_207, %dma_wait3A_208] : memref<96x128xf32, #tpu.memory_space<vmem>> -> memref<32x128xf32, #tpu.memory_space<vmem>>
            %dma_wait3A_210 = arith.constant 0 : i32
            %dma_wait3A_211 = arith.constant 0 : i32
            %dma_wait3A_212 = tpu.memref_slice %arg2[%dma_wait3A_210, %dma_wait3A_211] : memref<20000x128xf32, #tpu.memory_space<hbm>> -> memref<32x128xf32, #tpu.memory_space<hbm>>
            tpu.wait_dma2 semaphore(%arg15 : memref<!tpu.dma_semaphore, #tpu.memory_space<semaphore_mem>>) src(%dma_wait3A_212 : memref<32x128xf32, #tpu.memory_space<hbm>>) dst(%dma_wait3A_209 : memref<32x128xf32, #tpu.memory_space<vmem>>)
          } else {
          }
          %convert_element_type3A_170 = arith.extui %or3A : i1 to i32
          %cond3A_171 = arith.constant 0 : i32
          %cond3A_172 = arith.cmpi ne, %convert_element_type3A_170, %cond3A_171 : i32
          scf.if %cond3A_172 {
            %dma_start3A_201 = arith.constant 0 : i32
            %dma_start3A_202 = arith.constant 0 : i32
            %dma_start3A_203 = tpu.memref_slice %arg10[%dma_start3A_201, %dma_start3A_202] : memref<96x128xf32, #tpu.memory_space<vmem>> -> memref<32x128xf32, #tpu.memory_space<vmem>>
            %dma_start3A_204 = tpu.memref_slice %arg8[%select_n3A] : memref<1600xi32, #tpu.memory_space<vmem>> -> memref<32xi32, #tpu.memory_space<vmem>>
            %dma_start3A_205 = arith.constant 0 : i32
            %dma_start3A_206 = arith.constant 0 : i32
            %dma_start3A_207 = tpu.memref_slice %arg2[%dma_start3A_205, %dma_start3A_206] : memref<20000x128xf32, #tpu.memory_space<hbm>> -> memref<20000x128xf32, #tpu.memory_space<hbm>>
            tpu.enqueue_indirect_dma source(%dma_start3A_207 : memref<20000x128xf32, #tpu.memory_space<hbm>>) target(%dma_start3A_203 : memref<32x128xf32, #tpu.memory_space<vmem>>) offsets(%dma_start3A_204 : memref<32xi32, #tpu.memory_space<vmem>>) semaphore(%arg12 : memref<!tpu.dma_semaphore, #tpu.memory_space<semaphore_mem>>)
          } else {
          }
          %dma_wait3A_173 = arith.constant 32 : i32
          %dma_wait3A_174 = arith.constant 0 : i32
          %dma_wait3A_175 = tpu.memref_slice %arg10[%dma_wait3A_173, %dma_wait3A_174] : memref<96x128xf32, #tpu.memory_space<vmem>> -> memref<32x128xf32, #tpu.memory_space<vmem>>
          %dma_wait3A_176 = tpu.memref_slice %arg8[%add3A_115] : memref<1600xi32, #tpu.memory_space<vmem>> -> memref<32xi32, #tpu.memory_space<vmem>>
          %dma_wait3A_177 = arith.constant 0 : i32
          %dma_wait3A_178 = arith.constant 0 : i32
          %dma_wait3A_179 = tpu.memref_slice %arg2[%dma_wait3A_177, %dma_wait3A_178] : memref<20000x128xf32, #tpu.memory_space<hbm>> -> memref<20000x128xf32, #tpu.memory_space<hbm>>
          tpu.wait_indirect_dma semaphore(%arg13 : memref<!tpu.dma_semaphore, #tpu.memory_space<semaphore_mem>>) src(%dma_wait3A_179 : memref<20000x128xf32, #tpu.memory_space<hbm>>) dst(%dma_wait3A_175 : memref<32x128xf32, #tpu.memory_space<vmem>>)
          %add3A_180 = arith.constant 0 : i32
          %add3A_181 = arith.addi %add3A_115, %add3A_180 : i32
          %get3A = arith.index_cast %add3A_181 : i32 to index
          %get3A_182 = tpu.vector_load %arg9[%get3A] {strides = array<i32>} : memref<1600xi32, #tpu.memory_space<vmem>>, vector<16xi32>,
          %get3A_183 = vector.shape_cast %get3A_182 : vector<16xi32> to vector<16xi32>
          %dma_start3A_184 = arith.constant 32 : i32
          %dma_start3A_185 = arith.constant 0 : i32
          %dma_start3A_186 = tpu.memref_slice %arg10[%dma_start3A_184, %dma_start3A_185] : memref<96x128xf32, #tpu.memory_space<vmem>> -> memref<16x128xf32, #tpu.memory_space<vmem>>
          %dma_start3A_187 = arith.constant 0 : i32
          %dma_start3A_188 = arith.constant 0 : i32
          %dma_start3A_189 = tpu.memref_slice %arg11[%dma_start3A_187, %dma_start3A_188] : memref<5008x128xf32, #tpu.memory_space<vmem_shared>> -> memref<5008x128xf32, #tpu.memory_space<vmem_shared>>
          tpu.enqueue_indirect_dma source(%dma_start3A_186 : memref<16x128xf32, #tpu.memory_space<vmem>>) target(%dma_start3A_189 : memref<5008x128xf32, #tpu.memory_space<vmem_shared>>) offsets(%get3A_183 : vector<16xi32>) semaphore(%arg16 : memref<!tpu.dma_semaphore, #tpu.memory_space<semaphore_mem>>) {add = true}
          %add3A_190 = arith.constant 16 : i32
          %add3A_191 = arith.addi %add3A_115, %add3A_190 : i32
          %get3A_192 = arith.index_cast %add3A_191 : i32 to index
          %get3A_193 = tpu.vector_load %arg9[%get3A_192] {strides = array<i32>} : memref<1600xi32, #tpu.memory_space<vmem>>, vector<16xi32>,
          %get3A_194 = vector.shape_cast %get3A_193 : vector<16xi32> to vector<16xi32>
          %dma_start3A_195 = arith.constant 48 : i32
          %dma_start3A_196 = arith.constant 0 : i32
          %dma_start3A_197 = tpu.memref_slice %arg10[%dma_start3A_195, %dma_start3A_196] : memref<96x128xf32, #tpu.memory_space<vmem>> -> memref<16x128xf32, #tpu.memory_space<vmem>>
          %dma_start3A_198 = arith.constant 0 : i32
          %dma_start3A_199 = arith.constant 0 : i32
          %dma_start3A_200 = tpu.memref_slice %arg11[%dma_start3A_198, %dma_start3A_199] : memref<5008x128xf32, #tpu.memory_space<vmem_shared>> -> memref<5008x128xf32, #tpu.memory_space<vmem_shared>>
          tpu.enqueue_indirect_dma source(%dma_start3A_197 : memref<16x128xf32, #tpu.memory_space<vmem>>) target(%dma_start3A_200 : memref<5008x128xf32, #tpu.memory_space<vmem_shared>>) offsets(%get3A_194 : vector<16xi32>) semaphore(%arg16 : memref<!tpu.dma_semaphore, #tpu.memory_space<semaphore_mem>>) {add = true}
        } else {
        }
        %eq3A_157 = arith.constant 2 : i32
        %eq3A_158 = arith.cmpi eq, %rem3A_146, %eq3A_157 : i32
        %convert_element_type3A_159 = arith.extui %eq3A_158 : i1 to i32
        %cond3A_160 = arith.constant 0 : i32
        %cond3A_161 = arith.cmpi ne, %convert_element_type3A_159, %cond3A_160 : i32
        scf.if %cond3A_161 {
          %gt3A = arith.constant 0 : i32
          %gt3A_163 = arith.cmpi sgt, %scan3A_90, %gt3A : i32
          %gt3A_164 = arith.constant 0 : i32
          %gt3A_165 = arith.cmpi sgt, %scan3A_111, %gt3A_164 : i32
          %or3A_166 = arith.ori %gt3A_163, %gt3A_165 : i1
          %convert_element_type3A_167 = arith.extui %or3A_166 : i1 to i32
          %cond3A_168 = arith.constant 0 : i32
          %cond3A_169 = arith.cmpi ne, %convert_element_type3A_167, %cond3A_168 : i32
          scf.if %cond3A_169 {
            %dma_wait3A_201 = arith.constant 32 : i32
            %dma_wait3A_202 = arith.constant 0 : i32
            %dma_wait3A_203 = tpu.memref_slice %arg10[%dma_wait3A_201, %dma_wait3A_202] : memref<96x128xf32, #tpu.memory_space<vmem>> -> memref<32x128xf32, #tpu.memory_space<vmem>>
            %dma_wait3A_204 = arith.constant 0 : i32
            %dma_wait3A_205 = arith.constant 0 : i32
            %dma_wait3A_206 = tpu.memref_slice %arg2[%dma_wait3A_204, %dma_wait3A_205] : memref<20000x128xf32, #tpu.memory_space<hbm>> -> memref<32x128xf32, #tpu.memory_space<hbm>>
            %dma_wait3A_207 = arith.constant 32 : i32
            %dma_wait3A_208 = arith.constant 0 : i32
            %dma_wait3A_209 = tpu.memref_slice %arg10[%dma_wait3A_207, %dma_wait3A_208] : memref<96x128xf32, #tpu.memory_space<vmem>> -> memref<32x128xf32, #tpu.memory_space<vmem>>
            %dma_wait3A_210 = arith.constant 0 : i32
            %dma_wait3A_211 = arith.constant 0 : i32
            %dma_wait3A_212 = tpu.memref_slice %arg2[%dma_wait3A_210, %dma_wait3A_211] : memref<20000x128xf32, #tpu.memory_space<hbm>> -> memref<32x128xf32, #tpu.memory_space<hbm>>
            tpu.wait_dma2 semaphore(%arg16 : memref<!tpu.dma_semaphore, #tpu.memory_space<semaphore_mem>>) src(%dma_wait3A_212 : memref<32x128xf32, #tpu.memory_space<hbm>>) dst(%dma_wait3A_209 : memref<32x128xf32, #tpu.memory_space<vmem>>)
          } else {
          }
          %convert_element_type3A_170 = arith.extui %or3A : i1 to i32
          %cond3A_171 = arith.constant 0 : i32
          %cond3A_172 = arith.cmpi ne, %convert_element_type3A_170, %cond3A_171 : i32
          scf.if %cond3A_172 {
            %dma_start3A_201 = arith.constant 32 : i32
            %dma_start3A_202 = arith.constant 0 : i32
            %dma_start3A_203 = tpu.memref_slice %arg10[%dma_start3A_201, %dma_start3A_202] : memref<96x128xf32, #tpu.memory_space<vmem>> -> memref<32x128xf32, #tpu.memory_space<vmem>>
            %dma_start3A_204 = tpu.memref_slice %arg8[%select_n3A] : memref<1600xi32, #tpu.memory_space<vmem>> -> memref<32xi32, #tpu.memory_space<vmem>>
            %dma_start3A_205 = arith.constant 0 : i32
            %dma_start3A_206 = arith.constant 0 : i32
            %dma_start3A_207 = tpu.memref_slice %arg2[%dma_start3A_205, %dma_start3A_206] : memref<20000x128xf32, #tpu.memory_space<hbm>> -> memref<20000x128xf32, #tpu.memory_space<hbm>>
            tpu.enqueue_indirect_dma source(%dma_start3A_207 : memref<20000x128xf32, #tpu.memory_space<hbm>>) target(%dma_start3A_203 : memref<32x128xf32, #tpu.memory_space<vmem>>) offsets(%dma_start3A_204 : memref<32xi32, #tpu.memory_space<vmem>>) semaphore(%arg13 : memref<!tpu.dma_semaphore, #tpu.memory_space<semaphore_mem>>)
          } else {
          }
          %dma_wait3A_173 = arith.constant 64 : i32
          %dma_wait3A_174 = arith.constant 0 : i32
          %dma_wait3A_175 = tpu.memref_slice %arg10[%dma_wait3A_173, %dma_wait3A_174] : memref<96x128xf32, #tpu.memory_space<vmem>> -> memref<32x128xf32, #tpu.memory_space<vmem>>
          %dma_wait3A_176 = tpu.memref_slice %arg8[%add3A_115] : memref<1600xi32, #tpu.memory_space<vmem>> -> memref<32xi32, #tpu.memory_space<vmem>>
          %dma_wait3A_177 = arith.constant 0 : i32
          %dma_wait3A_178 = arith.constant 0 : i32
          %dma_wait3A_179 = tpu.memref_slice %arg2[%dma_wait3A_177, %dma_wait3A_178] : memref<20000x128xf32, #tpu.memory_space<hbm>> -> memref<20000x128xf32, #tpu.memory_space<hbm>>
          tpu.wait_indirect_dma semaphore(%arg14 : memref<!tpu.dma_semaphore, #tpu.memory_space<semaphore_mem>>) src(%dma_wait3A_179 : memref<20000x128xf32, #tpu.memory_space<hbm>>) dst(%dma_wait3A_175 : memref<32x128xf32, #tpu.memory_space<vmem>>)
          %add3A_180 = arith.constant 0 : i32
          %add3A_181 = arith.addi %add3A_115, %add3A_180 : i32
          %get3A = arith.index_cast %add3A_181 : i32 to index
          %get3A_182 = tpu.vector_load %arg9[%get3A] {strides = array<i32>} : memref<1600xi32, #tpu.memory_space<vmem>>, vector<16xi32>,
          %get3A_183 = vector.shape_cast %get3A_182 : vector<16xi32> to vector<16xi32>
          %dma_start3A_184 = arith.constant 64 : i32
          %dma_start3A_185 = arith.constant 0 : i32
          %dma_start3A_186 = tpu.memref_slice %arg10[%dma_start3A_184, %dma_start3A_185] : memref<96x128xf32, #tpu.memory_space<vmem>> -> memref<16x128xf32, #tpu.memory_space<vmem>>
          %dma_start3A_187 = arith.constant 0 : i32
          %dma_start3A_188 = arith.constant 0 : i32
          %dma_start3A_189 = tpu.memref_slice %arg11[%dma_start3A_187, %dma_start3A_188] : memref<5008x128xf32, #tpu.memory_space<vmem_shared>> -> memref<5008x128xf32, #tpu.memory_space<vmem_shared>>
          tpu.enqueue_indirect_dma source(%dma_start3A_186 : memref<16x128xf32, #tpu.memory_space<vmem>>) target(%dma_start3A_189 : memref<5008x128xf32, #tpu.memory_space<vmem_shared>>) offsets(%get3A_183 : vector<16xi32>) semaphore(%arg17 : memref<!tpu.dma_semaphore, #tpu.memory_space<semaphore_mem>>) {add = true}
          %add3A_190 = arith.constant 16 : i32
          %add3A_191 = arith.addi %add3A_115, %add3A_190 : i32
          %get3A_192 = arith.index_cast %add3A_191 : i32 to index
          %get3A_193 = tpu.vector_load %arg9[%get3A_192] {strides = array<i32>} : memref<1600xi32, #tpu.memory_space<vmem>>, vector<16xi32>,
          %get3A_194 = vector.shape_cast %get3A_193 : vector<16xi32> to vector<16xi32>
          %dma_start3A_195 = arith.constant 80 : i32
          %dma_start3A_196 = arith.constant 0 : i32
          %dma_start3A_197 = tpu.memref_slice %arg10[%dma_start3A_195, %dma_start3A_196] : memref<96x128xf32, #tpu.memory_space<vmem>> -> memref<16x128xf32, #tpu.memory_space<vmem>>
          %dma_start3A_198 = arith.constant 0 : i32
          %dma_start3A_199 = arith.constant 0 : i32
          %dma_start3A_200 = tpu.memref_slice %arg11[%dma_start3A_198, %dma_start3A_199] : memref<5008x128xf32, #tpu.memory_space<vmem_shared>> -> memref<5008x128xf32, #tpu.memory_space<vmem_shared>>
          tpu.enqueue_indirect_dma source(%dma_start3A_197 : memref<16x128xf32, #tpu.memory_space<vmem>>) target(%dma_start3A_200 : memref<5008x128xf32, #tpu.memory_space<vmem_shared>>) offsets(%get3A_194 : vector<16xi32>) semaphore(%arg17 : memref<!tpu.dma_semaphore, #tpu.memory_space<semaphore_mem>>) {add = true}
        } else {
        }
        %scan3A_162 = arith.constant 0 : i32
        scf.yield %scan3A_162 : i32
      }
      %scan3A_109 = arith.constant 25 : i32
      %scan3A_110 = arith.constant 0 : i32
      scf.yield %scan3A_110 : i32
    }
    %scan3A_69 = arith.constant 25 : i32
    %dma_wait3A_70 = arith.constant 0 : i32
    %dma_wait3A_71 = arith.constant 0 : i32
    %dma_wait3A_72 = tpu.memref_slice %arg10[%dma_wait3A_70, %dma_wait3A_71] : memref<96x128xf32, #tpu.memory_space<vmem>> -> memref<32x128xf32, #tpu.memory_space<vmem>>
    %dma_wait3A_73 = arith.constant 0 : i32
    %dma_wait3A_74 = arith.constant 0 : i32
    %dma_wait3A_75 = tpu.memref_slice %arg2[%dma_wait3A_73, %dma_wait3A_74] : memref<20000x128xf32, #tpu.memory_space<hbm>> -> memref<32x128xf32, #tpu.memory_space<hbm>>
    %dma_wait3A_76 = arith.constant 0 : i32
    %dma_wait3A_77 = arith.constant 0 : i32
    %dma_wait3A_78 = tpu.memref_slice %arg10[%dma_wait3A_76, %dma_wait3A_77] : memref<96x128xf32, #tpu.memory_space<vmem>> -> memref<32x128xf32, #tpu.memory_space<vmem>>
    %dma_wait3A_79 = arith.constant 0 : i32
    %dma_wait3A_80 = arith.constant 0 : i32
    %dma_wait3A_81 = tpu.memref_slice %arg2[%dma_wait3A_79, %dma_wait3A_80] : memref<20000x128xf32, #tpu.memory_space<hbm>> -> memref<32x128xf32, #tpu.memory_space<hbm>>
    tpu.wait_dma2 semaphore(%arg15 : memref<!tpu.dma_semaphore, #tpu.memory_space<semaphore_mem>>) src(%dma_wait3A_81 : memref<32x128xf32, #tpu.memory_space<hbm>>) dst(%dma_wait3A_78 : memref<32x128xf32, #tpu.memory_space<vmem>>)
    %barrier3A_82 = arith.constant 0 : index
    tpu.barrier barrier_id(%barrier3A_82)
    %scan3A_83 = arith.constant 0 : i32
    %scan3A_84 = arith.constant 0 : i32
    %scan3A_85 = arith.constant 8 : i32
    %scan3A_86 = arith.addi %scan3A_84, %scan3A_85 : i32
    %scan3A_87 = arith.constant 1 : i32
    %scan3A_88 = scf.for %scan3A_90 = %scan3A_84 to %scan3A_86 step %scan3A_87 iter_args(%scan3A_91 = %scan3A_83) -> (i32)  : i32 {
      %mul3A_92 = arith.constant 16 : i32
      %mul3A_93 = arith.muli %mul3A_92, %scan3A_90 : i32
      %add3A_94 = arith.addi %arg1, %mul3A_93 : i32
      %lt3A = arith.constant 125 : i32
      %lt3A_95 = arith.cmpi slt, %add3A_94, %lt3A : i32
      %convert_element_type3A_96 = arith.extui %lt3A_95 : i1 to i32
      %cond3A_97 = arith.constant 0 : i32
      %cond3A_98 = arith.cmpi ne, %convert_element_type3A_96, %cond3A_97 : i32
      scf.if %cond3A_98 {
        %mul3A_100 = arith.constant 40 : i32
        %mul3A_101 = arith.muli %add3A_94, %mul3A_100 : i32
        %eq3A_102 = arith.constant 0 : i32
        %eq3A_103 = arith.cmpi eq, %arg0, %eq3A_102 : i32
        %convert_element_type3A_104 = arith.extui %eq3A_103 : i1 to i32
        %cond3A_105 = arith.constant 0 : i32
        %cond3A_106 = arith.cmpi ne, %convert_element_type3A_104, %cond3A_105 : i32
        scf.if %cond3A_106 {
          "tpu.region"() ({
            %run_scoped3A = tpu.sem_alloc : memref<!tpu.dma_semaphore, #tpu.memory_space<semaphore_mem>>
            %dma_start3A_112 = arith.constant 0 : i32
            %dma_start3A_113 = tpu.memref_slice %arg6[%mul3A_101, %dma_start3A_112] : memref<5000x128xf32, #tpu.memory_space<hbm>> -> memref<40x128xf32, #tpu.memory_space<hbm>>
            %dma_start3A_114 = arith.constant 0 : i32
            %dma_start3A_115 = tpu.memref_slice %arg11[%mul3A_101, %dma_start3A_114] : memref<5008x128xf32, #tpu.memory_space<vmem_shared>> -> memref<40x128xf32, #tpu.memory_space<vmem_shared>>
            tpu.enqueue_dma source(%dma_start3A_115 : memref<40x128xf32, #tpu.memory_space<vmem_shared>>) target(%dma_start3A_113 : memref<40x128xf32, #tpu.memory_space<hbm>>) target_semaphore(%run_scoped3A : memref<!tpu.dma_semaphore, #tpu.memory_space<semaphore_mem>>)
            %dma_wait3A_116 = arith.constant 0 : i32
            %dma_wait3A_117 = tpu.memref_slice %arg6[%mul3A_101, %dma_wait3A_116] : memref<5000x128xf32, #tpu.memory_space<hbm>> -> memref<40x128xf32, #tpu.memory_space<hbm>>
            %dma_wait3A_118 = arith.constant 0 : i32
            %dma_wait3A_119 = tpu.memref_slice %arg11[%mul3A_101, %dma_wait3A_118] : memref<5008x128xf32, #tpu.memory_space<vmem_shared>> -> memref<40x128xf32, #tpu.memory_space<vmem_shared>>
            tpu.wait_dma2 semaphore(%run_scoped3A : memref<!tpu.dma_semaphore, #tpu.memory_space<semaphore_mem>>) src(%dma_wait3A_119 : memref<40x128xf32, #tpu.memory_space<vmem_shared>>) dst(%dma_wait3A_117 : memref<40x128xf32, #tpu.memory_space<hbm>>)
            tpu.yield
          }) : () -> ()
        } else {
        }
        %eq3A_107 = arith.constant 1 : i32
        %eq3A_108 = arith.cmpi eq, %arg0, %eq3A_107 : i32
        %convert_element_type3A_109 = arith.extui %eq3A_108 : i1 to i32
        %cond3A_110 = arith.constant 0 : i32
        %cond3A_111 = arith.cmpi ne, %convert_element_type3A_109, %cond3A_110 : i32
        scf.if %cond3A_111 {
          "tpu.region"() ({
            %run_scoped3A = tpu.sem_alloc : memref<!tpu.dma_semaphore, #tpu.memory_space<semaphore_mem>>
            %dma_start3A_112 = arith.constant 0 : i32
            %dma_start3A_113 = tpu.memref_slice %arg7[%mul3A_101, %dma_start3A_112] : memref<5000x128xf32, #tpu.memory_space<hbm>> -> memref<40x128xf32, #tpu.memory_space<hbm>>
            %dma_start3A_114 = arith.constant 0 : i32
            %dma_start3A_115 = tpu.memref_slice %arg11[%mul3A_101, %dma_start3A_114] : memref<5008x128xf32, #tpu.memory_space<vmem_shared>> -> memref<40x128xf32, #tpu.memory_space<vmem_shared>>
            tpu.enqueue_dma source(%dma_start3A_115 : memref<40x128xf32, #tpu.memory_space<vmem_shared>>) target(%dma_start3A_113 : memref<40x128xf32, #tpu.memory_space<hbm>>) target_semaphore(%run_scoped3A : memref<!tpu.dma_semaphore, #tpu.memory_space<semaphore_mem>>)
            %dma_wait3A_116 = arith.constant 0 : i32
            %dma_wait3A_117 = tpu.memref_slice %arg7[%mul3A_101, %dma_wait3A_116] : memref<5000x128xf32, #tpu.memory_space<hbm>> -> memref<40x128xf32, #tpu.memory_space<hbm>>
            %dma_wait3A_118 = arith.constant 0 : i32
            %dma_wait3A_119 = tpu.memref_slice %arg11[%mul3A_101, %dma_wait3A_118] : memref<5008x128xf32, #tpu.memory_space<vmem_shared>> -> memref<40x128xf32, #tpu.memory_space<vmem_shared>>
            tpu.wait_dma2 semaphore(%run_scoped3A : memref<!tpu.dma_semaphore, #tpu.memory_space<semaphore_mem>>) src(%dma_wait3A_119 : memref<40x128xf32, #tpu.memory_space<vmem_shared>>) dst(%dma_wait3A_117 : memref<40x128xf32, #tpu.memory_space<hbm>>)
            tpu.yield
          }) : () -> ()
        } else {
        }
      } else {
      }
      %scan3A_99 = arith.constant 0 : i32
      scf.yield %scan3A_99 : i32
    }
    %scan3A_89 = arith.constant 8 : i32
    return
  }
}

#map = affine_map<(d0, d1) -> (0, 0, 0)>
#map1 = affine_map<(d0, d1) -> (0)>
module attributes {stable_mosaic.version = 14 : i64} {
  func.func @_sc_deg(%arg0: i32, %arg1: i32, %arg2: memref<32x125x80xi32, #tpu.memory_space<hbm>>, %arg3: memref<10000xf32, #tpu.memory_space<hbm>>, %arg4: memref<10000xf32, #tpu.memory_space<hbm>>, %arg5: memref<125x80xi32, #tpu.memory_space<vmem>>, %arg6: memref<80xf32, #tpu.memory_space<vmem>>, %arg7: memref<80xf32, #tpu.memory_space<vmem>>, %arg8: memref<10000xf32, #tpu.memory_space<vmem_shared>>, %arg9: memref<!tpu.dma_semaphore, #tpu.memory_space<semaphore_mem>>) attributes {dimension_semantics = [#tpu.dimension_semantics<core_parallel>, #tpu.dimension_semantics<subcore_parallel>], iteration_bounds = array<i64: 2, 16>, scalar_prefetch = 0 : i64, scratch_operands = 5 : i64, tpu.core_type = #tpu.core_type<sc_vector_subcore>, window_params = [{transform_indices = #map}, {transform_indices = #map1}, {transform_indices = #map1}]} {
    %mul3A = arith.constant 16 : i32
    %mul3A_0 = arith.muli %arg0, %mul3A : i32
    %add3A = arith.addi %mul3A_0, %arg1 : i32
    "tpu.region"() ({
      %run_scoped3A = tpu.sem_alloc : memref<!tpu.dma_semaphore, #tpu.memory_space<semaphore_mem>>
      %dma_start3A = arith.constant 0 : i32
      %dma_start3A_127 = arith.constant 0 : i32
      %dma_start3A_128 = tpu.memref_slice %arg2[%add3A, %dma_start3A, %dma_start3A_127] : memref<32x125x80xi32, #tpu.memory_space<hbm>> -> memref<1x125x80xi32, #tpu.memory_space<hbm>>
      %dma_start3A_129 = tpu.memref_squeeze %dma_start3A_128 : memref<1x125x80xi32, #tpu.memory_space<hbm>> -> memref<125x80xi32, #tpu.memory_space<hbm>>
      %dma_start3A_130 = arith.constant 0 : i32
      %dma_start3A_131 = arith.constant 0 : i32
      %dma_start3A_132 = tpu.memref_slice %arg2[%add3A, %dma_start3A_130, %dma_start3A_131] : memref<32x125x80xi32, #tpu.memory_space<hbm>> -> memref<1x125x80xi32, #tpu.memory_space<hbm>>
      %dma_start3A_133 = tpu.memref_squeeze %dma_start3A_132 : memref<1x125x80xi32, #tpu.memory_space<hbm>> -> memref<125x80xi32, #tpu.memory_space<hbm>>
      tpu.enqueue_dma source(%dma_start3A_133 : memref<125x80xi32, #tpu.memory_space<hbm>>) target(%arg5 : memref<125x80xi32, #tpu.memory_space<vmem>>) target_semaphore(%run_scoped3A : memref<!tpu.dma_semaphore, #tpu.memory_space<semaphore_mem>>)
      %dma_wait3A_134 = arith.constant 0 : i32
      %dma_wait3A_135 = arith.constant 0 : i32
      %dma_wait3A_136 = tpu.memref_slice %arg2[%add3A, %dma_wait3A_134, %dma_wait3A_135] : memref<32x125x80xi32, #tpu.memory_space<hbm>> -> memref<1x125x80xi32, #tpu.memory_space<hbm>>
      %dma_wait3A_137 = tpu.memref_squeeze %dma_wait3A_136 : memref<1x125x80xi32, #tpu.memory_space<hbm>> -> memref<125x80xi32, #tpu.memory_space<hbm>>
      %dma_wait3A_138 = arith.constant 0 : i32
      %dma_wait3A_139 = arith.constant 0 : i32
      %dma_wait3A_140 = tpu.memref_slice %arg2[%add3A, %dma_wait3A_138, %dma_wait3A_139] : memref<32x125x80xi32, #tpu.memory_space<hbm>> -> memref<1x125x80xi32, #tpu.memory_space<hbm>>
      %dma_wait3A_141 = tpu.memref_squeeze %dma_wait3A_140 : memref<1x125x80xi32, #tpu.memory_space<hbm>> -> memref<125x80xi32, #tpu.memory_space<hbm>>
      tpu.wait_dma2 semaphore(%run_scoped3A : memref<!tpu.dma_semaphore, #tpu.memory_space<semaphore_mem>>) src(%dma_wait3A_141 : memref<125x80xi32, #tpu.memory_space<hbm>>) dst(%arg5 : memref<125x80xi32, #tpu.memory_space<vmem>>)
      tpu.yield
    }) : () -> ()
    %broadcast_in_dim3A = arith.constant 1.000000e+00 : f32
    %broadcast_in_dim3A_1 = vector.broadcast %broadcast_in_dim3A : f32 to vector<16xf32>
    %swap3A = arith.constant 0 : index
    %swap3A_2 = tpu.vector_load %arg6[%swap3A] {strides = array<i32>} : memref<80xf32, #tpu.memory_space<vmem>>, vector<16xf32>,
    %swap3A_3 = vector.shape_cast %swap3A_2 : vector<16xf32> to vector<16xf32>
    %swap3A_4 = vector.shape_cast %broadcast_in_dim3A_1 : vector<16xf32> to vector<16xf32>
    tpu.vector_store %arg6[%swap3A], %swap3A_4 {strides = array<i32>} : memref<80xf32, #tpu.memory_space<vmem>>, vector<16xf32>,
    %broadcast_in_dim3A_5 = arith.constant 1.000000e+00 : f32
    %broadcast_in_dim3A_6 = vector.broadcast %broadcast_in_dim3A_5 : f32 to vector<16xf32>
    %swap3A_7 = arith.constant 16 : index
    %swap3A_8 = tpu.vector_load %arg6[%swap3A_7] {strides = array<i32>} : memref<80xf32, #tpu.memory_space<vmem>>, vector<16xf32>,
    %swap3A_9 = vector.shape_cast %swap3A_8 : vector<16xf32> to vector<16xf32>
    %swap3A_10 = vector.shape_cast %broadcast_in_dim3A_6 : vector<16xf32> to vector<16xf32>
    tpu.vector_store %arg6[%swap3A_7], %swap3A_10 {strides = array<i32>} : memref<80xf32, #tpu.memory_space<vmem>>, vector<16xf32>,
    %broadcast_in_dim3A_11 = arith.constant 1.000000e+00 : f32
    %broadcast_in_dim3A_12 = vector.broadcast %broadcast_in_dim3A_11 : f32 to vector<16xf32>
    %swap3A_13 = arith.constant 32 : index
    %swap3A_14 = tpu.vector_load %arg6[%swap3A_13] {strides = array<i32>} : memref<80xf32, #tpu.memory_space<vmem>>, vector<16xf32>,
    %swap3A_15 = vector.shape_cast %swap3A_14 : vector<16xf32> to vector<16xf32>
    %swap3A_16 = vector.shape_cast %broadcast_in_dim3A_12 : vector<16xf32> to vector<16xf32>
    tpu.vector_store %arg6[%swap3A_13], %swap3A_16 {strides = array<i32>} : memref<80xf32, #tpu.memory_space<vmem>>, vector<16xf32>,
    %broadcast_in_dim3A_17 = arith.constant 1.000000e+00 : f32
    %broadcast_in_dim3A_18 = vector.broadcast %broadcast_in_dim3A_17 : f32 to vector<16xf32>
    %swap3A_19 = arith.constant 48 : index
    %swap3A_20 = tpu.vector_load %arg6[%swap3A_19] {strides = array<i32>} : memref<80xf32, #tpu.memory_space<vmem>>, vector<16xf32>,
    %swap3A_21 = vector.shape_cast %swap3A_20 : vector<16xf32> to vector<16xf32>
    %swap3A_22 = vector.shape_cast %broadcast_in_dim3A_18 : vector<16xf32> to vector<16xf32>
    tpu.vector_store %arg6[%swap3A_19], %swap3A_22 {strides = array<i32>} : memref<80xf32, #tpu.memory_space<vmem>>, vector<16xf32>,
    %broadcast_in_dim3A_23 = arith.constant 1.000000e+00 : f32
    %broadcast_in_dim3A_24 = vector.broadcast %broadcast_in_dim3A_23 : f32 to vector<16xf32>
    %swap3A_25 = arith.constant 64 : index
    %swap3A_26 = tpu.vector_load %arg6[%swap3A_25] {strides = array<i32>} : memref<80xf32, #tpu.memory_space<vmem>>, vector<16xf32>,
    %swap3A_27 = vector.shape_cast %swap3A_26 : vector<16xf32> to vector<16xf32>
    %swap3A_28 = vector.shape_cast %broadcast_in_dim3A_24 : vector<16xf32> to vector<16xf32>
    tpu.vector_store %arg6[%swap3A_25], %swap3A_28 {strides = array<i32>} : memref<80xf32, #tpu.memory_space<vmem>>, vector<16xf32>,
    %broadcast_in_dim3A_29 = arith.constant 0.000000e+00 : f32
    %broadcast_in_dim3A_30 = vector.broadcast %broadcast_in_dim3A_29 : f32 to vector<16xf32>
    %swap3A_31 = arith.constant 0 : index
    %swap3A_32 = tpu.vector_load %arg7[%swap3A_31] {strides = array<i32>} : memref<80xf32, #tpu.memory_space<vmem>>, vector<16xf32>,
    %swap3A_33 = vector.shape_cast %swap3A_32 : vector<16xf32> to vector<16xf32>
    %swap3A_34 = vector.shape_cast %broadcast_in_dim3A_30 : vector<16xf32> to vector<16xf32>
    tpu.vector_store %arg7[%swap3A_31], %swap3A_34 {strides = array<i32>} : memref<80xf32, #tpu.memory_space<vmem>>, vector<16xf32>,
    %broadcast_in_dim3A_35 = arith.constant 0.000000e+00 : f32
    %broadcast_in_dim3A_36 = vector.broadcast %broadcast_in_dim3A_35 : f32 to vector<16xf32>
    %swap3A_37 = arith.constant 16 : index
    %swap3A_38 = tpu.vector_load %arg7[%swap3A_37] {strides = array<i32>} : memref<80xf32, #tpu.memory_space<vmem>>, vector<16xf32>,
    %swap3A_39 = vector.shape_cast %swap3A_38 : vector<16xf32> to vector<16xf32>
    %swap3A_40 = vector.shape_cast %broadcast_in_dim3A_36 : vector<16xf32> to vector<16xf32>
    tpu.vector_store %arg7[%swap3A_37], %swap3A_40 {strides = array<i32>} : memref<80xf32, #tpu.memory_space<vmem>>, vector<16xf32>,
    %broadcast_in_dim3A_41 = arith.constant 0.000000e+00 : f32
    %broadcast_in_dim3A_42 = vector.broadcast %broadcast_in_dim3A_41 : f32 to vector<16xf32>
    %swap3A_43 = arith.constant 32 : index
    %swap3A_44 = tpu.vector_load %arg7[%swap3A_43] {strides = array<i32>} : memref<80xf32, #tpu.memory_space<vmem>>, vector<16xf32>,
    %swap3A_45 = vector.shape_cast %swap3A_44 : vector<16xf32> to vector<16xf32>
    %swap3A_46 = vector.shape_cast %broadcast_in_dim3A_42 : vector<16xf32> to vector<16xf32>
    tpu.vector_store %arg7[%swap3A_43], %swap3A_46 {strides = array<i32>} : memref<80xf32, #tpu.memory_space<vmem>>, vector<16xf32>,
    %broadcast_in_dim3A_47 = arith.constant 0.000000e+00 : f32
    %broadcast_in_dim3A_48 = vector.broadcast %broadcast_in_dim3A_47 : f32 to vector<16xf32>
    %swap3A_49 = arith.constant 48 : index
    %swap3A_50 = tpu.vector_load %arg7[%swap3A_49] {strides = array<i32>} : memref<80xf32, #tpu.memory_space<vmem>>, vector<16xf32>,
    %swap3A_51 = vector.shape_cast %swap3A_50 : vector<16xf32> to vector<16xf32>
    %swap3A_52 = vector.shape_cast %broadcast_in_dim3A_48 : vector<16xf32> to vector<16xf32>
    tpu.vector_store %arg7[%swap3A_49], %swap3A_52 {strides = array<i32>} : memref<80xf32, #tpu.memory_space<vmem>>, vector<16xf32>,
    %broadcast_in_dim3A_53 = arith.constant 0.000000e+00 : f32
    %broadcast_in_dim3A_54 = vector.broadcast %broadcast_in_dim3A_53 : f32 to vector<16xf32>
    %swap3A_55 = arith.constant 64 : index
    %swap3A_56 = tpu.vector_load %arg7[%swap3A_55] {strides = array<i32>} : memref<80xf32, #tpu.memory_space<vmem>>, vector<16xf32>,
    %swap3A_57 = vector.shape_cast %swap3A_56 : vector<16xf32> to vector<16xf32>
    %swap3A_58 = vector.shape_cast %broadcast_in_dim3A_54 : vector<16xf32> to vector<16xf32>
    tpu.vector_store %arg7[%swap3A_55], %swap3A_58 {strides = array<i32>} : memref<80xf32, #tpu.memory_space<vmem>>, vector<16xf32>,
    %scan3A = arith.constant 0 : i32
    %scan3A_59 = arith.constant 0 : i32
    %scan3A_60 = arith.constant 8 : i32
    %scan3A_61 = arith.addi %scan3A_59, %scan3A_60 : i32
    %scan3A_62 = arith.constant 1 : i32
    %scan3A_63 = scf.for %scan3A_127 = %scan3A_59 to %scan3A_61 step %scan3A_62 iter_args(%scan3A_128 = %scan3A) -> (i32)  : i32 {
      %mul3A_129 = arith.constant 16 : i32
      %mul3A_130 = arith.muli %mul3A_129, %scan3A_127 : i32
      %add3A_131 = arith.addi %arg1, %mul3A_130 : i32
      %lt3A = arith.constant 125 : i32
      %lt3A_132 = arith.cmpi slt, %add3A_131, %lt3A : i32
      %convert_element_type3A = arith.extui %lt3A_132 : i1 to i32
      %cond3A = arith.constant 0 : i32
      %cond3A_133 = arith.cmpi ne, %convert_element_type3A, %cond3A : i32
      scf.if %cond3A_133 {
        %mul3A_135 = arith.constant 80 : i32
        %mul3A_136 = arith.muli %add3A_131, %mul3A_135 : i32
        "tpu.region"() ({
          %run_scoped3A = tpu.sem_alloc : memref<!tpu.dma_semaphore, #tpu.memory_space<semaphore_mem>>
          %dma_start3A = tpu.memref_slice %arg8[%mul3A_136] : memref<10000xf32, #tpu.memory_space<vmem_shared>> -> memref<80xf32, #tpu.memory_space<vmem_shared>>
          %dma_start3A_137 = tpu.memref_slice %arg8[%mul3A_136] : memref<10000xf32, #tpu.memory_space<vmem_shared>> -> memref<80xf32, #tpu.memory_space<vmem_shared>>
          tpu.enqueue_dma source(%arg7 : memref<80xf32, #tpu.memory_space<vmem>>) target(%dma_start3A_137 : memref<80xf32, #tpu.memory_space<vmem_shared>>) target_semaphore(%run_scoped3A : memref<!tpu.dma_semaphore, #tpu.memory_space<semaphore_mem>>)
          %dma_wait3A_138 = tpu.memref_slice %arg8[%mul3A_136] : memref<10000xf32, #tpu.memory_space<vmem_shared>> -> memref<80xf32, #tpu.memory_space<vmem_shared>>
          %dma_wait3A_139 = tpu.memref_slice %arg8[%mul3A_136] : memref<10000xf32, #tpu.memory_space<vmem_shared>> -> memref<80xf32, #tpu.memory_space<vmem_shared>>
          tpu.wait_dma2 semaphore(%run_scoped3A : memref<!tpu.dma_semaphore, #tpu.memory_space<semaphore_mem>>) src(%arg7 : memref<80xf32, #tpu.memory_space<vmem>>) dst(%dma_wait3A_139 : memref<80xf32, #tpu.memory_space<vmem_shared>>)
          tpu.yield
        }) : () -> ()
      } else {
      }
      %scan3A_134 = arith.constant 0 : i32
      scf.yield %scan3A_134 : i32
    }
    %scan3A_64 = arith.constant 8 : i32
    %barrier3A = arith.constant 0 : index
    tpu.barrier barrier_id(%barrier3A)
    %scan3A_65 = arith.constant 0 : i32
    %scan3A_66 = arith.constant 0 : i32
    %scan3A_67 = arith.constant 125 : i32
    %scan3A_68 = arith.addi %scan3A_66, %scan3A_67 : i32
    %scan3A_69 = arith.constant 1 : i32
    %scan3A_70 = scf.for %scan3A_127 = %scan3A_66 to %scan3A_68 step %scan3A_69 iter_args(%scan3A_128 = %scan3A_65) -> (i32)  : i32 {
      %dma_start3A = arith.constant 0 : i32
      %dma_start3A_129 = tpu.memref_slice %arg5[%scan3A_127, %dma_start3A] : memref<125x80xi32, #tpu.memory_space<vmem>> -> memref<1x80xi32, #tpu.memory_space<vmem>>
      %dma_start3A_130 = tpu.memref_squeeze %dma_start3A_129 : memref<1x80xi32, #tpu.memory_space<vmem>> -> memref<80xi32, #tpu.memory_space<vmem>>
      %dma_start3A_131 = arith.constant 0 : i32
      %dma_start3A_132 = tpu.memref_slice %arg8[%dma_start3A_131] : memref<10000xf32, #tpu.memory_space<vmem_shared>> -> memref<10000xf32, #tpu.memory_space<vmem_shared>>
      tpu.enqueue_indirect_dma source(%arg6 : memref<80xf32, #tpu.memory_space<vmem>>) target(%dma_start3A_132 : memref<10000xf32, #tpu.memory_space<vmem_shared>>) offsets(%dma_start3A_130 : memref<80xi32, #tpu.memory_space<vmem>>) semaphore(%arg9 : memref<!tpu.dma_semaphore, #tpu.memory_space<semaphore_mem>>) {add = true}
      %ge3A = arith.constant 8 : i32
      %ge3A_133 = arith.cmpi sge, %scan3A_127, %ge3A : i32
      %convert_element_type3A = arith.extui %ge3A_133 : i1 to i32
      %cond3A = arith.constant 0 : i32
      %cond3A_134 = arith.cmpi ne, %convert_element_type3A, %cond3A : i32
      scf.if %cond3A_134 {
        %dma_wait3A_136 = arith.constant 0 : i32
        %dma_wait3A_137 = arith.constant 0 : i32
        %dma_wait3A_138 = tpu.memref_slice %arg5[%dma_wait3A_136, %dma_wait3A_137] : memref<125x80xi32, #tpu.memory_space<vmem>> -> memref<1x80xi32, #tpu.memory_space<vmem>>
        %dma_wait3A_139 = tpu.memref_squeeze %dma_wait3A_138 : memref<1x80xi32, #tpu.memory_space<vmem>> -> memref<80xi32, #tpu.memory_space<vmem>>
        %dma_wait3A_140 = arith.constant 0 : i32
        %dma_wait3A_141 = tpu.memref_slice %arg8[%dma_wait3A_140] : memref<10000xf32, #tpu.memory_space<vmem_shared>> -> memref<10000xf32, #tpu.memory_space<vmem_shared>>
        tpu.wait_indirect_dma semaphore(%arg9 : memref<!tpu.dma_semaphore, #tpu.memory_space<semaphore_mem>>) src(%arg6 : memref<80xf32, #tpu.memory_space<vmem>>) dst(%dma_wait3A_141 : memref<10000xf32, #tpu.memory_space<vmem_shared>>)
      } else {
      }
      %scan3A_135 = arith.constant 0 : i32
      scf.yield %scan3A_135 : i32
    }
    %scan3A_71 = arith.constant 125 : i32
    %dma_wait3A = arith.constant 0 : i32
    %dma_wait3A_72 = arith.constant 0 : i32
    %dma_wait3A_73 = tpu.memref_slice %arg5[%dma_wait3A, %dma_wait3A_72] : memref<125x80xi32, #tpu.memory_space<vmem>> -> memref<1x80xi32, #tpu.memory_space<vmem>>
    %dma_wait3A_74 = tpu.memref_squeeze %dma_wait3A_73 : memref<1x80xi32, #tpu.memory_space<vmem>> -> memref<80xi32, #tpu.memory_space<vmem>>
    %dma_wait3A_75 = arith.constant 0 : i32
    %dma_wait3A_76 = tpu.memref_slice %arg8[%dma_wait3A_75] : memref<10000xf32, #tpu.memory_space<vmem_shared>> -> memref<10000xf32, #tpu.memory_space<vmem_shared>>
    tpu.wait_indirect_dma semaphore(%arg9 : memref<!tpu.dma_semaphore, #tpu.memory_space<semaphore_mem>>) src(%arg6 : memref<80xf32, #tpu.memory_space<vmem>>) dst(%dma_wait3A_76 : memref<10000xf32, #tpu.memory_space<vmem_shared>>)
    %dma_wait3A_77 = arith.constant 0 : i32
    %dma_wait3A_78 = arith.constant 0 : i32
    %dma_wait3A_79 = tpu.memref_slice %arg5[%dma_wait3A_77, %dma_wait3A_78] : memref<125x80xi32, #tpu.memory_space<vmem>> -> memref<1x80xi32, #tpu.memory_space<vmem>>
    %dma_wait3A_80 = tpu.memref_squeeze %dma_wait3A_79 : memref<1x80xi32, #tpu.memory_space<vmem>> -> memref<80xi32, #tpu.memory_space<vmem>>
    %dma_wait3A_81 = arith.constant 0 : i32
    %dma_wait3A_82 = tpu.memref_slice %arg8[%dma_wait3A_81] : memref<10000xf32, #tpu.memory_space<vmem_shared>> -> memref<10000xf32, #tpu.memory_space<vmem_shared>>
    tpu.wait_indirect_dma semaphore(%arg9 : memref<!tpu.dma_semaphore, #tpu.memory_space<semaphore_mem>>) src(%arg6 : memref<80xf32, #tpu.memory_space<vmem>>) dst(%dma_wait3A_82 : memref<10000xf32, #tpu.memory_space<vmem_shared>>)
    %dma_wait3A_83 = arith.constant 0 : i32
    %dma_wait3A_84 = arith.constant 0 : i32
    %dma_wait3A_85 = tpu.memref_slice %arg5[%dma_wait3A_83, %dma_wait3A_84] : memref<125x80xi32, #tpu.memory_space<vmem>> -> memref<1x80xi32, #tpu.memory_space<vmem>>
    %dma_wait3A_86 = tpu.memref_squeeze %dma_wait3A_85 : memref<1x80xi32, #tpu.memory_space<vmem>> -> memref<80xi32, #tpu.memory_space<vmem>>
    %dma_wait3A_87 = arith.constant 0 : i32
    %dma_wait3A_88 = tpu.memref_slice %arg8[%dma_wait3A_87] : memref<10000xf32, #tpu.memory_space<vmem_shared>> -> memref<10000xf32, #tpu.memory_space<vmem_shared>>
    tpu.wait_indirect_dma semaphore(%arg9 : memref<!tpu.dma_semaphore, #tpu.memory_space<semaphore_mem>>) src(%arg6 : memref<80xf32, #tpu.memory_space<vmem>>) dst(%dma_wait3A_88 : memref<10000xf32, #tpu.memory_space<vmem_shared>>)
    %dma_wait3A_89 = arith.constant 0 : i32
    %dma_wait3A_90 = arith.constant 0 : i32
    %dma_wait3A_91 = tpu.memref_slice %arg5[%dma_wait3A_89, %dma_wait3A_90] : memref<125x80xi32, #tpu.memory_space<vmem>> -> memref<1x80xi32, #tpu.memory_space<vmem>>
    %dma_wait3A_92 = tpu.memref_squeeze %dma_wait3A_91 : memref<1x80xi32, #tpu.memory_space<vmem>> -> memref<80xi32, #tpu.memory_space<vmem>>
    %dma_wait3A_93 = arith.constant 0 : i32
    %dma_wait3A_94 = tpu.memref_slice %arg8[%dma_wait3A_93] : memref<10000xf32, #tpu.memory_space<vmem_shared>> -> memref<10000xf32, #tpu.memory_space<vmem_shared>>
    tpu.wait_indirect_dma semaphore(%arg9 : memref<!tpu.dma_semaphore, #tpu.memory_space<semaphore_mem>>) src(%arg6 : memref<80xf32, #tpu.memory_space<vmem>>) dst(%dma_wait3A_94 : memref<10000xf32, #tpu.memory_space<vmem_shared>>)
    %dma_wait3A_95 = arith.constant 0 : i32
    %dma_wait3A_96 = arith.constant 0 : i32
    %dma_wait3A_97 = tpu.memref_slice %arg5[%dma_wait3A_95, %dma_wait3A_96] : memref<125x80xi32, #tpu.memory_space<vmem>> -> memref<1x80xi32, #tpu.memory_space<vmem>>
    %dma_wait3A_98 = tpu.memref_squeeze %dma_wait3A_97 : memref<1x80xi32, #tpu.memory_space<vmem>> -> memref<80xi32, #tpu.memory_space<vmem>>
    %dma_wait3A_99 = arith.constant 0 : i32
    %dma_wait3A_100 = tpu.memref_slice %arg8[%dma_wait3A_99] : memref<10000xf32, #tpu.memory_space<vmem_shared>> -> memref<10000xf32, #tpu.memory_space<vmem_shared>>
    tpu.wait_indirect_dma semaphore(%arg9 : memref<!tpu.dma_semaphore, #tpu.memory_space<semaphore_mem>>) src(%arg6 : memref<80xf32, #tpu.memory_space<vmem>>) dst(%dma_wait3A_100 : memref<10000xf32, #tpu.memory_space<vmem_shared>>)
    %dma_wait3A_101 = arith.constant 0 : i32
    %dma_wait3A_102 = arith.constant 0 : i32
    %dma_wait3A_103 = tpu.memref_slice %arg5[%dma_wait3A_101, %dma_wait3A_102] : memref<125x80xi32, #tpu.memory_space<vmem>> -> memref<1x80xi32, #tpu.memory_space<vmem>>
    %dma_wait3A_104 = tpu.memref_squeeze %dma_wait3A_103 : memref<1x80xi32, #tpu.memory_space<vmem>> -> memref<80xi32, #tpu.memory_space<vmem>>
    %dma_wait3A_105 = arith.constant 0 : i32
    %dma_wait3A_106 = tpu.memref_slice %arg8[%dma_wait3A_105] : memref<10000xf32, #tpu.memory_space<vmem_shared>> -> memref<10000xf32, #tpu.memory_space<vmem_shared>>
    tpu.wait_indirect_dma semaphore(%arg9 : memref<!tpu.dma_semaphore, #tpu.memory_space<semaphore_mem>>) src(%arg6 : memref<80xf32, #tpu.memory_space<vmem>>) dst(%dma_wait3A_106 : memref<10000xf32, #tpu.memory_space<vmem_shared>>)
    %dma_wait3A_107 = arith.constant 0 : i32
    %dma_wait3A_108 = arith.constant 0 : i32
    %dma_wait3A_109 = tpu.memref_slice %arg5[%dma_wait3A_107, %dma_wait3A_108] : memref<125x80xi32, #tpu.memory_space<vmem>> -> memref<1x80xi32, #tpu.memory_space<vmem>>
    %dma_wait3A_110 = tpu.memref_squeeze %dma_wait3A_109 : memref<1x80xi32, #tpu.memory_space<vmem>> -> memref<80xi32, #tpu.memory_space<vmem>>
    %dma_wait3A_111 = arith.constant 0 : i32
    %dma_wait3A_112 = tpu.memref_slice %arg8[%dma_wait3A_111] : memref<10000xf32, #tpu.memory_space<vmem_shared>> -> memref<10000xf32, #tpu.memory_space<vmem_shared>>
    tpu.wait_indirect_dma semaphore(%arg9 : memref<!tpu.dma_semaphore, #tpu.memory_space<semaphore_mem>>) src(%arg6 : memref<80xf32, #tpu.memory_space<vmem>>) dst(%dma_wait3A_112 : memref<10000xf32, #tpu.memory_space<vmem_shared>>)
    %dma_wait3A_113 = arith.constant 0 : i32
    %dma_wait3A_114 = arith.constant 0 : i32
    %dma_wait3A_115 = tpu.memref_slice %arg5[%dma_wait3A_113, %dma_wait3A_114] : memref<125x80xi32, #tpu.memory_space<vmem>> -> memref<1x80xi32, #tpu.memory_space<vmem>>
    %dma_wait3A_116 = tpu.memref_squeeze %dma_wait3A_115 : memref<1x80xi32, #tpu.memory_space<vmem>> -> memref<80xi32, #tpu.memory_space<vmem>>
    %dma_wait3A_117 = arith.constant 0 : i32
    %dma_wait3A_118 = tpu.memref_slice %arg8[%dma_wait3A_117] : memref<10000xf32, #tpu.memory_space<vmem_shared>> -> memref<10000xf32, #tpu.memory_space<vmem_shared>>
    tpu.wait_indirect_dma semaphore(%arg9 : memref<!tpu.dma_semaphore, #tpu.memory_space<semaphore_mem>>) src(%arg6 : memref<80xf32, #tpu.memory_space<vmem>>) dst(%dma_wait3A_118 : memref<10000xf32, #tpu.memory_space<vmem_shared>>)
    %barrier3A_119 = arith.constant 0 : index
    tpu.barrier barrier_id(%barrier3A_119)
    %scan3A_120 = arith.constant 0 : i32
    %scan3A_121 = arith.constant 0 : i32
    %scan3A_122 = arith.constant 8 : i32
    %scan3A_123 = arith.addi %scan3A_121, %scan3A_122 : i32
    %scan3A_124 = arith.constant 1 : i32
    %scan3A_125 = scf.for %scan3A_127 = %scan3A_121 to %scan3A_123 step %scan3A_124 iter_args(%scan3A_128 = %scan3A_120) -> (i32)  : i32 {
      %mul3A_129 = arith.constant 16 : i32
      %mul3A_130 = arith.muli %mul3A_129, %scan3A_127 : i32
      %add3A_131 = arith.addi %arg1, %mul3A_130 : i32
      %lt3A = arith.constant 125 : i32
      %lt3A_132 = arith.cmpi slt, %add3A_131, %lt3A : i32
      %convert_element_type3A = arith.extui %lt3A_132 : i1 to i32
      %cond3A = arith.constant 0 : i32
      %cond3A_133 = arith.cmpi ne, %convert_element_type3A, %cond3A : i32
      scf.if %cond3A_133 {
        %mul3A_135 = arith.constant 80 : i32
        %mul3A_136 = arith.muli %add3A_131, %mul3A_135 : i32
        "tpu.region"() ({
          %run_scoped3A = tpu.sem_alloc : memref<!tpu.dma_semaphore, #tpu.memory_space<semaphore_mem>>
          %dma_start3A = tpu.memref_slice %arg8[%mul3A_136] : memref<10000xf32, #tpu.memory_space<vmem_shared>> -> memref<80xf32, #tpu.memory_space<vmem_shared>>
          %dma_start3A_146 = tpu.memref_slice %arg8[%mul3A_136] : memref<10000xf32, #tpu.memory_space<vmem_shared>> -> memref<80xf32, #tpu.memory_space<vmem_shared>>
          tpu.enqueue_dma source(%dma_start3A_146 : memref<80xf32, #tpu.memory_space<vmem_shared>>) target(%arg7 : memref<80xf32, #tpu.memory_space<vmem>>) target_semaphore(%run_scoped3A : memref<!tpu.dma_semaphore, #tpu.memory_space<semaphore_mem>>)
          %dma_wait3A_147 = tpu.memref_slice %arg8[%mul3A_136] : memref<10000xf32, #tpu.memory_space<vmem_shared>> -> memref<80xf32, #tpu.memory_space<vmem_shared>>
          %dma_wait3A_148 = tpu.memref_slice %arg8[%mul3A_136] : memref<10000xf32, #tpu.memory_space<vmem_shared>> -> memref<80xf32, #tpu.memory_space<vmem_shared>>
          tpu.wait_dma2 semaphore(%run_scoped3A : memref<!tpu.dma_semaphore, #tpu.memory_space<semaphore_mem>>) src(%dma_wait3A_148 : memref<80xf32, #tpu.memory_space<vmem_shared>>) dst(%arg7 : memref<80xf32, #tpu.memory_space<vmem>>)
          tpu.yield
        }) : () -> ()
        %eq3A = arith.constant 0 : i32
        %eq3A_137 = arith.cmpi eq, %arg0, %eq3A : i32
        %convert_element_type3A_138 = arith.extui %eq3A_137 : i1 to i32
        %cond3A_139 = arith.constant 0 : i32
        %cond3A_140 = arith.cmpi ne, %convert_element_type3A_138, %cond3A_139 : i32
        scf.if %cond3A_140 {
          "tpu.region"() ({
            %run_scoped3A = tpu.sem_alloc : memref<!tpu.dma_semaphore, #tpu.memory_space<semaphore_mem>>
            %dma_start3A = tpu.memref_slice %arg3[%mul3A_136] : memref<10000xf32, #tpu.memory_space<hbm>> -> memref<80xf32, #tpu.memory_space<hbm>>
            %dma_start3A_146 = tpu.memref_slice %arg3[%mul3A_136] : memref<10000xf32, #tpu.memory_space<hbm>> -> memref<80xf32, #tpu.memory_space<hbm>>
            tpu.enqueue_dma source(%arg7 : memref<80xf32, #tpu.memory_space<vmem>>) target(%dma_start3A_146 : memref<80xf32, #tpu.memory_space<hbm>>) target_semaphore(%run_scoped3A : memref<!tpu.dma_semaphore, #tpu.memory_space<semaphore_mem>>)
            %dma_wait3A_147 = tpu.memref_slice %arg3[%mul3A_136] : memref<10000xf32, #tpu.memory_space<hbm>> -> memref<80xf32, #tpu.memory_space<hbm>>
            %dma_wait3A_148 = tpu.memref_slice %arg3[%mul3A_136] : memref<10000xf32, #tpu.memory_space<hbm>> -> memref<80xf32, #tpu.memory_space<hbm>>
            tpu.wait_dma2 semaphore(%run_scoped3A : memref<!tpu.dma_semaphore, #tpu.memory_space<semaphore_mem>>) src(%arg7 : memref<80xf32, #tpu.memory_space<vmem>>) dst(%dma_wait3A_148 : memref<80xf32, #tpu.memory_space<hbm>>)
            tpu.yield
          }) : () -> ()
        } else {
        }
        %eq3A_141 = arith.constant 1 : i32
        %eq3A_142 = arith.cmpi eq, %arg0, %eq3A_141 : i32
        %convert_element_type3A_143 = arith.extui %eq3A_142 : i1 to i32
        %cond3A_144 = arith.constant 0 : i32
        %cond3A_145 = arith.cmpi ne, %convert_element_type3A_143, %cond3A_144 : i32
        scf.if %cond3A_145 {
          "tpu.region"() ({
            %run_scoped3A = tpu.sem_alloc : memref<!tpu.dma_semaphore, #tpu.memory_space<semaphore_mem>>
            %dma_start3A = tpu.memref_slice %arg4[%mul3A_136] : memref<10000xf32, #tpu.memory_space<hbm>> -> memref<80xf32, #tpu.memory_space<hbm>>
            %dma_start3A_146 = tpu.memref_slice %arg4[%mul3A_136] : memref<10000xf32, #tpu.memory_space<hbm>> -> memref<80xf32, #tpu.memory_space<hbm>>
            tpu.enqueue_dma source(%arg7 : memref<80xf32, #tpu.memory_space<vmem>>) target(%dma_start3A_146 : memref<80xf32, #tpu.memory_space<hbm>>) target_semaphore(%run_scoped3A : memref<!tpu.dma_semaphore, #tpu.memory_space<semaphore_mem>>)
            %dma_wait3A_147 = tpu.memref_slice %arg4[%mul3A_136] : memref<10000xf32, #tpu.memory_space<hbm>> -> memref<80xf32, #tpu.memory_space<hbm>>
            %dma_wait3A_148 = tpu.memref_slice %arg4[%mul3A_136] : memref<10000xf32, #tpu.memory_space<hbm>> -> memref<80xf32, #tpu.memory_space<hbm>>
            tpu.wait_dma2 semaphore(%run_scoped3A : memref<!tpu.dma_semaphore, #tpu.memory_space<semaphore_mem>>) src(%arg7 : memref<80xf32, #tpu.memory_space<vmem>>) dst(%dma_wait3A_148 : memref<80xf32, #tpu.memory_space<hbm>>)
            tpu.yield
          }) : () -> ()
        } else {
        }
      } else {
      }
      %scan3A_134 = arith.constant 0 : i32
      scf.yield %scan3A_134 : i32
    }
    %scan3A_126 = arith.constant 8 : i32
    return
  }
}

module attributes {stable_mosaic.version = 14 : i64} {
  func.func @_tc_idx_body(%arg0: memref<2500x128xi32, #tpu.memory_space<vmem>>, %arg1: memref<2500x128xi32, #tpu.memory_space<vmem>>, %arg2: memref<2500x128xi32, #tpu.memory_space<vmem>>, %arg3: memref<2500x128xi32, #tpu.memory_space<vmem>>) attributes {dimension_semantics = [], scalar_prefetch = 0 : i64, scratch_operands = 0 : i64, tpu.core_type = #tpu.core_type<tc>} {
    %get3A = arith.constant 0 : index
    %get3A_0 = arith.constant 0 : index
    %get3A_1 = vector.load %arg0[%get3A, %get3A_0] : memref<2500x128xi32, #tpu.memory_space<vmem>>, vector<2500x128xi32>
    %get3A_2 = arith.constant 0 : index
    %get3A_3 = arith.constant 0 : index
    %get3A_4 = vector.load %arg1[%get3A_2, %get3A_3] : memref<2500x128xi32, #tpu.memory_space<vmem>>, vector<2500x128xi32>
    %ge3A = arith.constant 5000 : i32
    %ge3A_5 = vector.broadcast %ge3A : i32 to vector<2500x128xi32>
    %ge3A_6 = arith.cmpi sge, %get3A_4, %ge3A_5 : vector<2500x128xi32>
    %add3A = arith.constant 10000 : i32
    %add3A_7 = vector.broadcast %add3A : i32 to vector<2500x128xi32>
    %add3A_8 = arith.addi %get3A_1, %add3A_7 : vector<2500x128xi32>
    %select_n3A = arith.select %ge3A_6, %add3A_8, %get3A_1 : vector<2500x128xi1>, vector<2500x128xi32>
    %swap3A = arith.constant 0 : index
    %swap3A_9 = arith.constant 0 : index
    %swap3A_10 = vector.load %arg2[%swap3A, %swap3A_9] : memref<2500x128xi32, #tpu.memory_space<vmem>>, vector<2500x128xi32>
    tpu.vector_store %arg2[%swap3A, %swap3A_9], %select_n3A {strides = array<i32>} : memref<2500x128xi32, #tpu.memory_space<vmem>>, vector<2500x128xi32>,
    %sub3A = arith.constant 5000 : i32
    %sub3A_11 = vector.broadcast %sub3A : i32 to vector<2500x128xi32>
    %sub3A_12 = arith.subi %get3A_4, %sub3A_11 : vector<2500x128xi32>
    %select_n3A_13 = arith.select %ge3A_6, %sub3A_12, %get3A_4 : vector<2500x128xi1>, vector<2500x128xi32>
    %swap3A_14 = arith.constant 0 : index
    %swap3A_15 = arith.constant 0 : index
    %swap3A_16 = vector.load %arg3[%swap3A_14, %swap3A_15] : memref<2500x128xi32, #tpu.memory_space<vmem>>, vector<2500x128xi32>
    tpu.vector_store %arg3[%swap3A_14, %swap3A_15], %select_n3A_13 {strides = array<i32>} : memref<2500x128xi32, #tpu.memory_space<vmem>>, vector<2500x128xi32>,
    return
  }
}

module attributes {stable_mosaic.version = 14 : i64} {
  func.func @_tc_prep_body(%arg0: i32, %arg1: memref<1000x1xf32, #tpu.memory_space<vmem>>, %arg2: memref<1000x1xf32, #tpu.memory_space<vmem>>, %arg3: memref<1000x128xf32, #tpu.memory_space<vmem>>, %arg4: memref<1000x1xf32, #tpu.memory_space<vmem>>, %arg5: memref<2x1000x128xf32, #tpu.memory_space<vmem>>) attributes {dimension_semantics = [#tpu.dimension_semantics<arbitrary>], iteration_bounds = array<i64: 10>, scalar_prefetch = 0 : i64, scratch_operands = 0 : i64, tpu.core_type = #tpu.core_type<tc>, window_params = [{transform_indices = @transform_0, window_bounds = array<i64: 1000, 1>}, {transform_indices = @transform_1, window_bounds = array<i64: 1000, 1>}, {transform_indices = @transform_2, window_bounds = array<i64: 1000, 128>}, {transform_indices = @transform_3, window_bounds = array<i64: 1000, 1>}, {transform_indices = @transform_4, window_bounds = array<i64: 2, 1000, 128>}]} {
    %get3A = arith.constant 0 : index
    %get3A_0 = arith.constant 0 : index
    %get3A_1 = vector.load %arg1[%get3A, %get3A_0] : memref<1000x1xf32, #tpu.memory_space<vmem>>, vector<1000x1xf32>
    %get3A_2 = arith.constant 0 : index
    %get3A_3 = arith.constant 0 : index
    %get3A_4 = vector.load %arg2[%get3A_2, %get3A_3] : memref<1000x1xf32, #tpu.memory_space<vmem>>, vector<1000x1xf32>
    %add3A = arith.addf %get3A_1, %get3A_4 : vector<1000x1xf32>
    %gt3A = arith.constant 0.000000e+00 : f32
    %gt3A_5 = vector.broadcast %gt3A : f32 to vector<1000x1xf32>
    %gt3A_6 = arith.cmpf ogt, %add3A, %gt3A_5 : vector<1000x1xf32>
    %jit3A = arith.constant 1.000000e+00 : f32
    %broadcast_in_dim3A = vector.broadcast %jit3A : f32 to vector<1000x1xf32>
    %select_n3A = arith.select %gt3A_6, %add3A, %broadcast_in_dim3A : vector<1000x1xi1>, vector<1000x1xf32>
    %gt3A_7 = arith.constant 0.000000e+00 : f32
    %gt3A_8 = vector.broadcast %gt3A_7 : f32 to vector<1000x1xf32>
    %gt3A_9 = arith.cmpf ogt, %add3A, %gt3A_8 : vector<1000x1xf32>
    %rsqrt3A = math.rsqrt %select_n3A : vector<1000x1xf32>
    %jit3A_10 = arith.constant 0.000000e+00 : f32
    %broadcast_in_dim3A_11 = vector.broadcast %jit3A_10 : f32 to vector<1000x1xf32>
    %select_n3A_12 = arith.select %gt3A_9, %rsqrt3A, %broadcast_in_dim3A_11 : vector<1000x1xi1>, vector<1000x1xf32>
    %swap3A = arith.constant 0 : index
    %swap3A_13 = arith.constant 0 : index
    %swap3A_14 = vector.load %arg4[%swap3A, %swap3A_13] : memref<1000x1xf32, #tpu.memory_space<vmem>>, vector<1000x1xf32>
    tpu.vector_store %arg4[%swap3A, %swap3A_13], %select_n3A_12 {strides = array<i32>} : memref<1000x1xf32, #tpu.memory_space<vmem>>, vector<1000x1xf32>,
    %get3A_15 = arith.constant 0 : index
    %get3A_16 = arith.constant 0 : index
    %get3A_17 = vector.load %arg3[%get3A_15, %get3A_16] : memref<1000x128xf32, #tpu.memory_space<vmem>>, vector<1000x128xf32>
    %mul3A = vector.broadcast %select_n3A_12 : vector<1000x1xf32> to vector<1000x128xf32>
    %mul3A_18 = arith.mulf %get3A_17, %mul3A : vector<1000x128xf32>
    %swap3A_19 = arith.constant 0 : index
    %swap3A_20 = arith.constant 0 : index
    %swap3A_21 = arith.constant 0 : index
    %swap3A_22 = vector.load %arg5[%swap3A_19, %swap3A_20, %swap3A_21] : memref<2x1000x128xf32, #tpu.memory_space<vmem>>, vector<1x1000x128xf32>
    %swap3A_23 = vector.shape_cast %swap3A_22 : vector<1x1000x128xf32> to vector<1000x128xf32>
    %swap3A_24 = vector.shape_cast %mul3A_18 : vector<1000x128xf32> to vector<1x1000x128xf32>
    tpu.vector_store %arg5[%swap3A_19, %swap3A_20, %swap3A_21], %swap3A_24 {strides = array<i32>} : memref<2x1000x128xf32, #tpu.memory_space<vmem>>, vector<1x1000x128xf32>,
    %neg3A = arith.constant 0.000000e+00 : f32
    %neg3A_25 = vector.broadcast %neg3A : f32 to vector<1000x128xf32>
    %neg3A_26 = arith.subf %neg3A_25, %mul3A_18 : vector<1000x128xf32>
    %swap3A_27 = arith.constant 1 : index
    %swap3A_28 = arith.constant 0 : index
    %swap3A_29 = arith.constant 0 : index
    %swap3A_30 = vector.load %arg5[%swap3A_27, %swap3A_28, %swap3A_29] : memref<2x1000x128xf32, #tpu.memory_space<vmem>>, vector<1x1000x128xf32>
    %swap3A_31 = vector.shape_cast %swap3A_30 : vector<1x1000x128xf32> to vector<1000x128xf32>
    %swap3A_32 = vector.shape_cast %neg3A_26 : vector<1000x128xf32> to vector<1x1000x128xf32>
    tpu.vector_store %arg5[%swap3A_27, %swap3A_28, %swap3A_29], %swap3A_32 {strides = array<i32>} : memref<2x1000x128xf32, #tpu.memory_space<vmem>>, vector<1x1000x128xf32>,
    return
  }
  func.func @transform_0(%arg0: i32) -> (i32, i32) {
    %c0_i32 = arith.constant 0 : i32
    %c0_i32_0 = arith.constant 0 : i32
    return %arg0, %c0_i32 : i32, i32
  }
  func.func @transform_1(%arg0: i32) -> (i32, i32) {
    %c0_i32 = arith.constant 0 : i32
    %c0_i32_0 = arith.constant 0 : i32
    return %arg0, %c0_i32 : i32, i32
  }
  func.func @transform_2(%arg0: i32) -> (i32, i32) {
    %c0_i32 = arith.constant 0 : i32
    %c0_i32_0 = arith.constant 0 : i32
    return %arg0, %c0_i32 : i32, i32
  }
  func.func @transform_3(%arg0: i32) -> (i32, i32) {
    %c0_i32 = arith.constant 0 : i32
    %c0_i32_0 = arith.constant 0 : i32
    return %arg0, %c0_i32 : i32, i32
  }
  func.func @transform_4(%arg0: i32) -> (i32, i32, i32) {
    %c0_i32 = arith.constant 0 : i32
    %c0_i32_0 = arith.constant 0 : i32
    %c0_i32_1 = arith.constant 0 : i32
    return %c0_i32, %arg0, %c0_i32_0 : i32, i32, i32
  }
}

module attributes {stable_mosaic.version = 14 : i64} {
  func.func @_tc_mid_a_body(%arg0: i32, %arg1: memref<1000x128xf32, #tpu.memory_space<vmem>>, %arg2: memref<1000x128xf32, #tpu.memory_space<vmem>>, %arg3: memref<1000x1xf32, #tpu.memory_space<vmem>>, %arg4: memref<2x1000x128xf32, #tpu.memory_space<vmem>>) attributes {dimension_semantics = [#tpu.dimension_semantics<arbitrary>], iteration_bounds = array<i64: 10>, scalar_prefetch = 0 : i64, scratch_operands = 0 : i64, tpu.core_type = #tpu.core_type<tc>, window_params = [{transform_indices = @transform_0, window_bounds = array<i64: 1000, 128>}, {transform_indices = @transform_1, window_bounds = array<i64: 1000, 128>}, {transform_indices = @transform_2, window_bounds = array<i64: 1000, 1>}, {transform_indices = @transform_3, window_bounds = array<i64: 2, 1000, 128>}]} {
    %get3A = arith.constant 0 : index
    %get3A_0 = arith.constant 0 : index
    %get3A_1 = vector.load %arg1[%get3A, %get3A_0] : memref<1000x128xf32, #tpu.memory_space<vmem>>, vector<1000x128xf32>
    %get3A_2 = arith.constant 0 : index
    %get3A_3 = arith.constant 0 : index
    %get3A_4 = vector.load %arg2[%get3A_2, %get3A_3] : memref<1000x128xf32, #tpu.memory_space<vmem>>, vector<1000x128xf32>
    %lt3A = arith.constant 5 : i32
    %lt3A_5 = arith.cmpi slt, %arg0, %lt3A : i32
    %jit3A = arith.constant 5.000000e-01 : f32
    %jit3A_6 = arith.constant -5.000000e-01 : f32
    %select_n3A = arith.select %lt3A_5, %jit3A, %jit3A_6 : f32
    %mul3A = arith.constant 5.000000e-01 : f32
    %mul3A_7 = vector.broadcast %mul3A : f32 to vector<1000x128xf32>
    %mul3A_8 = arith.mulf %mul3A_7, %get3A_1 : vector<1000x128xf32>
    %mul3A_9 = vector.broadcast %select_n3A : f32 to vector<1000x128xf32>
    %mul3A_10 = arith.mulf %mul3A_9, %get3A_4 : vector<1000x128xf32>
    %add3A = arith.addf %mul3A_8, %mul3A_10 : vector<1000x128xf32>
    %get3A_11 = arith.constant 0 : index
    %get3A_12 = arith.constant 0 : index
    %get3A_13 = vector.load %arg3[%get3A_11, %get3A_12] : memref<1000x1xf32, #tpu.memory_space<vmem>>, vector<1000x1xf32>
    %neg3A = arith.constant 0.000000e+00 : f32
    %neg3A_14 = vector.broadcast %neg3A : f32 to vector<1000x1xf32>
    %neg3A_15 = arith.subf %neg3A_14, %get3A_13 : vector<1000x1xf32>
    %mul3A_16 = arith.mulf %neg3A_15, %get3A_13 : vector<1000x1xf32>
    %mul3A_17 = vector.broadcast %mul3A_16 : vector<1000x1xf32> to vector<1000x128xf32>
    %mul3A_18 = arith.mulf %mul3A_17, %add3A : vector<1000x128xf32>
    %swap3A = arith.constant 0 : index
    %swap3A_19 = arith.constant 0 : index
    %swap3A_20 = arith.constant 0 : index
    %swap3A_21 = vector.load %arg4[%swap3A, %swap3A_19, %swap3A_20] : memref<2x1000x128xf32, #tpu.memory_space<vmem>>, vector<1x1000x128xf32>
    %swap3A_22 = vector.shape_cast %swap3A_21 : vector<1x1000x128xf32> to vector<1000x128xf32>
    %swap3A_23 = vector.shape_cast %mul3A_18 : vector<1000x128xf32> to vector<1x1000x128xf32>
    tpu.vector_store %arg4[%swap3A, %swap3A_19, %swap3A_20], %swap3A_23 {strides = array<i32>} : memref<2x1000x128xf32, #tpu.memory_space<vmem>>, vector<1x1000x128xf32>,
    %neg3A_24 = arith.constant 0.000000e+00 : f32
    %neg3A_25 = vector.broadcast %neg3A_24 : f32 to vector<1000x128xf32>
    %neg3A_26 = arith.subf %neg3A_25, %mul3A_18 : vector<1000x128xf32>
    %swap3A_27 = arith.constant 1 : index
    %swap3A_28 = arith.constant 0 : index
    %swap3A_29 = arith.constant 0 : index
    %swap3A_30 = vector.load %arg4[%swap3A_27, %swap3A_28, %swap3A_29] : memref<2x1000x128xf32, #tpu.memory_space<vmem>>, vector<1x1000x128xf32>
    %swap3A_31 = vector.shape_cast %swap3A_30 : vector<1x1000x128xf32> to vector<1000x128xf32>
    %swap3A_32 = vector.shape_cast %neg3A_26 : vector<1000x128xf32> to vector<1x1000x128xf32>
    tpu.vector_store %arg4[%swap3A_27, %swap3A_28, %swap3A_29], %swap3A_32 {strides = array<i32>} : memref<2x1000x128xf32, #tpu.memory_space<vmem>>, vector<1x1000x128xf32>,
    return
  }
  func.func @transform_0(%arg0: i32) -> (i32, i32) {
    %rem3A = arith.constant 5 : i32
    %rem3A_0 = arith.remsi %arg0, %rem3A : i32
    %c0_i32 = arith.constant 0 : i32
    %c0_i32_1 = arith.constant 0 : i32
    return %rem3A_0, %c0_i32 : i32, i32
  }
  func.func @transform_1(%arg0: i32) -> (i32, i32) {
    %rem3A = arith.constant 5 : i32
    %rem3A_0 = arith.remsi %arg0, %rem3A : i32
    %c0_i32 = arith.constant 0 : i32
    %c0_i32_1 = arith.constant 0 : i32
    return %rem3A_0, %c0_i32 : i32, i32
  }
  func.func @transform_2(%arg0: i32) -> (i32, i32) {
    %c0_i32 = arith.constant 0 : i32
    %c0_i32_0 = arith.constant 0 : i32
    return %arg0, %c0_i32 : i32, i32
  }
  func.func @transform_3(%arg0: i32) -> (i32, i32, i32) {
    %c0_i32 = arith.constant 0 : i32
    %c0_i32_0 = arith.constant 0 : i32
    %c0_i32_1 = arith.constant 0 : i32
    return %c0_i32, %arg0, %c0_i32_0 : i32, i32, i32
  }
}

module attributes {stable_mosaic.version = 14 : i64} {
  func.func @_tc_mid_b_body(%arg0: i32, %arg1: memref<1000x128xf32, #tpu.memory_space<vmem>>, %arg2: memref<1000x128xf32, #tpu.memory_space<vmem>>, %arg3: memref<1000x1xf32, #tpu.memory_space<vmem>>, %arg4: memref<1000x128xf32, #tpu.memory_space<vmem>>, %arg5: memref<128x128xf32, #tpu.memory_space<vmem>>, %arg6: memref<128x128xf32, #tpu.memory_space<vmem>>, %arg7: memref<1000x128xf32, #tpu.memory_space<vmem>>) attributes {dimension_semantics = [#tpu.dimension_semantics<arbitrary>], iteration_bounds = array<i64: 10>, scalar_prefetch = 0 : i64, scratch_operands = 0 : i64, tpu.core_type = #tpu.core_type<tc>, window_params = [{transform_indices = @transform_0, window_bounds = array<i64: 1000, 128>}, {transform_indices = @transform_1, window_bounds = array<i64: 1000, 128>}, {transform_indices = @transform_2, window_bounds = array<i64: 1000, 1>}, {transform_indices = @transform_3, window_bounds = array<i64: 1000, 128>}, {pipeline_mode = #tpu.pipeline_mode<synchronous>, transform_indices = @transform_4, window_bounds = array<i64: 128, 128>}, {pipeline_mode = #tpu.pipeline_mode<synchronous>, transform_indices = @transform_5, window_bounds = array<i64: 128, 128>}, {transform_indices = @transform_6, window_bounds = array<i64: 1000, 128>}]} {
    %get3A = arith.constant 0 : index
    %get3A_0 = arith.constant 0 : index
    %get3A_1 = vector.load %arg1[%get3A, %get3A_0] : memref<1000x128xf32, #tpu.memory_space<vmem>>, vector<1000x128xf32>
    %get3A_2 = arith.constant 0 : index
    %get3A_3 = arith.constant 0 : index
    %get3A_4 = vector.load %arg2[%get3A_2, %get3A_3] : memref<1000x128xf32, #tpu.memory_space<vmem>>, vector<1000x128xf32>
    %lt3A = arith.constant 5 : i32
    %lt3A_5 = arith.cmpi slt, %arg0, %lt3A : i32
    %jit3A = arith.constant 5.000000e-01 : f32
    %jit3A_6 = arith.constant -5.000000e-01 : f32
    %select_n3A = arith.select %lt3A_5, %jit3A, %jit3A_6 : f32
    %mul3A = arith.constant 5.000000e-01 : f32
    %mul3A_7 = vector.broadcast %mul3A : f32 to vector<1000x128xf32>
    %mul3A_8 = arith.mulf %mul3A_7, %get3A_1 : vector<1000x128xf32>
    %mul3A_9 = vector.broadcast %select_n3A : f32 to vector<1000x128xf32>
    %mul3A_10 = arith.mulf %mul3A_9, %get3A_4 : vector<1000x128xf32>
    %add3A = arith.addf %mul3A_8, %mul3A_10 : vector<1000x128xf32>
    %get3A_11 = arith.constant 0 : index
    %get3A_12 = arith.constant 0 : index
    %get3A_13 = vector.load %arg3[%get3A_11, %get3A_12] : memref<1000x1xf32, #tpu.memory_space<vmem>>, vector<1000x1xf32>
    %neg3A = arith.constant 0.000000e+00 : f32
    %neg3A_14 = vector.broadcast %neg3A : f32 to vector<1000x1xf32>
    %neg3A_15 = arith.subf %neg3A_14, %get3A_13 : vector<1000x1xf32>
    %mul3A_16 = vector.broadcast %neg3A_15 : vector<1000x1xf32> to vector<1000x128xf32>
    %mul3A_17 = arith.mulf %mul3A_16, %add3A : vector<1000x128xf32>
    %get3A_18 = arith.constant 0 : index
    %get3A_19 = arith.constant 0 : index
    %get3A_20 = vector.load %arg4[%get3A_18, %get3A_19] : memref<1000x128xf32, #tpu.memory_space<vmem>>, vector<1000x128xf32>
    %get3A_21 = arith.constant 0 : index
    %get3A_22 = arith.constant 0 : index
    %get3A_23 = vector.load %arg5[%get3A_21, %get3A_22] : memref<128x128xf32, #tpu.memory_space<vmem>>, vector<128x128xf32>
    %dot_general3A = arith.constant dense<0.000000e+00> : vector<1000x128xf32>
    %dot_general3A_24 = tpu.matmul %get3A_20, %get3A_23, %dot_general3A {dimension_numbers = #tpu.dot_dimension_numbers<[1], [0], [0], [1], [0, 0, 1, 1], [], []>, precision = #tpu.contract_precision<fp32>, transpose_lhs_hint = false} : vector<1000x128xf32>, vector<128x128xf32>, vector<1000x128xf32> -> vector<1000x128xf32>
    %get3A_25 = arith.constant 0 : index
    %get3A_26 = arith.constant 0 : index
    %get3A_27 = vector.load %arg6[%get3A_25, %get3A_26] : memref<128x128xf32, #tpu.memory_space<vmem>>, vector<128x128xf32>
    %dot_general3A_28 = arith.constant dense<0.000000e+00> : vector<1000x128xf32>
    %dot_general3A_29 = tpu.matmul %mul3A_17, %get3A_27, %dot_general3A_28 {dimension_numbers = #tpu.dot_dimension_numbers<[1], [0], [0], [1], [0, 0, 1, 1], [], []>, precision = #tpu.contract_precision<fp32>, transpose_lhs_hint = false} : vector<1000x128xf32>, vector<128x128xf32>, vector<1000x128xf32> -> vector<1000x128xf32>
    %add3A_30 = arith.addf %dot_general3A_24, %dot_general3A_29 : vector<1000x128xf32>
    %swap3A = arith.constant 0 : index
    %swap3A_31 = arith.constant 0 : index
    %swap3A_32 = vector.load %arg7[%swap3A, %swap3A_31] : memref<1000x128xf32, #tpu.memory_space<vmem>>, vector<1000x128xf32>
    tpu.vector_store %arg7[%swap3A, %swap3A_31], %add3A_30 {strides = array<i32>} : memref<1000x128xf32, #tpu.memory_space<vmem>>, vector<1000x128xf32>,
    return
  }
  func.func @transform_0(%arg0: i32) -> (i32, i32) {
    %rem3A = arith.constant 5 : i32
    %rem3A_0 = arith.remsi %arg0, %rem3A : i32
    %c0_i32 = arith.constant 0 : i32
    %c0_i32_1 = arith.constant 0 : i32
    return %rem3A_0, %c0_i32 : i32, i32
  }
  func.func @transform_1(%arg0: i32) -> (i32, i32) {
    %rem3A = arith.constant 5 : i32
    %rem3A_0 = arith.remsi %arg0, %rem3A : i32
    %c0_i32 = arith.constant 0 : i32
    %c0_i32_1 = arith.constant 0 : i32
    return %rem3A_0, %c0_i32 : i32, i32
  }
  func.func @transform_2(%arg0: i32) -> (i32, i32) {
    %c0_i32 = arith.constant 0 : i32
    %c0_i32_0 = arith.constant 0 : i32
    return %arg0, %c0_i32 : i32, i32
  }
  func.func @transform_3(%arg0: i32) -> (i32, i32) {
    %c0_i32 = arith.constant 0 : i32
    %c0_i32_0 = arith.constant 0 : i32
    return %arg0, %c0_i32 : i32, i32
  }
  func.func @transform_4(%arg0: i32) -> (i32, i32) {
    %c0_i32 = arith.constant 0 : i32
    %c0_i32_0 = arith.constant 0 : i32
    %c0_i32_1 = arith.constant 0 : i32
    return %c0_i32, %c0_i32_0 : i32, i32
  }
  func.func @transform_5(%arg0: i32) -> (i32, i32) {
    %c0_i32 = arith.constant 0 : i32
    %c0_i32_0 = arith.constant 0 : i32
    %c0_i32_1 = arith.constant 0 : i32
    return %c0_i32, %c0_i32_0 : i32, i32
  }
  func.func @transform_6(%arg0: i32) -> (i32, i32) {
    %c0_i32 = arith.constant 0 : i32
    %c0_i32_0 = arith.constant 0 : i32
    return %arg0, %c0_i32 : i32, i32
  }
}

module attributes {stable_mosaic.version = 14 : i64} {
  func.func @_tc_final_body(%arg0: i32, %arg1: memref<1000x128xf32, #tpu.memory_space<vmem>>, %arg2: memref<1000x128xf32, #tpu.memory_space<vmem>>, %arg3: memref<1000x1xf32, #tpu.memory_space<vmem>>, %arg4: memref<1000x128xf32, #tpu.memory_space<vmem>>, %arg5: memref<1000x128xf32, #tpu.memory_space<vmem>>, %arg6: memref<1000x1xf32, #tpu.memory_space<vmem>>, %arg7: memref<128x128xf32, #tpu.memory_space<vmem>>, %arg8: memref<1x128xf32, #tpu.memory_space<vmem>>, %arg9: memref<1x128xf32, #tpu.memory_space<vmem>>, %arg10: memref<1x128xf32, #tpu.memory_space<vmem>>, %arg11: memref<1x128xf32, #tpu.memory_space<vmem>>, %arg12: memref<128x128xf32, #tpu.memory_space<vmem>>, %arg13: memref<1x128xf32, #tpu.memory_space<vmem>>, %arg14: memref<16x128xf32, #tpu.memory_space<vmem>>, %arg15: memref<16x128xf32, #tpu.memory_space<vmem>>, %arg16: memref<16x128xf32, #tpu.memory_space<vmem>>, %arg17: memref<16x1xf32, #tpu.memory_space<vmem>>, %arg18: memref<16x128xf32, #tpu.memory_space<vmem>>) attributes {dimension_semantics = [#tpu.dimension_semantics<arbitrary>], iteration_bounds = array<i64: 10>, scalar_prefetch = 0 : i64, scratch_operands = 4 : i64, tpu.core_type = #tpu.core_type<tc>, window_params = [{transform_indices = @transform_0, window_bounds = array<i64: 1000, 128>}, {transform_indices = @transform_1, window_bounds = array<i64: 1000, 128>}, {transform_indices = @transform_2, window_bounds = array<i64: 1000, 1>}, {transform_indices = @transform_3, window_bounds = array<i64: 1000, 128>}, {transform_indices = @transform_4, window_bounds = array<i64: 1000, 128>}, {transform_indices = @transform_5, window_bounds = array<i64: 1000, 1>}, {pipeline_mode = #tpu.pipeline_mode<synchronous>, transform_indices = @transform_6, window_bounds = array<i64: 128, 128>}, {pipeline_mode = #tpu.pipeline_mode<synchronous>, transform_indices = @transform_7, window_bounds = array<i64: 1, 128>}, {pipeline_mode = #tpu.pipeline_mode<synchronous>, transform_indices = @transform_8, window_bounds = array<i64: 1, 128>}, {pipeline_mode = #tpu.pipeline_mode<synchronous>, transform_indices = @transform_9, window_bounds = array<i64: 1, 128>}, {pipeline_mode = #tpu.pipeline_mode<synchronous>, transform_indices = @transform_10, window_bounds = array<i64: 1, 128>}, {pipeline_mode = #tpu.pipeline_mode<synchronous>, transform_indices = @transform_11, window_bounds = array<i64: 128, 128>}, {pipeline_mode = #tpu.pipeline_mode<synchronous>, transform_indices = @transform_12, window_bounds = array<i64: 1, 128>}, {pipeline_mode = #tpu.pipeline_mode<synchronous>, transform_indices = @transform_13, window_bounds = array<i64: 16, 128>}]} {
    %eq3A = arith.constant 0 : i32
    %eq3A_0 = arith.cmpi eq, %arg0, %eq3A : i32
    %convert_element_type3A = arith.extui %eq3A_0 : i1 to i32
    %cond3A = arith.constant 0 : i32
    %cond3A_1 = arith.cmpi ne, %convert_element_type3A, %cond3A : i32
    scf.if %cond3A_1 {
      %broadcast_in_dim3A_414 = arith.constant 0.000000e+00 : f32
      %broadcast_in_dim3A_415 = vector.broadcast %broadcast_in_dim3A_414 : f32 to vector<16x128xf32>
      %swap3A_416 = arith.constant 0 : index
      %swap3A_417 = arith.constant 0 : index
      %swap3A_418 = vector.load %arg15[%swap3A_416, %swap3A_417] : memref<16x128xf32, #tpu.memory_space<vmem>>, vector<16x128xf32>
      tpu.vector_store %arg15[%swap3A_416, %swap3A_417], %broadcast_in_dim3A_415 {strides = array<i32>} : memref<16x128xf32, #tpu.memory_space<vmem>>, vector<16x128xf32>,
      %broadcast_in_dim3A_419 = arith.constant 0.000000e+00 : f32
      %broadcast_in_dim3A_420 = vector.broadcast %broadcast_in_dim3A_419 : f32 to vector<16x128xf32>
      %swap3A_421 = arith.constant 0 : index
      %swap3A_422 = arith.constant 0 : index
      %swap3A_423 = vector.load %arg16[%swap3A_421, %swap3A_422] : memref<16x128xf32, #tpu.memory_space<vmem>>, vector<16x128xf32>
      tpu.vector_store %arg16[%swap3A_421, %swap3A_422], %broadcast_in_dim3A_420 {strides = array<i32>} : memref<16x128xf32, #tpu.memory_space<vmem>>, vector<16x128xf32>,
      %broadcast_in_dim3A_424 = arith.constant 0.000000e+00 : f32
      %broadcast_in_dim3A_425 = vector.broadcast %broadcast_in_dim3A_424 : f32 to vector<16x1xf32>
      %swap3A_426 = arith.constant 0 : index
      %swap3A_427 = arith.constant 0 : index
      %swap3A_428 = vector.load %arg17[%swap3A_426, %swap3A_427] : memref<16x1xf32, #tpu.memory_space<vmem>>, vector<16x1xf32>
      tpu.vector_store %arg17[%swap3A_426, %swap3A_427], %broadcast_in_dim3A_425 {strides = array<i32>} : memref<16x1xf32, #tpu.memory_space<vmem>>, vector<16x1xf32>,
      %broadcast_in_dim3A_429 = arith.constant -3.000000e+38 : f32
      %broadcast_in_dim3A_430 = vector.broadcast %broadcast_in_dim3A_429 : f32 to vector<16x128xf32>
      %swap3A_431 = arith.constant 0 : index
      %swap3A_432 = arith.constant 0 : index
      %swap3A_433 = vector.load %arg18[%swap3A_431, %swap3A_432] : memref<16x128xf32, #tpu.memory_space<vmem>>, vector<16x128xf32>
      tpu.vector_store %arg18[%swap3A_431, %swap3A_432], %broadcast_in_dim3A_430 {strides = array<i32>} : memref<16x128xf32, #tpu.memory_space<vmem>>, vector<16x128xf32>,
    } else {
    }
    %get3A = arith.constant 0 : index
    %get3A_2 = arith.constant 0 : index
    %get3A_3 = vector.load %arg1[%get3A, %get3A_2] : memref<1000x128xf32, #tpu.memory_space<vmem>>, vector<1000x128xf32>
    %get3A_4 = arith.constant 0 : index
    %get3A_5 = arith.constant 0 : index
    %get3A_6 = vector.load %arg2[%get3A_4, %get3A_5] : memref<1000x128xf32, #tpu.memory_space<vmem>>, vector<1000x128xf32>
    %lt3A = arith.constant 5 : i32
    %lt3A_7 = arith.cmpi slt, %arg0, %lt3A : i32
    %jit3A = arith.constant 5.000000e-01 : f32
    %jit3A_8 = arith.constant -5.000000e-01 : f32
    %select_n3A = arith.select %lt3A_7, %jit3A, %jit3A_8 : f32
    %mul3A = arith.constant 5.000000e-01 : f32
    %mul3A_9 = vector.broadcast %mul3A : f32 to vector<1000x128xf32>
    %mul3A_10 = arith.mulf %mul3A_9, %get3A_3 : vector<1000x128xf32>
    %mul3A_11 = vector.broadcast %select_n3A : f32 to vector<1000x128xf32>
    %mul3A_12 = arith.mulf %mul3A_11, %get3A_6 : vector<1000x128xf32>
    %add3A = arith.addf %mul3A_10, %mul3A_12 : vector<1000x128xf32>
    %get3A_13 = arith.constant 0 : index
    %get3A_14 = arith.constant 0 : index
    %get3A_15 = vector.load %arg3[%get3A_13, %get3A_14] : memref<1000x1xf32, #tpu.memory_space<vmem>>, vector<1000x1xf32>
    %mul3A_16 = arith.constant -2.000000e+00 : f32
    %mul3A_17 = vector.broadcast %mul3A_16 : f32 to vector<1000x1xf32>
    %mul3A_18 = arith.mulf %mul3A_17, %get3A_15 : vector<1000x1xf32>
    %mul3A_19 = vector.broadcast %mul3A_18 : vector<1000x1xf32> to vector<1000x128xf32>
    %mul3A_20 = arith.mulf %mul3A_19, %add3A : vector<1000x128xf32>
    %get3A_21 = arith.constant 0 : index
    %get3A_22 = arith.constant 0 : index
    %get3A_23 = vector.load %arg4[%get3A_21, %get3A_22] : memref<1000x128xf32, #tpu.memory_space<vmem>>, vector<1000x128xf32>
    %sub3A = arith.subf %mul3A_20, %get3A_23 : vector<1000x128xf32>
    %get3A_24 = arith.constant 0 : index
    %get3A_25 = arith.constant 0 : index
    %get3A_26 = vector.load %arg5[%get3A_24, %get3A_25] : memref<1000x128xf32, #tpu.memory_space<vmem>>, vector<1000x128xf32>
    %get3A_27 = arith.constant 0 : index
    %get3A_28 = arith.constant 0 : index
    %get3A_29 = vector.load %arg7[%get3A_27, %get3A_28] : memref<128x128xf32, #tpu.memory_space<vmem>>, vector<128x128xf32>
    %dot_general3A = arith.constant dense<0.000000e+00> : vector<1000x128xf32>
    %dot_general3A_30 = tpu.matmul %sub3A, %get3A_29, %dot_general3A {dimension_numbers = #tpu.dot_dimension_numbers<[1], [0], [0], [1], [0, 0, 1, 1], [], []>, precision = #tpu.contract_precision<fp32>, transpose_lhs_hint = false} : vector<1000x128xf32>, vector<128x128xf32>, vector<1000x128xf32> -> vector<1000x128xf32>
    %add3A_31 = arith.addf %get3A_26, %dot_general3A_30 : vector<1000x128xf32>
    %get3A_32 = arith.constant 0 : index
    %get3A_33 = arith.constant 0 : index
    %get3A_34 = vector.load %arg8[%get3A_32, %get3A_33] : memref<1x128xf32, #tpu.memory_space<vmem>>, vector<1x128xf32>
    %add3A_35 = vector.broadcast %get3A_34 : vector<1x128xf32> to vector<1000x128xf32>
    %add3A_36 = arith.addf %add3A_31, %add3A_35 : vector<1000x128xf32>
    %jit3A_37 = arith.constant -1.000000e+00 : f32
    %jit3A_38 = arith.constant 1.000000e+00 : f32
    %max3A = vector.broadcast %jit3A_37 : f32 to vector<1000x128xf32>
    %max3A_39 = arith.maximumf %max3A, %add3A_36 : vector<1000x128xf32>
    %min3A = vector.broadcast %jit3A_38 : f32 to vector<1000x128xf32>
    %min3A_40 = arith.minimumf %min3A, %max3A_39 : vector<1000x128xf32>
    %get3A_41 = arith.constant 0 : index
    %get3A_42 = arith.constant 0 : index
    %get3A_43 = vector.load %arg6[%get3A_41, %get3A_42] : memref<1000x1xf32, #tpu.memory_space<vmem>>, vector<1000x1xf32>
    %iota3A = tpu.iota {dimensions = array<i32: 1>} : vector<1x16xi32>
    %convert_element_type3A_44 = arith.sitofp %iota3A : vector<1x16xi32> to vector<1x16xf32>
    %eq3A_45 = vector.broadcast %get3A_43 : vector<1000x1xf32> to vector<1000x16xf32>
    %eq3A_46 = vector.broadcast %convert_element_type3A_44 : vector<1x16xf32> to vector<1000x16xf32>
    %eq3A_47 = arith.cmpf oeq, %eq3A_45, %eq3A_46 : vector<1000x16xf32>
    %convert_element_type3A_48 = arith.extui %eq3A_47 : vector<1000x16xi1> to vector<1000x16xi32>
    %convert_element_type3A_49 = arith.sitofp %convert_element_type3A_48 : vector<1000x16xi32> to vector<1000x16xf32>
    %get3A_50 = arith.constant 0 : index
    %get3A_51 = arith.constant 0 : index
    %get3A_52 = vector.load %arg17[%get3A_50, %get3A_51] : memref<16x1xf32, #tpu.memory_space<vmem>>, vector<16x1xf32>
    %broadcast_in_dim3A = arith.constant 1.000000e+00 : f32
    %broadcast_in_dim3A_53 = vector.broadcast %broadcast_in_dim3A : f32 to vector<1000x1xf32>
    %dot_general3A_54 = arith.constant dense<0.000000e+00> : vector<16x1xf32>
    %dot_general3A_55 = tpu.matmul %convert_element_type3A_49, %broadcast_in_dim3A_53, %dot_general3A_54 {dimension_numbers = #tpu.dot_dimension_numbers<[0], [0], [1], [1], [0, 1, 1, 1], [], []>, precision = #tpu.contract_precision<fp32>, transpose_lhs_hint = false} : vector<1000x16xf32>, vector<1000x1xf32>, vector<16x1xf32> -> vector<16x1xf32>
    %add3A_56 = arith.addf %get3A_52, %dot_general3A_55 : vector<16x1xf32>
    %swap3A = arith.constant 0 : index
    %swap3A_57 = arith.constant 0 : index
    %swap3A_58 = vector.load %arg17[%swap3A, %swap3A_57] : memref<16x1xf32, #tpu.memory_space<vmem>>, vector<16x1xf32>
    tpu.vector_store %arg17[%swap3A, %swap3A_57], %add3A_56 {strides = array<i32>} : memref<16x1xf32, #tpu.memory_space<vmem>>, vector<16x1xf32>,
    %get3A_59 = arith.constant 0 : index
    %get3A_60 = arith.constant 0 : index
    %get3A_61 = vector.load %arg15[%get3A_59, %get3A_60] : memref<16x128xf32, #tpu.memory_space<vmem>>, vector<16x128xf32>
    %dot_general3A_62 = arith.constant dense<0.000000e+00> : vector<16x128xf32>
    %dot_general3A_63 = tpu.matmul %convert_element_type3A_49, %min3A_40, %dot_general3A_62 {dimension_numbers = #tpu.dot_dimension_numbers<[0], [0], [1], [1], [0, 1, 1, 1], [], []>, precision = #tpu.contract_precision<fp32>, transpose_lhs_hint = false} : vector<1000x16xf32>, vector<1000x128xf32>, vector<16x128xf32> -> vector<16x128xf32>
    %add3A_64 = arith.addf %get3A_61, %dot_general3A_63 : vector<16x128xf32>
    %swap3A_65 = arith.constant 0 : index
    %swap3A_66 = arith.constant 0 : index
    %swap3A_67 = vector.load %arg15[%swap3A_65, %swap3A_66] : memref<16x128xf32, #tpu.memory_space<vmem>>, vector<16x128xf32>
    tpu.vector_store %arg15[%swap3A_65, %swap3A_66], %add3A_64 {strides = array<i32>} : memref<16x128xf32, #tpu.memory_space<vmem>>, vector<16x128xf32>,
    %get3A_68 = arith.constant 0 : index
    %get3A_69 = arith.constant 0 : index
    %get3A_70 = vector.load %arg16[%get3A_68, %get3A_69] : memref<16x128xf32, #tpu.memory_space<vmem>>, vector<16x128xf32>
    %mul3A_71 = arith.mulf %min3A_40, %min3A_40 : vector<1000x128xf32>
    %dot_general3A_72 = arith.constant dense<0.000000e+00> : vector<16x128xf32>
    %dot_general3A_73 = tpu.matmul %convert_element_type3A_49, %mul3A_71, %dot_general3A_72 {dimension_numbers = #tpu.dot_dimension_numbers<[0], [0], [1], [1], [0, 1, 1, 1], [], []>, precision = #tpu.contract_precision<fp32>, transpose_lhs_hint = false} : vector<1000x16xf32>, vector<1000x128xf32>, vector<16x128xf32> -> vector<16x128xf32>
    %add3A_74 = arith.addf %get3A_70, %dot_general3A_73 : vector<16x128xf32>
    %swap3A_75 = arith.constant 0 : index
    %swap3A_76 = arith.constant 0 : index
    %swap3A_77 = vector.load %arg16[%swap3A_75, %swap3A_76] : memref<16x128xf32, #tpu.memory_space<vmem>>, vector<16x128xf32>
    tpu.vector_store %arg16[%swap3A_75, %swap3A_76], %add3A_74 {strides = array<i32>} : memref<16x128xf32, #tpu.memory_space<vmem>>, vector<16x128xf32>,
    %get3A_78 = arith.constant 0 : index
    %get3A_79 = arith.constant 0 : index
    %get3A_80 = vector.load %arg9[%get3A_78, %get3A_79] : memref<1x128xf32, #tpu.memory_space<vmem>>, vector<1x128xf32>
    %ge3A = arith.constant 0.000000e+00 : f32
    %ge3A_81 = vector.broadcast %ge3A : f32 to vector<1x128xf32>
    %ge3A_82 = arith.cmpf oge, %get3A_80, %ge3A_81 : vector<1x128xf32>
    %jit3A_83 = arith.constant 1.000000e+00 : f32
    %jit3A_84 = arith.constant -1.000000e+00 : f32
    %broadcast_in_dim3A_85 = vector.broadcast %jit3A_83 : f32 to vector<1x128xf32>
    %broadcast_in_dim3A_86 = vector.broadcast %jit3A_84 : f32 to vector<1x128xf32>
    %select_n3A_87 = arith.select %ge3A_82, %broadcast_in_dim3A_85, %broadcast_in_dim3A_86 : vector<1x128xi1>, vector<1x128xf32>
    %mul3A_88 = vector.broadcast %select_n3A_87 : vector<1x128xf32> to vector<1000x128xf32>
    %mul3A_89 = arith.mulf %min3A_40, %mul3A_88 : vector<1000x128xf32>
    %eq3A_90 = arith.constant 0.000000e+00 : f32
    %eq3A_91 = vector.broadcast %eq3A_90 : f32 to vector<1000x1xf32>
    %eq3A_92 = arith.cmpf oeq, %get3A_43, %eq3A_91 : vector<1000x1xf32>
    %jit3A_93 = arith.constant -3.000000e+38 : f32
    %broadcast_in_dim3A_94 = vector.shape_cast %eq3A_92 : vector<1000x1xi1> to vector<1000x1xi1>
    %broadcast_in_dim3A_95 = vector.broadcast %broadcast_in_dim3A_94 : vector<1000x1xi1> to vector<1000x128xi1>
    %broadcast_in_dim3A_96 = vector.broadcast %jit3A_93 : f32 to vector<1000x128xf32>
    %select_n3A_97 = arith.select %broadcast_in_dim3A_95, %mul3A_89, %broadcast_in_dim3A_96 : vector<1000x128xi1>, vector<1000x128xf32>
    %reduce_max3A = arith.constant dense<0xFF800000> : vector<128xf32>
    %reduce_max3A_98 = vector.multi_reduction <maximumf>, %select_n3A_97, %reduce_max3A [0] : vector<1000x128xf32> to vector<128xf32>
    %get3A_99 = arith.constant 0 : index
    %get3A_100 = arith.constant 0 : index
    %get3A_101 = vector.load %arg18[%get3A_99, %get3A_100] : memref<16x128xf32, #tpu.memory_space<vmem>>, vector<1x128xf32>
    %get3A_102 = vector.shape_cast %get3A_101 : vector<1x128xf32> to vector<128xf32>
    %max3A_103 = arith.maximumf %get3A_102, %reduce_max3A_98 : vector<128xf32>
    %swap3A_104 = arith.constant 0 : index
    %swap3A_105 = arith.constant 0 : index
    %swap3A_106 = vector.load %arg18[%swap3A_104, %swap3A_105] : memref<16x128xf32, #tpu.memory_space<vmem>>, vector<1x128xf32>
    %swap3A_107 = vector.shape_cast %swap3A_106 : vector<1x128xf32> to vector<128xf32>
    %swap3A_108 = vector.shape_cast %max3A_103 : vector<128xf32> to vector<1x128xf32>
    tpu.vector_store %arg18[%swap3A_104, %swap3A_105], %swap3A_108 {strides = array<i32>} : memref<16x128xf32, #tpu.memory_space<vmem>>, vector<1x128xf32>,
    %eq3A_109 = arith.constant 1.000000e+00 : f32
    %eq3A_110 = vector.broadcast %eq3A_109 : f32 to vector<1000x1xf32>
    %eq3A_111 = arith.cmpf oeq, %get3A_43, %eq3A_110 : vector<1000x1xf32>
    %jit3A_112 = arith.constant -3.000000e+38 : f32
    %broadcast_in_dim3A_113 = vector.shape_cast %eq3A_111 : vector<1000x1xi1> to vector<1000x1xi1>
    %broadcast_in_dim3A_114 = vector.broadcast %broadcast_in_dim3A_113 : vector<1000x1xi1> to vector<1000x128xi1>
    %broadcast_in_dim3A_115 = vector.broadcast %jit3A_112 : f32 to vector<1000x128xf32>
    %select_n3A_116 = arith.select %broadcast_in_dim3A_114, %mul3A_89, %broadcast_in_dim3A_115 : vector<1000x128xi1>, vector<1000x128xf32>
    %reduce_max3A_117 = arith.constant dense<0xFF800000> : vector<128xf32>
    %reduce_max3A_118 = vector.multi_reduction <maximumf>, %select_n3A_116, %reduce_max3A_117 [0] : vector<1000x128xf32> to vector<128xf32>
    %get3A_119 = arith.constant 1 : index
    %get3A_120 = arith.constant 0 : index
    %get3A_121 = vector.load %arg18[%get3A_119, %get3A_120] : memref<16x128xf32, #tpu.memory_space<vmem>>, vector<1x128xf32>
    %get3A_122 = vector.shape_cast %get3A_121 : vector<1x128xf32> to vector<128xf32>
    %max3A_123 = arith.maximumf %get3A_122, %reduce_max3A_118 : vector<128xf32>
    %swap3A_124 = arith.constant 1 : index
    %swap3A_125 = arith.constant 0 : index
    %swap3A_126 = vector.load %arg18[%swap3A_124, %swap3A_125] : memref<16x128xf32, #tpu.memory_space<vmem>>, vector<1x128xf32>
    %swap3A_127 = vector.shape_cast %swap3A_126 : vector<1x128xf32> to vector<128xf32>
    %swap3A_128 = vector.shape_cast %max3A_123 : vector<128xf32> to vector<1x128xf32>
    tpu.vector_store %arg18[%swap3A_124, %swap3A_125], %swap3A_128 {strides = array<i32>} : memref<16x128xf32, #tpu.memory_space<vmem>>, vector<1x128xf32>,
    %eq3A_129 = arith.constant 2.000000e+00 : f32
    %eq3A_130 = vector.broadcast %eq3A_129 : f32 to vector<1000x1xf32>
    %eq3A_131 = arith.cmpf oeq, %get3A_43, %eq3A_130 : vector<1000x1xf32>
    %jit3A_132 = arith.constant -3.000000e+38 : f32
    %broadcast_in_dim3A_133 = vector.shape_cast %eq3A_131 : vector<1000x1xi1> to vector<1000x1xi1>
    %broadcast_in_dim3A_134 = vector.broadcast %broadcast_in_dim3A_133 : vector<1000x1xi1> to vector<1000x128xi1>
    %broadcast_in_dim3A_135 = vector.broadcast %jit3A_132 : f32 to vector<1000x128xf32>
    %select_n3A_136 = arith.select %broadcast_in_dim3A_134, %mul3A_89, %broadcast_in_dim3A_135 : vector<1000x128xi1>, vector<1000x128xf32>
    %reduce_max3A_137 = arith.constant dense<0xFF800000> : vector<128xf32>
    %reduce_max3A_138 = vector.multi_reduction <maximumf>, %select_n3A_136, %reduce_max3A_137 [0] : vector<1000x128xf32> to vector<128xf32>
    %get3A_139 = arith.constant 2 : index
    %get3A_140 = arith.constant 0 : index
    %get3A_141 = vector.load %arg18[%get3A_139, %get3A_140] : memref<16x128xf32, #tpu.memory_space<vmem>>, vector<1x128xf32>
    %get3A_142 = vector.shape_cast %get3A_141 : vector<1x128xf32> to vector<128xf32>
    %max3A_143 = arith.maximumf %get3A_142, %reduce_max3A_138 : vector<128xf32>
    %swap3A_144 = arith.constant 2 : index
    %swap3A_145 = arith.constant 0 : index
    %swap3A_146 = vector.load %arg18[%swap3A_144, %swap3A_145] : memref<16x128xf32, #tpu.memory_space<vmem>>, vector<1x128xf32>
    %swap3A_147 = vector.shape_cast %swap3A_146 : vector<1x128xf32> to vector<128xf32>
    %swap3A_148 = vector.shape_cast %max3A_143 : vector<128xf32> to vector<1x128xf32>
    tpu.vector_store %arg18[%swap3A_144, %swap3A_145], %swap3A_148 {strides = array<i32>} : memref<16x128xf32, #tpu.memory_space<vmem>>, vector<1x128xf32>,
    %eq3A_149 = arith.constant 3.000000e+00 : f32
    %eq3A_150 = vector.broadcast %eq3A_149 : f32 to vector<1000x1xf32>
    %eq3A_151 = arith.cmpf oeq, %get3A_43, %eq3A_150 : vector<1000x1xf32>
    %jit3A_152 = arith.constant -3.000000e+38 : f32
    %broadcast_in_dim3A_153 = vector.shape_cast %eq3A_151 : vector<1000x1xi1> to vector<1000x1xi1>
    %broadcast_in_dim3A_154 = vector.broadcast %broadcast_in_dim3A_153 : vector<1000x1xi1> to vector<1000x128xi1>
    %broadcast_in_dim3A_155 = vector.broadcast %jit3A_152 : f32 to vector<1000x128xf32>
    %select_n3A_156 = arith.select %broadcast_in_dim3A_154, %mul3A_89, %broadcast_in_dim3A_155 : vector<1000x128xi1>, vector<1000x128xf32>
    %reduce_max3A_157 = arith.constant dense<0xFF800000> : vector<128xf32>
    %reduce_max3A_158 = vector.multi_reduction <maximumf>, %select_n3A_156, %reduce_max3A_157 [0] : vector<1000x128xf32> to vector<128xf32>
    %get3A_159 = arith.constant 3 : index
    %get3A_160 = arith.constant 0 : index
    %get3A_161 = vector.load %arg18[%get3A_159, %get3A_160] : memref<16x128xf32, #tpu.memory_space<vmem>>, vector<1x128xf32>
    %get3A_162 = vector.shape_cast %get3A_161 : vector<1x128xf32> to vector<128xf32>
    %max3A_163 = arith.maximumf %get3A_162, %reduce_max3A_158 : vector<128xf32>
    %swap3A_164 = arith.constant 3 : index
    %swap3A_165 = arith.constant 0 : index
    %swap3A_166 = vector.load %arg18[%swap3A_164, %swap3A_165] : memref<16x128xf32, #tpu.memory_space<vmem>>, vector<1x128xf32>
    %swap3A_167 = vector.shape_cast %swap3A_166 : vector<1x128xf32> to vector<128xf32>
    %swap3A_168 = vector.shape_cast %max3A_163 : vector<128xf32> to vector<1x128xf32>
    tpu.vector_store %arg18[%swap3A_164, %swap3A_165], %swap3A_168 {strides = array<i32>} : memref<16x128xf32, #tpu.memory_space<vmem>>, vector<1x128xf32>,
    %eq3A_169 = arith.constant 4.000000e+00 : f32
    %eq3A_170 = vector.broadcast %eq3A_169 : f32 to vector<1000x1xf32>
    %eq3A_171 = arith.cmpf oeq, %get3A_43, %eq3A_170 : vector<1000x1xf32>
    %jit3A_172 = arith.constant -3.000000e+38 : f32
    %broadcast_in_dim3A_173 = vector.shape_cast %eq3A_171 : vector<1000x1xi1> to vector<1000x1xi1>
    %broadcast_in_dim3A_174 = vector.broadcast %broadcast_in_dim3A_173 : vector<1000x1xi1> to vector<1000x128xi1>
    %broadcast_in_dim3A_175 = vector.broadcast %jit3A_172 : f32 to vector<1000x128xf32>
    %select_n3A_176 = arith.select %broadcast_in_dim3A_174, %mul3A_89, %broadcast_in_dim3A_175 : vector<1000x128xi1>, vector<1000x128xf32>
    %reduce_max3A_177 = arith.constant dense<0xFF800000> : vector<128xf32>
    %reduce_max3A_178 = vector.multi_reduction <maximumf>, %select_n3A_176, %reduce_max3A_177 [0] : vector<1000x128xf32> to vector<128xf32>
    %get3A_179 = arith.constant 4 : index
    %get3A_180 = arith.constant 0 : index
    %get3A_181 = vector.load %arg18[%get3A_179, %get3A_180] : memref<16x128xf32, #tpu.memory_space<vmem>>, vector<1x128xf32>
    %get3A_182 = vector.shape_cast %get3A_181 : vector<1x128xf32> to vector<128xf32>
    %max3A_183 = arith.maximumf %get3A_182, %reduce_max3A_178 : vector<128xf32>
    %swap3A_184 = arith.constant 4 : index
    %swap3A_185 = arith.constant 0 : index
    %swap3A_186 = vector.load %arg18[%swap3A_184, %swap3A_185] : memref<16x128xf32, #tpu.memory_space<vmem>>, vector<1x128xf32>
    %swap3A_187 = vector.shape_cast %swap3A_186 : vector<1x128xf32> to vector<128xf32>
    %swap3A_188 = vector.shape_cast %max3A_183 : vector<128xf32> to vector<1x128xf32>
    tpu.vector_store %arg18[%swap3A_184, %swap3A_185], %swap3A_188 {strides = array<i32>} : memref<16x128xf32, #tpu.memory_space<vmem>>, vector<1x128xf32>,
    %eq3A_189 = arith.constant 5.000000e+00 : f32
    %eq3A_190 = vector.broadcast %eq3A_189 : f32 to vector<1000x1xf32>
    %eq3A_191 = arith.cmpf oeq, %get3A_43, %eq3A_190 : vector<1000x1xf32>
    %jit3A_192 = arith.constant -3.000000e+38 : f32
    %broadcast_in_dim3A_193 = vector.shape_cast %eq3A_191 : vector<1000x1xi1> to vector<1000x1xi1>
    %broadcast_in_dim3A_194 = vector.broadcast %broadcast_in_dim3A_193 : vector<1000x1xi1> to vector<1000x128xi1>
    %broadcast_in_dim3A_195 = vector.broadcast %jit3A_192 : f32 to vector<1000x128xf32>
    %select_n3A_196 = arith.select %broadcast_in_dim3A_194, %mul3A_89, %broadcast_in_dim3A_195 : vector<1000x128xi1>, vector<1000x128xf32>
    %reduce_max3A_197 = arith.constant dense<0xFF800000> : vector<128xf32>
    %reduce_max3A_198 = vector.multi_reduction <maximumf>, %select_n3A_196, %reduce_max3A_197 [0] : vector<1000x128xf32> to vector<128xf32>
    %get3A_199 = arith.constant 5 : index
    %get3A_200 = arith.constant 0 : index
    %get3A_201 = vector.load %arg18[%get3A_199, %get3A_200] : memref<16x128xf32, #tpu.memory_space<vmem>>, vector<1x128xf32>
    %get3A_202 = vector.shape_cast %get3A_201 : vector<1x128xf32> to vector<128xf32>
    %max3A_203 = arith.maximumf %get3A_202, %reduce_max3A_198 : vector<128xf32>
    %swap3A_204 = arith.constant 5 : index
    %swap3A_205 = arith.constant 0 : index
    %swap3A_206 = vector.load %arg18[%swap3A_204, %swap3A_205] : memref<16x128xf32, #tpu.memory_space<vmem>>, vector<1x128xf32>
    %swap3A_207 = vector.shape_cast %swap3A_206 : vector<1x128xf32> to vector<128xf32>
    %swap3A_208 = vector.shape_cast %max3A_203 : vector<128xf32> to vector<1x128xf32>
    tpu.vector_store %arg18[%swap3A_204, %swap3A_205], %swap3A_208 {strides = array<i32>} : memref<16x128xf32, #tpu.memory_space<vmem>>, vector<1x128xf32>,
    %eq3A_209 = arith.constant 6.000000e+00 : f32
    %eq3A_210 = vector.broadcast %eq3A_209 : f32 to vector<1000x1xf32>
    %eq3A_211 = arith.cmpf oeq, %get3A_43, %eq3A_210 : vector<1000x1xf32>
    %jit3A_212 = arith.constant -3.000000e+38 : f32
    %broadcast_in_dim3A_213 = vector.shape_cast %eq3A_211 : vector<1000x1xi1> to vector<1000x1xi1>
    %broadcast_in_dim3A_214 = vector.broadcast %broadcast_in_dim3A_213 : vector<1000x1xi1> to vector<1000x128xi1>
    %broadcast_in_dim3A_215 = vector.broadcast %jit3A_212 : f32 to vector<1000x128xf32>
    %select_n3A_216 = arith.select %broadcast_in_dim3A_214, %mul3A_89, %broadcast_in_dim3A_215 : vector<1000x128xi1>, vector<1000x128xf32>
    %reduce_max3A_217 = arith.constant dense<0xFF800000> : vector<128xf32>
    %reduce_max3A_218 = vector.multi_reduction <maximumf>, %select_n3A_216, %reduce_max3A_217 [0] : vector<1000x128xf32> to vector<128xf32>
    %get3A_219 = arith.constant 6 : index
    %get3A_220 = arith.constant 0 : index
    %get3A_221 = vector.load %arg18[%get3A_219, %get3A_220] : memref<16x128xf32, #tpu.memory_space<vmem>>, vector<1x128xf32>
    %get3A_222 = vector.shape_cast %get3A_221 : vector<1x128xf32> to vector<128xf32>
    %max3A_223 = arith.maximumf %get3A_222, %reduce_max3A_218 : vector<128xf32>
    %swap3A_224 = arith.constant 6 : index
    %swap3A_225 = arith.constant 0 : index
    %swap3A_226 = vector.load %arg18[%swap3A_224, %swap3A_225] : memref<16x128xf32, #tpu.memory_space<vmem>>, vector<1x128xf32>
    %swap3A_227 = vector.shape_cast %swap3A_226 : vector<1x128xf32> to vector<128xf32>
    %swap3A_228 = vector.shape_cast %max3A_223 : vector<128xf32> to vector<1x128xf32>
    tpu.vector_store %arg18[%swap3A_224, %swap3A_225], %swap3A_228 {strides = array<i32>} : memref<16x128xf32, #tpu.memory_space<vmem>>, vector<1x128xf32>,
    %eq3A_229 = arith.constant 7.000000e+00 : f32
    %eq3A_230 = vector.broadcast %eq3A_229 : f32 to vector<1000x1xf32>
    %eq3A_231 = arith.cmpf oeq, %get3A_43, %eq3A_230 : vector<1000x1xf32>
    %jit3A_232 = arith.constant -3.000000e+38 : f32
    %broadcast_in_dim3A_233 = vector.shape_cast %eq3A_231 : vector<1000x1xi1> to vector<1000x1xi1>
    %broadcast_in_dim3A_234 = vector.broadcast %broadcast_in_dim3A_233 : vector<1000x1xi1> to vector<1000x128xi1>
    %broadcast_in_dim3A_235 = vector.broadcast %jit3A_232 : f32 to vector<1000x128xf32>
    %select_n3A_236 = arith.select %broadcast_in_dim3A_234, %mul3A_89, %broadcast_in_dim3A_235 : vector<1000x128xi1>, vector<1000x128xf32>
    %reduce_max3A_237 = arith.constant dense<0xFF800000> : vector<128xf32>
    %reduce_max3A_238 = vector.multi_reduction <maximumf>, %select_n3A_236, %reduce_max3A_237 [0] : vector<1000x128xf32> to vector<128xf32>
    %get3A_239 = arith.constant 7 : index
    %get3A_240 = arith.constant 0 : index
    %get3A_241 = vector.load %arg18[%get3A_239, %get3A_240] : memref<16x128xf32, #tpu.memory_space<vmem>>, vector<1x128xf32>
    %get3A_242 = vector.shape_cast %get3A_241 : vector<1x128xf32> to vector<128xf32>
    %max3A_243 = arith.maximumf %get3A_242, %reduce_max3A_238 : vector<128xf32>
    %swap3A_244 = arith.constant 7 : index
    %swap3A_245 = arith.constant 0 : index
    %swap3A_246 = vector.load %arg18[%swap3A_244, %swap3A_245] : memref<16x128xf32, #tpu.memory_space<vmem>>, vector<1x128xf32>
    %swap3A_247 = vector.shape_cast %swap3A_246 : vector<1x128xf32> to vector<128xf32>
    %swap3A_248 = vector.shape_cast %max3A_243 : vector<128xf32> to vector<1x128xf32>
    tpu.vector_store %arg18[%swap3A_244, %swap3A_245], %swap3A_248 {strides = array<i32>} : memref<16x128xf32, #tpu.memory_space<vmem>>, vector<1x128xf32>,
    %eq3A_249 = arith.constant 8.000000e+00 : f32
    %eq3A_250 = vector.broadcast %eq3A_249 : f32 to vector<1000x1xf32>
    %eq3A_251 = arith.cmpf oeq, %get3A_43, %eq3A_250 : vector<1000x1xf32>
    %jit3A_252 = arith.constant -3.000000e+38 : f32
    %broadcast_in_dim3A_253 = vector.shape_cast %eq3A_251 : vector<1000x1xi1> to vector<1000x1xi1>
    %broadcast_in_dim3A_254 = vector.broadcast %broadcast_in_dim3A_253 : vector<1000x1xi1> to vector<1000x128xi1>
    %broadcast_in_dim3A_255 = vector.broadcast %jit3A_252 : f32 to vector<1000x128xf32>
    %select_n3A_256 = arith.select %broadcast_in_dim3A_254, %mul3A_89, %broadcast_in_dim3A_255 : vector<1000x128xi1>, vector<1000x128xf32>
    %reduce_max3A_257 = arith.constant dense<0xFF800000> : vector<128xf32>
    %reduce_max3A_258 = vector.multi_reduction <maximumf>, %select_n3A_256, %reduce_max3A_257 [0] : vector<1000x128xf32> to vector<128xf32>
    %get3A_259 = arith.constant 8 : index
    %get3A_260 = arith.constant 0 : index
    %get3A_261 = vector.load %arg18[%get3A_259, %get3A_260] : memref<16x128xf32, #tpu.memory_space<vmem>>, vector<1x128xf32>
    %get3A_262 = vector.shape_cast %get3A_261 : vector<1x128xf32> to vector<128xf32>
    %max3A_263 = arith.maximumf %get3A_262, %reduce_max3A_258 : vector<128xf32>
    %swap3A_264 = arith.constant 8 : index
    %swap3A_265 = arith.constant 0 : index
    %swap3A_266 = vector.load %arg18[%swap3A_264, %swap3A_265] : memref<16x128xf32, #tpu.memory_space<vmem>>, vector<1x128xf32>
    %swap3A_267 = vector.shape_cast %swap3A_266 : vector<1x128xf32> to vector<128xf32>
    %swap3A_268 = vector.shape_cast %max3A_263 : vector<128xf32> to vector<1x128xf32>
    tpu.vector_store %arg18[%swap3A_264, %swap3A_265], %swap3A_268 {strides = array<i32>} : memref<16x128xf32, #tpu.memory_space<vmem>>, vector<1x128xf32>,
    %eq3A_269 = arith.constant 9.000000e+00 : f32
    %eq3A_270 = vector.broadcast %eq3A_269 : f32 to vector<1000x1xf32>
    %eq3A_271 = arith.cmpf oeq, %get3A_43, %eq3A_270 : vector<1000x1xf32>
    %jit3A_272 = arith.constant -3.000000e+38 : f32
    %broadcast_in_dim3A_273 = vector.shape_cast %eq3A_271 : vector<1000x1xi1> to vector<1000x1xi1>
    %broadcast_in_dim3A_274 = vector.broadcast %broadcast_in_dim3A_273 : vector<1000x1xi1> to vector<1000x128xi1>
    %broadcast_in_dim3A_275 = vector.broadcast %jit3A_272 : f32 to vector<1000x128xf32>
    %select_n3A_276 = arith.select %broadcast_in_dim3A_274, %mul3A_89, %broadcast_in_dim3A_275 : vector<1000x128xi1>, vector<1000x128xf32>
    %reduce_max3A_277 = arith.constant dense<0xFF800000> : vector<128xf32>
    %reduce_max3A_278 = vector.multi_reduction <maximumf>, %select_n3A_276, %reduce_max3A_277 [0] : vector<1000x128xf32> to vector<128xf32>
    %get3A_279 = arith.constant 9 : index
    %get3A_280 = arith.constant 0 : index
    %get3A_281 = vector.load %arg18[%get3A_279, %get3A_280] : memref<16x128xf32, #tpu.memory_space<vmem>>, vector<1x128xf32>
    %get3A_282 = vector.shape_cast %get3A_281 : vector<1x128xf32> to vector<128xf32>
    %max3A_283 = arith.maximumf %get3A_282, %reduce_max3A_278 : vector<128xf32>
    %swap3A_284 = arith.constant 9 : index
    %swap3A_285 = arith.constant 0 : index
    %swap3A_286 = vector.load %arg18[%swap3A_284, %swap3A_285] : memref<16x128xf32, #tpu.memory_space<vmem>>, vector<1x128xf32>
    %swap3A_287 = vector.shape_cast %swap3A_286 : vector<1x128xf32> to vector<128xf32>
    %swap3A_288 = vector.shape_cast %max3A_283 : vector<128xf32> to vector<1x128xf32>
    tpu.vector_store %arg18[%swap3A_284, %swap3A_285], %swap3A_288 {strides = array<i32>} : memref<16x128xf32, #tpu.memory_space<vmem>>, vector<1x128xf32>,
    %eq3A_289 = arith.constant 1.000000e+01 : f32
    %eq3A_290 = vector.broadcast %eq3A_289 : f32 to vector<1000x1xf32>
    %eq3A_291 = arith.cmpf oeq, %get3A_43, %eq3A_290 : vector<1000x1xf32>
    %jit3A_292 = arith.constant -3.000000e+38 : f32
    %broadcast_in_dim3A_293 = vector.shape_cast %eq3A_291 : vector<1000x1xi1> to vector<1000x1xi1>
    %broadcast_in_dim3A_294 = vector.broadcast %broadcast_in_dim3A_293 : vector<1000x1xi1> to vector<1000x128xi1>
    %broadcast_in_dim3A_295 = vector.broadcast %jit3A_292 : f32 to vector<1000x128xf32>
    %select_n3A_296 = arith.select %broadcast_in_dim3A_294, %mul3A_89, %broadcast_in_dim3A_295 : vector<1000x128xi1>, vector<1000x128xf32>
    %reduce_max3A_297 = arith.constant dense<0xFF800000> : vector<128xf32>
    %reduce_max3A_298 = vector.multi_reduction <maximumf>, %select_n3A_296, %reduce_max3A_297 [0] : vector<1000x128xf32> to vector<128xf32>
    %get3A_299 = arith.constant 10 : index
    %get3A_300 = arith.constant 0 : index
    %get3A_301 = vector.load %arg18[%get3A_299, %get3A_300] : memref<16x128xf32, #tpu.memory_space<vmem>>, vector<1x128xf32>
    %get3A_302 = vector.shape_cast %get3A_301 : vector<1x128xf32> to vector<128xf32>
    %max3A_303 = arith.maximumf %get3A_302, %reduce_max3A_298 : vector<128xf32>
    %swap3A_304 = arith.constant 10 : index
    %swap3A_305 = arith.constant 0 : index
    %swap3A_306 = vector.load %arg18[%swap3A_304, %swap3A_305] : memref<16x128xf32, #tpu.memory_space<vmem>>, vector<1x128xf32>
    %swap3A_307 = vector.shape_cast %swap3A_306 : vector<1x128xf32> to vector<128xf32>
    %swap3A_308 = vector.shape_cast %max3A_303 : vector<128xf32> to vector<1x128xf32>
    tpu.vector_store %arg18[%swap3A_304, %swap3A_305], %swap3A_308 {strides = array<i32>} : memref<16x128xf32, #tpu.memory_space<vmem>>, vector<1x128xf32>,
    %eq3A_309 = arith.constant 1.100000e+01 : f32
    %eq3A_310 = vector.broadcast %eq3A_309 : f32 to vector<1000x1xf32>
    %eq3A_311 = arith.cmpf oeq, %get3A_43, %eq3A_310 : vector<1000x1xf32>
    %jit3A_312 = arith.constant -3.000000e+38 : f32
    %broadcast_in_dim3A_313 = vector.shape_cast %eq3A_311 : vector<1000x1xi1> to vector<1000x1xi1>
    %broadcast_in_dim3A_314 = vector.broadcast %broadcast_in_dim3A_313 : vector<1000x1xi1> to vector<1000x128xi1>
    %broadcast_in_dim3A_315 = vector.broadcast %jit3A_312 : f32 to vector<1000x128xf32>
    %select_n3A_316 = arith.select %broadcast_in_dim3A_314, %mul3A_89, %broadcast_in_dim3A_315 : vector<1000x128xi1>, vector<1000x128xf32>
    %reduce_max3A_317 = arith.constant dense<0xFF800000> : vector<128xf32>
    %reduce_max3A_318 = vector.multi_reduction <maximumf>, %select_n3A_316, %reduce_max3A_317 [0] : vector<1000x128xf32> to vector<128xf32>
    %get3A_319 = arith.constant 11 : index
    %get3A_320 = arith.constant 0 : index
    %get3A_321 = vector.load %arg18[%get3A_319, %get3A_320] : memref<16x128xf32, #tpu.memory_space<vmem>>, vector<1x128xf32>
    %get3A_322 = vector.shape_cast %get3A_321 : vector<1x128xf32> to vector<128xf32>
    %max3A_323 = arith.maximumf %get3A_322, %reduce_max3A_318 : vector<128xf32>
    %swap3A_324 = arith.constant 11 : index
    %swap3A_325 = arith.constant 0 : index
    %swap3A_326 = vector.load %arg18[%swap3A_324, %swap3A_325] : memref<16x128xf32, #tpu.memory_space<vmem>>, vector<1x128xf32>
    %swap3A_327 = vector.shape_cast %swap3A_326 : vector<1x128xf32> to vector<128xf32>
    %swap3A_328 = vector.shape_cast %max3A_323 : vector<128xf32> to vector<1x128xf32>
    tpu.vector_store %arg18[%swap3A_324, %swap3A_325], %swap3A_328 {strides = array<i32>} : memref<16x128xf32, #tpu.memory_space<vmem>>, vector<1x128xf32>,
    %eq3A_329 = arith.constant 1.200000e+01 : f32
    %eq3A_330 = vector.broadcast %eq3A_329 : f32 to vector<1000x1xf32>
    %eq3A_331 = arith.cmpf oeq, %get3A_43, %eq3A_330 : vector<1000x1xf32>
    %jit3A_332 = arith.constant -3.000000e+38 : f32
    %broadcast_in_dim3A_333 = vector.shape_cast %eq3A_331 : vector<1000x1xi1> to vector<1000x1xi1>
    %broadcast_in_dim3A_334 = vector.broadcast %broadcast_in_dim3A_333 : vector<1000x1xi1> to vector<1000x128xi1>
    %broadcast_in_dim3A_335 = vector.broadcast %jit3A_332 : f32 to vector<1000x128xf32>
    %select_n3A_336 = arith.select %broadcast_in_dim3A_334, %mul3A_89, %broadcast_in_dim3A_335 : vector<1000x128xi1>, vector<1000x128xf32>
    %reduce_max3A_337 = arith.constant dense<0xFF800000> : vector<128xf32>
    %reduce_max3A_338 = vector.multi_reduction <maximumf>, %select_n3A_336, %reduce_max3A_337 [0] : vector<1000x128xf32> to vector<128xf32>
    %get3A_339 = arith.constant 12 : index
    %get3A_340 = arith.constant 0 : index
    %get3A_341 = vector.load %arg18[%get3A_339, %get3A_340] : memref<16x128xf32, #tpu.memory_space<vmem>>, vector<1x128xf32>
    %get3A_342 = vector.shape_cast %get3A_341 : vector<1x128xf32> to vector<128xf32>
    %max3A_343 = arith.maximumf %get3A_342, %reduce_max3A_338 : vector<128xf32>
    %swap3A_344 = arith.constant 12 : index
    %swap3A_345 = arith.constant 0 : index
    %swap3A_346 = vector.load %arg18[%swap3A_344, %swap3A_345] : memref<16x128xf32, #tpu.memory_space<vmem>>, vector<1x128xf32>
    %swap3A_347 = vector.shape_cast %swap3A_346 : vector<1x128xf32> to vector<128xf32>
    %swap3A_348 = vector.shape_cast %max3A_343 : vector<128xf32> to vector<1x128xf32>
    tpu.vector_store %arg18[%swap3A_344, %swap3A_345], %swap3A_348 {strides = array<i32>} : memref<16x128xf32, #tpu.memory_space<vmem>>, vector<1x128xf32>,
    %eq3A_349 = arith.constant 1.300000e+01 : f32
    %eq3A_350 = vector.broadcast %eq3A_349 : f32 to vector<1000x1xf32>
    %eq3A_351 = arith.cmpf oeq, %get3A_43, %eq3A_350 : vector<1000x1xf32>
    %jit3A_352 = arith.constant -3.000000e+38 : f32
    %broadcast_in_dim3A_353 = vector.shape_cast %eq3A_351 : vector<1000x1xi1> to vector<1000x1xi1>
    %broadcast_in_dim3A_354 = vector.broadcast %broadcast_in_dim3A_353 : vector<1000x1xi1> to vector<1000x128xi1>
    %broadcast_in_dim3A_355 = vector.broadcast %jit3A_352 : f32 to vector<1000x128xf32>
    %select_n3A_356 = arith.select %broadcast_in_dim3A_354, %mul3A_89, %broadcast_in_dim3A_355 : vector<1000x128xi1>, vector<1000x128xf32>
    %reduce_max3A_357 = arith.constant dense<0xFF800000> : vector<128xf32>
    %reduce_max3A_358 = vector.multi_reduction <maximumf>, %select_n3A_356, %reduce_max3A_357 [0] : vector<1000x128xf32> to vector<128xf32>
    %get3A_359 = arith.constant 13 : index
    %get3A_360 = arith.constant 0 : index
    %get3A_361 = vector.load %arg18[%get3A_359, %get3A_360] : memref<16x128xf32, #tpu.memory_space<vmem>>, vector<1x128xf32>
    %get3A_362 = vector.shape_cast %get3A_361 : vector<1x128xf32> to vector<128xf32>
    %max3A_363 = arith.maximumf %get3A_362, %reduce_max3A_358 : vector<128xf32>
    %swap3A_364 = arith.constant 13 : index
    %swap3A_365 = arith.constant 0 : index
    %swap3A_366 = vector.load %arg18[%swap3A_364, %swap3A_365] : memref<16x128xf32, #tpu.memory_space<vmem>>, vector<1x128xf32>
    %swap3A_367 = vector.shape_cast %swap3A_366 : vector<1x128xf32> to vector<128xf32>
    %swap3A_368 = vector.shape_cast %max3A_363 : vector<128xf32> to vector<1x128xf32>
    tpu.vector_store %arg18[%swap3A_364, %swap3A_365], %swap3A_368 {strides = array<i32>} : memref<16x128xf32, #tpu.memory_space<vmem>>, vector<1x128xf32>,
    %eq3A_369 = arith.constant 1.400000e+01 : f32
    %eq3A_370 = vector.broadcast %eq3A_369 : f32 to vector<1000x1xf32>
    %eq3A_371 = arith.cmpf oeq, %get3A_43, %eq3A_370 : vector<1000x1xf32>
    %jit3A_372 = arith.constant -3.000000e+38 : f32
    %broadcast_in_dim3A_373 = vector.shape_cast %eq3A_371 : vector<1000x1xi1> to vector<1000x1xi1>
    %broadcast_in_dim3A_374 = vector.broadcast %broadcast_in_dim3A_373 : vector<1000x1xi1> to vector<1000x128xi1>
    %broadcast_in_dim3A_375 = vector.broadcast %jit3A_372 : f32 to vector<1000x128xf32>
    %select_n3A_376 = arith.select %broadcast_in_dim3A_374, %mul3A_89, %broadcast_in_dim3A_375 : vector<1000x128xi1>, vector<1000x128xf32>
    %reduce_max3A_377 = arith.constant dense<0xFF800000> : vector<128xf32>
    %reduce_max3A_378 = vector.multi_reduction <maximumf>, %select_n3A_376, %reduce_max3A_377 [0] : vector<1000x128xf32> to vector<128xf32>
    %get3A_379 = arith.constant 14 : index
    %get3A_380 = arith.constant 0 : index
    %get3A_381 = vector.load %arg18[%get3A_379, %get3A_380] : memref<16x128xf32, #tpu.memory_space<vmem>>, vector<1x128xf32>
    %get3A_382 = vector.shape_cast %get3A_381 : vector<1x128xf32> to vector<128xf32>
    %max3A_383 = arith.maximumf %get3A_382, %reduce_max3A_378 : vector<128xf32>
    %swap3A_384 = arith.constant 14 : index
    %swap3A_385 = arith.constant 0 : index
    %swap3A_386 = vector.load %arg18[%swap3A_384, %swap3A_385] : memref<16x128xf32, #tpu.memory_space<vmem>>, vector<1x128xf32>
    %swap3A_387 = vector.shape_cast %swap3A_386 : vector<1x128xf32> to vector<128xf32>
    %swap3A_388 = vector.shape_cast %max3A_383 : vector<128xf32> to vector<1x128xf32>
    tpu.vector_store %arg18[%swap3A_384, %swap3A_385], %swap3A_388 {strides = array<i32>} : memref<16x128xf32, #tpu.memory_space<vmem>>, vector<1x128xf32>,
    %eq3A_389 = arith.constant 1.500000e+01 : f32
    %eq3A_390 = vector.broadcast %eq3A_389 : f32 to vector<1000x1xf32>
    %eq3A_391 = arith.cmpf oeq, %get3A_43, %eq3A_390 : vector<1000x1xf32>
    %jit3A_392 = arith.constant -3.000000e+38 : f32
    %broadcast_in_dim3A_393 = vector.shape_cast %eq3A_391 : vector<1000x1xi1> to vector<1000x1xi1>
    %broadcast_in_dim3A_394 = vector.broadcast %broadcast_in_dim3A_393 : vector<1000x1xi1> to vector<1000x128xi1>
    %broadcast_in_dim3A_395 = vector.broadcast %jit3A_392 : f32 to vector<1000x128xf32>
    %select_n3A_396 = arith.select %broadcast_in_dim3A_394, %mul3A_89, %broadcast_in_dim3A_395 : vector<1000x128xi1>, vector<1000x128xf32>
    %reduce_max3A_397 = arith.constant dense<0xFF800000> : vector<128xf32>
    %reduce_max3A_398 = vector.multi_reduction <maximumf>, %select_n3A_396, %reduce_max3A_397 [0] : vector<1000x128xf32> to vector<128xf32>
    %get3A_399 = arith.constant 15 : index
    %get3A_400 = arith.constant 0 : index
    %get3A_401 = vector.load %arg18[%get3A_399, %get3A_400] : memref<16x128xf32, #tpu.memory_space<vmem>>, vector<1x128xf32>
    %get3A_402 = vector.shape_cast %get3A_401 : vector<1x128xf32> to vector<128xf32>
    %max3A_403 = arith.maximumf %get3A_402, %reduce_max3A_398 : vector<128xf32>
    %swap3A_404 = arith.constant 15 : index
    %swap3A_405 = arith.constant 0 : index
    %swap3A_406 = vector.load %arg18[%swap3A_404, %swap3A_405] : memref<16x128xf32, #tpu.memory_space<vmem>>, vector<1x128xf32>
    %swap3A_407 = vector.shape_cast %swap3A_406 : vector<1x128xf32> to vector<128xf32>
    %swap3A_408 = vector.shape_cast %max3A_403 : vector<128xf32> to vector<1x128xf32>
    tpu.vector_store %arg18[%swap3A_404, %swap3A_405], %swap3A_408 {strides = array<i32>} : memref<16x128xf32, #tpu.memory_space<vmem>>, vector<1x128xf32>,
    %eq3A_409 = arith.constant 9 : i32
    %eq3A_410 = arith.cmpi eq, %arg0, %eq3A_409 : i32
    %convert_element_type3A_411 = arith.extui %eq3A_410 : i1 to i32
    %cond3A_412 = arith.constant 0 : i32
    %cond3A_413 = arith.cmpi ne, %convert_element_type3A_411, %cond3A_412 : i32
    scf.if %cond3A_413 {
      %get3A_414 = arith.constant 0 : index
      %get3A_415 = arith.constant 0 : index
      %get3A_416 = vector.load %arg17[%get3A_414, %get3A_415] : memref<16x1xf32, #tpu.memory_space<vmem>>, vector<16x1xf32>
      %get3A_417 = arith.constant 0 : index
      %get3A_418 = arith.constant 0 : index
      %get3A_419 = vector.load %arg15[%get3A_417, %get3A_418] : memref<16x128xf32, #tpu.memory_space<vmem>>, vector<16x128xf32>
      %div3A = vector.broadcast %get3A_416 : vector<16x1xf32> to vector<16x128xf32>
      %div3A_420 = arith.divf %get3A_419, %div3A : vector<16x128xf32>
      %get3A_421 = arith.constant 0 : index
      %get3A_422 = arith.constant 0 : index
      %get3A_423 = vector.load %arg16[%get3A_421, %get3A_422] : memref<16x128xf32, #tpu.memory_space<vmem>>, vector<16x128xf32>
      %div3A_424 = vector.broadcast %get3A_416 : vector<16x1xf32> to vector<16x128xf32>
      %div3A_425 = arith.divf %get3A_423, %div3A_424 : vector<16x128xf32>
      %get3A_426 = arith.constant 0 : index
      %get3A_427 = arith.constant 0 : index
      %get3A_428 = vector.load %arg11[%get3A_426, %get3A_427] : memref<1x128xf32, #tpu.memory_space<vmem>>, vector<1x128xf32>
      %get3A_429 = arith.constant 0 : index
      %get3A_430 = arith.constant 0 : index
      %get3A_431 = vector.load %arg9[%get3A_429, %get3A_430] : memref<1x128xf32, #tpu.memory_space<vmem>>, vector<1x128xf32>
      %mul3A_432 = arith.constant 2.000000e+00 : f32
      %mul3A_433 = vector.broadcast %mul3A_432 : f32 to vector<1x128xf32>
      %mul3A_434 = arith.mulf %mul3A_433, %get3A_428 : vector<1x128xf32>
      %mul3A_435 = arith.mulf %get3A_428, %get3A_428 : vector<1x128xf32>
      %sub3A_436 = arith.subf %mul3A_434, %mul3A_435 : vector<1x128xf32>
      %mul3A_437 = vector.broadcast %sub3A_436 : vector<1x128xf32> to vector<16x128xf32>
      %mul3A_438 = arith.mulf %mul3A_437, %div3A_420 : vector<16x128xf32>
      %mul3A_439 = arith.mulf %mul3A_438, %div3A_420 : vector<16x128xf32>
      %sub3A_440 = arith.subf %div3A_425, %mul3A_439 : vector<16x128xf32>
      %add3A_441 = arith.constant 9.99999974E-6 : f32
      %add3A_442 = vector.broadcast %add3A_441 : f32 to vector<16x128xf32>
      %add3A_443 = arith.addf %sub3A_440, %add3A_442 : vector<16x128xf32>
      %sqrt3A = math.sqrt %add3A_443 : vector<16x128xf32>
      %abs3A = math.absf %get3A_431 : vector<1x128xf32>
      %get3A_444 = arith.constant 0 : index
      %get3A_445 = arith.constant 0 : index
      %get3A_446 = vector.load %arg18[%get3A_444, %get3A_445] : memref<16x128xf32, #tpu.memory_space<vmem>>, vector<16x128xf32>
      %mul3A_447 = vector.broadcast %abs3A : vector<1x128xf32> to vector<16x128xf32>
      %mul3A_448 = arith.mulf %mul3A_447, %get3A_446 : vector<16x128xf32>
      %mul3A_449 = arith.mulf %get3A_431, %get3A_428 : vector<1x128xf32>
      %mul3A_450 = vector.broadcast %mul3A_449 : vector<1x128xf32> to vector<16x128xf32>
      %mul3A_451 = arith.mulf %mul3A_450, %div3A_420 : vector<16x128xf32>
      %sub3A_452 = arith.subf %mul3A_448, %mul3A_451 : vector<16x128xf32>
      %div3A_453 = arith.divf %sub3A_452, %sqrt3A : vector<16x128xf32>
      %get3A_454 = arith.constant 0 : index
      %get3A_455 = arith.constant 0 : index
      %get3A_456 = vector.load %arg10[%get3A_454, %get3A_455] : memref<1x128xf32, #tpu.memory_space<vmem>>, vector<1x128xf32>
      %add3A_457 = vector.broadcast %get3A_456 : vector<1x128xf32> to vector<16x128xf32>
      %add3A_458 = arith.addf %div3A_453, %add3A_457 : vector<16x128xf32>
      %get3A_459 = arith.constant 0 : index
      %get3A_460 = arith.constant 0 : index
      %get3A_461 = vector.load %arg12[%get3A_459, %get3A_460] : memref<128x128xf32, #tpu.memory_space<vmem>>, vector<128x128xf32>
      %dot_general3A_462 = arith.constant dense<0.000000e+00> : vector<16x128xf32>
      %dot_general3A_463 = tpu.matmul %add3A_458, %get3A_461, %dot_general3A_462 {dimension_numbers = #tpu.dot_dimension_numbers<[1], [1], [0], [0], [0, 0, 1, 0], [], []>, precision = #tpu.contract_precision<fp32>, transpose_lhs_hint = false} : vector<16x128xf32>, vector<128x128xf32>, vector<16x128xf32> -> vector<16x128xf32>
      %get3A_464 = arith.constant 0 : index
      %get3A_465 = arith.constant 0 : index
      %get3A_466 = vector.load %arg13[%get3A_464, %get3A_465] : memref<1x128xf32, #tpu.memory_space<vmem>>, vector<1x128xf32>
      %add3A_467 = vector.broadcast %get3A_466 : vector<1x128xf32> to vector<16x128xf32>
      %add3A_468 = arith.addf %dot_general3A_463, %add3A_467 : vector<16x128xf32>
      %swap3A_469 = arith.constant 0 : index
      %swap3A_470 = arith.constant 0 : index
      %swap3A_471 = vector.load %arg14[%swap3A_469, %swap3A_470] : memref<16x128xf32, #tpu.memory_space<vmem>>, vector<16x128xf32>
      tpu.vector_store %arg14[%swap3A_469, %swap3A_470], %add3A_468 {strides = array<i32>} : memref<16x128xf32, #tpu.memory_space<vmem>>, vector<16x128xf32>,
    } else {
    }
    return
  }
  func.func @transform_0(%arg0: i32) -> (i32, i32) {
    %rem3A = arith.constant 5 : i32
    %rem3A_0 = arith.remsi %arg0, %rem3A : i32
    %c0_i32 = arith.constant 0 : i32
    %c0_i32_1 = arith.constant 0 : i32
    return %rem3A_0, %c0_i32 : i32, i32
  }
  func.func @transform_1(%arg0: i32) -> (i32, i32) {
    %rem3A = arith.constant 5 : i32
    %rem3A_0 = arith.remsi %arg0, %rem3A : i32
    %c0_i32 = arith.constant 0 : i32
    %c0_i32_1 = arith.constant 0 : i32
    return %rem3A_0, %c0_i32 : i32, i32
  }
  func.func @transform_2(%arg0: i32) -> (i32, i32) {
    %c0_i32 = arith.constant 0 : i32
    %c0_i32_0 = arith.constant 0 : i32
    return %arg0, %c0_i32 : i32, i32
  }
  func.func @transform_3(%arg0: i32) -> (i32, i32) {
    %c0_i32 = arith.constant 0 : i32
    %c0_i32_0 = arith.constant 0 : i32
    return %arg0, %c0_i32 : i32, i32
  }
  func.func @transform_4(%arg0: i32) -> (i32, i32) {
    %c0_i32 = arith.constant 0 : i32
    %c0_i32_0 = arith.constant 0 : i32
    return %arg0, %c0_i32 : i32, i32
  }
  func.func @transform_5(%arg0: i32) -> (i32, i32) {
    %c0_i32 = arith.constant 0 : i32
    %c0_i32_0 = arith.constant 0 : i32
    return %arg0, %c0_i32 : i32, i32
  }
  func.func @transform_6(%arg0: i32) -> (i32, i32) {
    %c0_i32 = arith.constant 0 : i32
    %c0_i32_0 = arith.constant 0 : i32
    %c0_i32_1 = arith.constant 0 : i32
    return %c0_i32, %c0_i32_0 : i32, i32
  }
  func.func @transform_7(%arg0: i32) -> (i32, i32) {
    %c0_i32 = arith.constant 0 : i32
    %c0_i32_0 = arith.constant 0 : i32
    %c0_i32_1 = arith.constant 0 : i32
    return %c0_i32, %c0_i32_0 : i32, i32
  }
  func.func @transform_8(%arg0: i32) -> (i32, i32) {
    %c0_i32 = arith.constant 0 : i32
    %c0_i32_0 = arith.constant 0 : i32
    %c0_i32_1 = arith.constant 0 : i32
    return %c0_i32, %c0_i32_0 : i32, i32
  }
  func.func @transform_9(%arg0: i32) -> (i32, i32) {
    %c0_i32 = arith.constant 0 : i32
    %c0_i32_0 = arith.constant 0 : i32
    %c0_i32_1 = arith.constant 0 : i32
    return %c0_i32, %c0_i32_0 : i32, i32
  }
  func.func @transform_10(%arg0: i32) -> (i32, i32) {
    %c0_i32 = arith.constant 0 : i32
    %c0_i32_0 = arith.constant 0 : i32
    %c0_i32_1 = arith.constant 0 : i32
    return %c0_i32, %c0_i32_0 : i32, i32
  }
  func.func @transform_11(%arg0: i32) -> (i32, i32) {
    %c0_i32 = arith.constant 0 : i32
    %c0_i32_0 = arith.constant 0 : i32
    %c0_i32_1 = arith.constant 0 : i32
    return %c0_i32, %c0_i32_0 : i32, i32
  }
  func.func @transform_12(%arg0: i32) -> (i32, i32) {
    %c0_i32 = arith.constant 0 : i32
    %c0_i32_0 = arith.constant 0 : i32
    %c0_i32_1 = arith.constant 0 : i32
    return %c0_i32, %c0_i32_0 : i32, i32
  }
  func.func @transform_13(%arg0: i32) -> (i32, i32) {
    %c0_i32 = arith.constant 0 : i32
    %c0_i32_0 = arith.constant 0 : i32
    %c0_i32_1 = arith.constant 0 : i32
    return %c0_i32, %c0_i32_0 : i32, i32
  }
}

</mosaic_0001>

<sc_bundles>
// kernel: kernel.10.cloned.1.call-start
scs
__scs_entry_jumppad:
0x0: {  	(pc) =	sbr.rel $0x88, $3  }
0x1: {  	(tag) =	ssettag $0x0;
	lr =	simm.s32 $0x1  }
0x2: {  	[smem:$0x3F98] =	sst lr;
	_ =	strace $0xD0000000  }
0x3: {  	_ = 	snop  }
0x4: {  	_ = 	snop  }
0x5: {  	_ = 	snop  }
0x6: {  	_ = 	snop  }
0x7: {  	_ = 	snop  }
__scs_overlays_trampoline_lowered:
0x8: {  	[smem:$0x3FA7] =	sst s0  }
0x9: {  	[smem:$0x3FA8] =	sst s1  }
0xa: {  	[smem:$0x3FA9] =	sst s2  }
0xb: {  	[smem:$0x3FAA] =	sst s3  }
0xc: {  	[smem:$0x3FAB] =	sst s4  }
0xd: {  	[smem:$0x3FAC] =	sst s5  }
0xe: {  	[smem:$0x3FAD] =	sst s6  }
0xf: {  	[smem:$0x3FAE] =	sst s7  }
0x10: {  	[smem:$0x3FAF] =	sst s8  }
0x11: {  	[smem:$0x3FB0] =	sst s9;
	s0 =	simm.s32 @!p0 $0x0  }
0x12: {  	s1 =	sld [smem:$0x3F96];
	s0 =	simm.s32 @p0 $0x1  }
0x13: {  	[smem:$0x3FB1] =	sst s0;
	s0 =	simm.s32 @!p1 $0x0  }
0x14: {  	s2 =	sld [smem:$0x3F95];
	s0 =	simm.s32 @p1 $0x1  }
0x15: {  	[smem:$0x3FB2] =	sst s0;
	s0 =	simm.s32 @!p2 $0x0  }
0x16: {  	s3 =	sld [smem:$0x3FDB];
	s0 =	simm.s32 @p2 $0x1  }
0x17: {  	s4 =	simm.s32 $0x1BF5;
	[smem:$0x3FB4] =	sst s0  }
0x18: {  	s0 =	sld [smem:$0x3F97];
	_ =	swait.ge [sflag:s4], $0x0  }
0x19: {  	s7 =	sld [smem:$0x3F98]  }
0x1a: {  	s8 =	sadd.s32 $0xFFFFE003, lr  }
0x1b: {  	s9 =	sadd.s32 $0xFFFFFEF7, lr;
	s5 =	simm.s32 $0xFFFFFFFF;
	p2 =	slt.u32 s8, $0xFFFFF086  }
0x1c: {  	p1 =	slt.u32 s9, $0xF7A;
	s5 =	simm.s32 @!p2 $0x0  }
0x1d: {  	s5 =	simm.s32 @p1 $0x1;
	p0 =	seq.s32 s7, s2  }
0x1e: {  	s7 =	smul.u32 @!p0 $0xF7A, s2;
	p2 =	seq.s32 @!p0 s5, $0x0  }
0x1f: {  	s9 =	smul.u32 $0xF7A, s1;
	s8 =	simm.s32 @!p0 $0x1BF5;
	p2 =	por !p2, p0  }
0x20: {  	[sflag:s8] =	ssyncset.s32 @!p0 $0xFFFFF086;
	s6 =	sadd.s32 @!p0 s3, s7;
	s7 =	simm.s32 @!p0 $0x108  }
0x21: {  	s3 =	sadd.s32 s3, s9;
	s6 =	sadd.s32 @!p0 $0x88, s6;
	s7 =	simm.s32 @p2 $0x1082  }
0x22: {  	[simem:s7], [sflag:s8] =	dma.local @!p0 [hbm:s6], $0xF7A  }
0x23: {  	s9 =	sor.u32 $0xD0000000, s2;
	s6 =	simm.s32 $0x108;
	_ =	swait.ge @!p0 [sflag:s8], $0x0  }
0x24: {  	s3 =	sadd.s32 $0x88, s3;
	s6 =	simm.s32 @!p1 $0x1082;
	[sflag:s4] =	ssyncset.s32 $0xFFFFF086  }
0x25: {  	[simem:s6], [sflag:s4] =	dma.local [hbm:s3], $0xF7A  }
0x26: {  	[smem:$0x3F98] =	sst s1;
	(tag) =	ssettag s2;
	_ =	strace s9  }
0x27: {  	s1 =	sld [smem:$0x3FA8]  }
0x28: {  	s2 =	sld [smem:$0x3FA9]  }
0x29: {  	s4 =	sld [smem:$0x3FAB]  }
0x2a: {  	p0 =	seq.s32 s5, $0x0;
	s5 =	sld [smem:$0x3FAC]  }
0x2b: {  	s6 =	sld [smem:$0x3FAD]  }
0x2c: {  	s7 =	sld [smem:$0x3FAE]  }
0x2d: {  	s3 =	simm.s32 $0x108;
	s8 =	sld [smem:$0x3FAF]  }
0x2e: {  	s3 =	simm.s32 @!p0 $0x1082;
	s9 =	sld [smem:$0x3FB0]  }
0x2f: {  	lr =	sadd.s32 s0, s3;
	s0 =	sld [smem:$0x3FA7]  }
0x30: {  	s3 =	sld [smem:$0x3FAA]  }
0x31: {  	[smem:$0x3FB3] =	sst s10  }
0x32: {  	s10 =	sld [smem:$0x3FB1];
	_ =	sdelay $0x3  }
0x33: {  	p0 =	seq.s32 s10, $0x1;
	s10 =	sld [smem:$0x3FB3];
	_ =	sdelay $0x3  }
0x34: {  	[smem:$0x3FB3] =	sst s10  }
0x35: {  	s10 =	sld [smem:$0x3FB2];
	_ =	sdelay $0x3  }
0x36: {  	p1 =	seq.s32 s10, $0x1;
	s10 =	sld [smem:$0x3FB3];
	_ =	sdelay $0x3  }
0x37: {  	[smem:$0x3FB3] =	sst s10  }
0x38: {  	s10 =	sld [smem:$0x3FB4]  }
0x39: {  	_ = 	snop;
	(pc) =	sbr.ind lr, $3  }
0x3a: {  	_ = 	snop  }
0x3b: {  	_ = 	snop  }
0x3c: {  	p2 =	seq.s32 s10, $0x1;
	s10 =	sld [smem:$0x3FB3]  }
0x3d: {  	_ =	shalt  }
0x3e: {  	_ =	shalt  }
0x3f: {  	_ =	shalt  }
0x40: {  	_ =	shalt  }
0x41: {  	_ =	shalt  }
0x42: {  	_ =	shalt  }
0x43: {  	_ =	shalt  }
0x44: {  	_ =	shalt  }
0x45: {  	_ =	shalt  }
0x46: {  	_ =	shalt  }
0x47: {  	_ =	shalt  }
0x48: {  	_ =	shalt  }
0x49: {  	_ =	shalt  }
0x4a: {  	_ =	shalt  }
0x4b: {  	_ =	shalt  }
0x4c: {  	_ =	shalt  }
0x4d: {  	_ =	shalt  }
0x4e: {  	_ =	shalt  }
0x4f: {  	_ =	shalt  }
0x50: {  	_ =	shalt  }
0x51: {  	_ =	shalt  }
0x52: {  	_ =	shalt  }
0x53: {  	_ =	shalt  }
0x54: {  	_ =	shalt  }
0x55: {  	_ =	shalt  }
0x56: {  	_ =	shalt  }
0x57: {  	_ =	shalt  }
0x58: {  	_ =	shalt  }
0x59: {  	_ =	shalt  }
0x5a: {  	_ =	shalt  }
0x5b: {  	_ =	shalt  }
0x5c: {  	_ =	shalt  }
0x5d: {  	_ =	shalt  }
0x5e: {  	_ =	shalt  }
0x5f: {  	_ =	shalt  }
0x60: {  	_ =	shalt  }
0x61: {  	_ =	shalt  }
0x62: {  	_ =	shalt  }
0x63: {  	_ =	shalt  }
0x64: {  	_ =	shalt  }
0x65: {  	_ =	shalt  }
0x66: {  	_ =	shalt  }
0x67: {  	_ =	shalt  }
0x68: {  	_ =	shalt  }
0x69: {  	_ =	shalt  }
0x6a: {  	_ =	shalt  }
0x6b: {  	_ =	shalt  }
0x6c: {  	_ =	shalt  }
0x6d: {  	_ =	shalt  }
0x6e: {  	_ =	shalt  }
0x6f: {  	_ =	shalt  }
0x70: {  	_ =	shalt  }
0x71: {  	_ =	shalt  }
0x72: {  	_ =	shalt  }
0x73: {  	_ =	shalt  }
0x74: {  	_ =	shalt  }
0x75: {  	_ =	shalt  }
0x76: {  	_ =	shalt  }
0x77: {  	_ =	shalt  }
0x78: {  	_ =	shalt  }
0x79: {  	_ =	shalt  }
0x7a: {  	_ =	shalt  }
0x7b: {  	_ =	shalt  }
0x7c: {  	_ =	shalt  }
0x7d: {  	_ =	shalt  }
0x7e: {  	_ =	shalt  }
0x7f: {  	_ =	shalt  }
0x80: {  	_ =	shalt  }
0x81: {  	_ =	shalt  }
0x82: {  	_ =	shalt  }
0x83: {  	_ =	shalt  }
0x84: {  	_ =	shalt  }
0x85: {  	_ =	shalt  }
0x86: {  	_ =	shalt  }
0x87: {  	_ =	shalt  }
.Lfunc_end0:
.L_simem_size_0:
called_computation_lowered:
.L_overlay_start_0:
0x88: {  	s2 =	sld [smem:$0x3FD9]  }
0x89: {  	s3 =	sld [smem:$0x3FFE];
	_ =	sdelay $0x1  }
0x8a: {  	s1 =	srdreg.scid  }
0x8b: {  	s0 =	sand.u32 $0x1, s1  }
0x8c: {  	s16 =	sshll.u32 s0, $0xA;
	s2 =	sadd.s32 s3, s2  }
0x8d: {  	s2 =	sadd.s32 s2, s16  }
0x8e: {  	[smem:$0x3FBF] =	sst s2  }
0x8f: {  	_ = 	snop  }
0x90: {  	(tm) =	ssettm $0x1  }
0x91: {  	s17 =	sld [smem:$0x3FFB];
	_ =	sdelay $0x3  }
0x92: {  	_ =	strace s17  }
0x93: {  	s2 =	sld [smem:$0x3FFC];
	_ =	sdelay $0x3  }
0x94: {  	_ =	strace s2  }
0x95: {  	s2 =	sld [smem:$0x3FFD];
	_ =	sdelay $0x3  }
0x96: {  	_ =	strace s2  }
0x97: {  	_ =	strace $0x8FFFFFFF  }
0x98: {  	s18 =	sld [smem:$0x3FDB];
	_ =	sdelay $0x1  }
0x99: {  	s19 =	simm.s32 $_scs_section_size  }
0x9a: {  	s4 =	simm.s32 $_size__tile_overlayer_lowered;
	s5 =	simm.s32 $_tile_overlayer_lowered  }
0x9b: {  	s22 =	simm.s32 $0x1BFF;
	s21 =	sshll.u32 s5, $0x1;
	s2 =	sadd.s32 s19, s18  }
0x9c: {  	s6 =	simm.s32 $0x0;
	s20 =	sshll.u32 s4, $0x1;
	s4 =	sadd.s32 s21, s2  }
0x9d: {  	[timem:s6], [sflag:s22] =	dma.local [hbm:s4], s20  }
0x9e: {  	_ =	swait.ge [sflag:s22], s20  }
0x9f: {  	s3 =	ssub.s32 $0x0, s20;
	[sflag:s22] =	ssyncset.done $0x0  }
0xa0: {  	[sflag:s22] =	ssyncadd.s32 s3;
	_ =	sdelay $0x1  }
0xa1: {  	s23 =	simm.s32 $0x1B8B  }
0xa2: {  	_ =	swait.ge [sflag:s23], $0x1  }
0xa3: {  	[sflag:s23] =	ssyncset.done $0x0  }
0xa4: {  	s25 =	simm.s32 $0x1B8E;
	s24 =	sld [smem:$0x3FFE];
	[sflag:s23] =	ssyncadd.s32 $0xFFFFFFFF  }
0xa5: {  	s26 =	simm.s32 $execute0_lowered;
	[smem:$0x3FD2] =	sst s25  }
0xa6: {  	s4 =	sshll.u32 s26, $0x1;
	_ =	strace $0x80000046;
	[dreg:$0x1] =	wrdreg $0xFFFFFFFF  }
0xa7: {  	s28 =	simm.s32 $_size_execute0_lowered;
	s2 =	sadd.s32 s2, s4;
	[dreg:$0x0] =	wrdreg $0x0  }
0xa8: {  	s4 =	sshll.u32 s28, $0x1;
	[dreg:$0x2] =	wrdreg s2  }
0xa9: {  	[dreg:$0x3] =	wrdreg s4  }
0xaa: {  	[dreg:$0x4] =	wrdreg $0xC0  }
0xab: {  	_ =	task [dreg:s6], $0x5FFFF  }
0xac: {  	[dreg:$0x1] =	wrdreg $0xFFFFFFFF  }
0xad: {  	[dreg:$0x0] =	wrdreg $0x60  }
0xae: {  	[dreg:$0x2] =	wrdreg s24  }
0xaf: {  	[dreg:$0x3] =	wrdreg $0x41000  }
0xb0: {  	[dreg:$0x4] =	wrdreg $0x9  }
0xb1: {  	_ =	task.clear_ibuf [dreg:s6], $0x5FFFF;
	_ =	strace $0x90000046  }
0xb2: {  	s29 =	simm.s32 $0x9;
	_ =	strace $0x80000048  }
0xb3: {  	_ =	swait.ge [sflag:s29], $0x1  }
0xb4: {  	[sflag:s29] =	ssyncadd.s32 $0xFFFFFFFF  }
0xb5: {  	_ =	strace $0x90000048  }
0xb6: {  	_ =	sfence  }
0xb7: {  	s30 =	sld [smem:$0x0];
	_ =	sdelay $0x2  }
0xb8: {  	s31 =	sshll.u32 s1, $0xD;
	s1 =	sshrl.u32 s1, $0x2  }
0xb9: {  	s3 =	sand.u32 $0x4000, s31;
	s1 =	sadd.s32 s1, s30  }
0xba: {  	s0 =	sor.u32 s3, s0;
	s1 =	sshll.u32 s1, $0x11  }
0xbb: {  	s0 =	sor.u32 s1, s0  }
0xbc: {  	s0 =	sadd.s32 $0x8F2B, s0  }
0xbd: {  	[sflag:s0] =	ssyncadd.remote.s32 $0x1  }
0xbe: {  	_ =	sfence.sel $0xFFFF  }
0xbf: {  	[dreg:$0x0] =	wrdreg $0xFFFFFFFF;
	(pc) =	sbr.abs _section_cstart, $3  }
0xc0: {  	[dreg:$0x1] =	wrdreg $0xFFFFFFFF  }
0xc1: {  	_ =	task.clear_ibuf [dreg:s6], $0x2FFFF;
	_ =	strace $0x9FFFFFFF  }
0xc2: {  	(tm) =	ssettm $0x7FFFFFFF  }
0xc3: {  	_ =	shalt  }
tec
execute0_lowered:
.L_overlay_start_1:
0x0: {  	(tag) =	ssettag $0x1  }
0x1: {  	s0 =	rddreg [dreg:$0x0]  }
0x2: {  	s2 =	rddreg [dreg:$0x1];
	s3 =	simm.s32 $0x0  }
0x3: {  	s9 =	stileid.u32;
	s4 =	srdreg.scid;
	s31 =	simm.s32 $0x2  }
0x4: {  	[smem:$0x7FF] =	sst s3;
	s1 =	sshll.u32 s9, $0xB;
	s5 =	sadd.s32 $0x1DC00, s0  }
0x5: {  	s4 =	sand.u32 $0x1, s4;
	s15 =	smul.u32 $0x140, s9;
	s17 =	sor.u32 $0x70, s9  }
0x6: {  	_ =	strace $0x80000047;
	s1 =	sadd.s32 s1, s0;
	s0 =	sadd.s32 $0x1E200, s0  }
0x7: {  	s6 =	ssub.s32 $0x2, s4;
	s7 =	sshll.u32 s4, $0xF;
	s18 =	smul.u32 $0x140, s17  }
0x8: {  	p0 =	seq.s32 s4, $0x1;
	s25 =	smul.u32 $0x50, s17;
	p1 =	sgt.u32 s17, $0x7C  }
0x9: {  	s4 =	simm.s32 $0x4000;
	s8 =	sshrl.u32 s6, $0x1;
	s1 =	sadd.s32 s7, s1  }
0xa: {  	s16 =	sshrl.u32 s15, $0x2;
	s7 =	smul.u32 $0x50, s9;
	s5 =	smov.u32 @p0 s0  }
0xb: {  	s0 =	simm.s32 $0x4080;
	s6 =	ssub.s32 s6, s8;
	s1 =	sadd.s32 $0xDC00, s1  }
0xc: {  	s14 =	sshrl.u32 s25, $0x3;
	s25 =	sadd.s32 s25, s2;
	[dreg:$0x3] =	wrdreg s1  }
0xd: {  	s6 =	smax.u32 s6, $0x1;
	s19 =	sshrl.u32 s7, $0x3;
	s20 =	sadd.s32 $0x500, s7  }
0xe: {  	s9 =	sadd.s32 $0xA00, s7;
	s10 =	sadd.s32 $0xF00, s7;
	s11 =	sadd.s32 $0x1400, s7  }
0xf: {  	s26 =	sadd.s32 $0x1900, s7;
	s14 =	sadd.s32 s5, s14;
	s1 =	sshrl.u32 s18, $0x2  }
0x10: {  	s18 =	sadd.s32 s7, s2;
	[dreg:$0x4] =	wrdreg s6;
	s6 =	sadd.s32 s16, s2  }
0x11: {  	s8 =	sadd.s32 s5, s19;
	s21 =	sshrl.u32 s20, $0x3;
	s22 =	sshrl.u32 s9, $0x3  }
0x12: {  	s23 =	sshrl.u32 s10, $0x3;
	s24 =	sshrl.u32 s11, $0x3;
	s12 =	sshrl.u32 s26, $0x3  }
0x13: {  	s17 =	sadd.s32 s1, s2;
	s19 =	sadd.s32 s20, s2;
	s20 =	sadd.s32 s9, s2  }
0x14: {  	s1 =	simm.s32 $0x50;
	[dreg:$0x5] =	wrdreg s8;
	s8 =	sadd.s32 s5, s21  }
0x15: {  	s12 =	sadd.s32 s5, s12;
	s15 =	sadd.s32 $0x500, s6;
	s16 =	sadd.s32 $0xA00, s6  }
0x16: {  	s21 =	sadd.s32 s10, s2;
	s28 =	sadd.s32 $0x1400, s6;
	s29 =	sadd.s32 $0x1900, s6  }
0x17: {  	s30 =	sadd.s32 $0x1E00, s6;
	[dreg:$0x6] =	wrdreg s8;
	s8 =	sadd.s32 s5, s22  }
0x18: {  	s22 =	sadd.s32 s11, s2;
	[dreg:$0x7] =	wrdreg s8;
	s8 =	sadd.s32 s5, s23  }
0x19: {  	s23 =	sadd.s32 s26, s2;
	s26 =	sadd.s32 $0xF00, s6;
	[dreg:$0x8] =	wrdreg s8  }
0x1a: {  	s8 =	sadd.s32 s5, s24;
	s24 =	sadd.s32 $0x1E00, s7;
	s7 =	simm.s32 $0x3  }
0x1b: {  	[dreg:$0x9] =	wrdreg s8;
	s13 =	sshrl.u32 s24, $0x3;
	s24 =	sadd.s32 s24, s2  }
0x1c: {  	v0 =	vimm.f32 $1.000000000e+00;
	v1 =	vimm.f32 $0.0e+00;
	s8 =	simm.s32 $0x0;
	s13 =	sadd.s32 s5, s13;
	s5 =	simm.s32 $0x1  }
.LBB2_1:
0x1d: {  	s9 =	rddreg [dreg:$0x3]  }
0x1e: {  	[tilespmem:s3], [sflag:$0x2] =	stream.linear.gather [hbm4b:s9+s3], $0x3E80, $0x38;
	[tilespmem:$0x4378] =	vst v63  }
0x1f: {  	_ =	swait.ge [sflag:s31], $0x3E80  }
0x20: {  	[sflag:s31] =	ssyncset.done $0x0  }
0x21: {  	[sflag:s31] =	ssyncadd.s32 $0xFFFFC180  }
0x22: {  	[tilespmem:$0x4000] =	vst v0  }
0x23: {  	[tilespmem:$0x4010] =	vst v0  }
0x24: {  	[tilespmem:$0x4020] =	vst v0  }
0x25: {  	[tilespmem:$0x4030] =	vst v0  }
0x26: {  	[tilespmem:$0x4040] =	vst v0  }
0x27: {  	[tilespmem:$0x4080] =	vst v1  }
0x28: {  	[tilespmem:$0x4090] =	vst v1  }
0x29: {  	[tilespmem:$0x40A0] =	vst v1  }
0x2a: {  	[tilespmem:$0x40B0] =	vst v1  }
0x2b: {  	[tilespmem:$0x40C0] =	vst v1  }
0x2c: {  	[spmem:s6] =	stream.linear.scatter [tilespmem:s0], [sflag:$0x2], $0x50, $0x38;
	[tilespmem:$0x4378] =	vst v63  }
0x2d: {  	_ =	swait.ge [sflag:s31], $0x50  }
0x2e: {  	[sflag:s31] =	ssyncset.done $0x0  }
0x2f: {  	[sflag:s31] =	ssyncadd.s32 $0xFFFFFFB0  }
0x30: {  	[spmem:s15] =	stream.linear.scatter [tilespmem:s0], [sflag:$0x2], $0x50, $0x38;
	[tilespmem:$0x4378] =	vst v63  }
0x31: {  	_ =	swait.ge [sflag:s31], $0x50  }
0x32: {  	[sflag:s31] =	ssyncset.done $0x0  }
0x33: {  	[sflag:s31] =	ssyncadd.s32 $0xFFFFFFB0  }
0x34: {  	[spmem:s16] =	stream.linear.scatter [tilespmem:s0], [sflag:$0x2], $0x50, $0x38;
	[tilespmem:$0x4378] =	vst v63  }
0x35: {  	_ =	swait.ge [sflag:s31], $0x50  }
0x36: {  	[sflag:s31] =	ssyncset.done $0x0  }
0x37: {  	[sflag:s31] =	ssyncadd.s32 $0xFFFFFFB0  }
0x38: {  	[spmem:s26] =	stream.linear.scatter [tilespmem:s0], [sflag:$0x2], $0x50, $0x38;
	[tilespmem:$0x4378] =	vst v63  }
0x39: {  	_ =	swait.ge [sflag:s31], $0x50  }
0x3a: {  	[sflag:s31] =	ssyncset.done $0x0  }
0x3b: {  	[sflag:s31] =	ssyncadd.s32 $0xFFFFFFB0  }
0x3c: {  	[spmem:s28] =	stream.linear.scatter [tilespmem:s0], [sflag:$0x2], $0x50, $0x38;
	[tilespmem:$0x4378] =	vst v63  }
0x3d: {  	_ =	swait.ge [sflag:s31], $0x50  }
0x3e: {  	[sflag:s31] =	ssyncset.done $0x0  }
0x3f: {  	[sflag:s31] =	ssyncadd.s32 $0xFFFFFFB0  }
0x40: {  	[spmem:s29] =	stream.linear.scatter [tilespmem:s0], [sflag:$0x2], $0x50, $0x38;
	[tilespmem:$0x4378] =	vst v63  }
0x41: {  	_ =	swait.ge [sflag:s31], $0x50  }
0x42: {  	[sflag:s31] =	ssyncset.done $0x0  }
0x43: {  	[sflag:s31] =	ssyncadd.s32 $0xFFFFFFB0  }
0x44: {  	[spmem:s30] =	stream.linear.scatter [tilespmem:s0], [sflag:$0x2], $0x50, $0x38;
	[tilespmem:$0x4378] =	vst v63  }
0x45: {  	_ =	swait.ge [sflag:s31], $0x50  }
0x46: {  	[sflag:s31] =	ssyncset.done $0x0  }
0x47: {  	s9 =	simm.s32 @!p1 $0x4080;
	[sflag:s31] =	ssyncadd.s32 $0xFFFFFFB0  }
0x48: {  	[spmem:s17] =	stream.linear.scatter @!p1 [tilespmem:s9], [sflag:$0x2], $0x50, $0x38;
	[tilespmem:$0x4378] =	vst v63  }
0x49: {  	s9 =	simm.s32 @!p1 $0x2  }
0x4a: {  	_ =	swait.ge @!p1 [sflag:s9], $0x50  }
0x4b: {  	[sflag:s9] =	ssyncset.done @!p1 $0x0  }
0x4c: {  	p2 =	por $0x1, $0x1;
	[sflag:s9] =	ssyncadd.s32 @!p1 $0xFFFFFFB0  }
0x4d: {  	s11 =	simm.s32 @!p2 $0x1;
	[bflag:$0x0] =	sbarrier.arrive $0xFFFF  }
0x4e: {  	[spmem:s2] =	stream.indirect.scatter.add.f32 [tilespmem:s4], [sflag:$0x1], $0x1, s3, s1, $0xb8;
	[tilespmem:$0x4378] =	vst v63  }
0x4f: {  	_ =	swait.ge @!p2 [sflag:s11], $0x50  }
0x50: {  	s10 =	simm.s32 $0x0;
	s9 =	simm.s32 $0x1;
	[sflag:s11] =	ssyncset.done @!p2 $0x0  }
.LBB2_2:
0x51: {  	[sflag:s11] =	ssyncadd.s32 @!p2 $0xFFFFFFB0  }
0x52: {  	s10 =	sadd.s32 $0x80, s10;
	s11 =	smov.u32 s9;
	s9 =	sadd.s32 $0x1, s9  }
0x53: {  	p3 =	sne.s32 s9, $0x7D  }
0x54: {  	[spmem:s2] =	stream.indirect.scatter.add.f32 [tilespmem:s4], [sflag:$0x1], $0x1, s10, s1, $0xb8;
	[tilespmem:$0x4378] =	vst v63  }
.Ltmp0:
0x55: {  	_ = 	snop;
	(pc) =	sbr.rel @p3 .LBB2_2-.Ltmp0, $4  }
0x56: {  	p2 =	slt.u32 s11, $0x8  }
0x57: {  	s11 =	simm.s32 @!p2 $0x1  }
0x58: {  	_ =	swait.ge @!p2 [sflag:s11], $0x50  }
0x59: {  	[sflag:s11] =	ssyncset.done @!p2 $0x0  }
0x5a: {  	[sflag:s11] =	ssyncadd.s32 @!p2 $0xFFFFFFB0  }
0x5b: {  	_ =	swait.ge [sflag:s5], $0x50  }
0x5c: {  	[sflag:s5] =	ssyncset.done $0x0  }
0x5d: {  	[sflag:s5] =	ssyncadd.s32 $0xFFFFFFB0  }
0x5e: {  	_ =	swait.ge [sflag:s5], $0x50  }
0x5f: {  	[sflag:s5] =	ssyncset.done $0x0  }
0x60: {  	[sflag:s5] =	ssyncadd.s32 $0xFFFFFFB0  }
0x61: {  	_ =	swait.ge [sflag:s5], $0x50  }
0x62: {  	[sflag:s5] =	ssyncset.done $0x0  }
0x63: {  	[sflag:s5] =	ssyncadd.s32 $0xFFFFFFB0  }
0x64: {  	_ =	swait.ge [sflag:s5], $0x50  }
0x65: {  	[sflag:s5] =	ssyncset.done $0x0  }
0x66: {  	[sflag:s5] =	ssyncadd.s32 $0xFFFFFFB0  }
0x67: {  	_ =	swait.ge [sflag:s5], $0x50  }
0x68: {  	[sflag:s5] =	ssyncset.done $0x0  }
0x69: {  	[sflag:s5] =	ssyncadd.s32 $0xFFFFFFB0  }
0x6a: {  	_ =	swait.ge [sflag:s5], $0x50  }
0x6b: {  	[sflag:s5] =	ssyncset.done $0x0  }
0x6c: {  	[sflag:s5] =	ssyncadd.s32 $0xFFFFFFB0  }
0x6d: {  	_ =	swait.ge [sflag:s5], $0x50  }
0x6e: {  	[sflag:s5] =	ssyncset.done $0x0  }
0x6f: {  	[sflag:s5] =	ssyncadd.s32 $0xFFFFFFB0  }
0x70: {  	_ =	swait.ge [sflag:s5], $0x50  }
0x71: {  	[sflag:s5] =	ssyncset.done $0x0  }
0x72: {  	[sflag:s5] =	ssyncadd.s32 $0xFFFFFFB0  }
0x73: {  	[bflag:$0x0] =	sbarrier.arrive $0xFFFF  }
0x74: {  	[tilespmem:s0], [sflag:$0x3] =	stream.linear.gather [spmem:s18], $0x50, $0x38;
	[tilespmem:$0x4378] =	vst v63  }
0x75: {  	_ =	swait.ge [sflag:s7], $0x50  }
0x76: {  	s9 =	simm.s32 $0x2;
	[sflag:s7] =	ssyncset.done $0x0  }
0x77: {  	s9 =	simm.s32 @!p0 $0x3;
	s10 =	rddreg [dreg:$0x5];
	[sflag:s7] =	ssyncadd.s32 $0xFFFFFFB0  }
0x78: {  	[hbm4b:s10+s3] =	stream.linear.scatter [tilespmem:s0], [sflag:s9], $0x50, $0x38;
	[tilespmem:$0x4378] =	vst v63  }
0x79: {  	_ =	swait.ge [sflag:s9], $0x50  }
0x7a: {  	[sflag:s9] =	ssyncset.done $0x0  }
0x7b: {  	[sflag:s9] =	ssyncadd.s32 $0xFFFFFFB0  }
0x7c: {  	[tilespmem:s0], [sflag:$0x3] =	stream.linear.gather [spmem:s19], $0x50, $0x38;
	[tilespmem:$0x4378] =	vst v63  }
0x7d: {  	_ =	swait.ge [sflag:s7], $0x50  }
0x7e: {  	[sflag:s7] =	ssyncset.done $0x0  }
0x7f: {  	s11 =	rddreg [dreg:$0x6];
	[sflag:s7] =	ssyncadd.s32 $0xFFFFFFB0  }
0x80: {  	[hbm4b:s11+s3] =	stream.linear.scatter [tilespmem:s0], [sflag:s9], $0x50, $0x38;
	[tilespmem:$0x4378] =	vst v63  }
0x81: {  	_ =	swait.ge [sflag:s9], $0x50  }
0x82: {  	[sflag:s9] =	ssyncset.done $0x0  }
0x83: {  	[sflag:s9] =	ssyncadd.s32 $0xFFFFFFB0  }
0x84: {  	[tilespmem:s0], [sflag:$0x3] =	stream.linear.gather [spmem:s20], $0x50, $0x38;
	[tilespmem:$0x4378] =	vst v63  }
0x85: {  	_ =	swait.ge [sflag:s7], $0x50  }
0x86: {  	[sflag:s7] =	ssyncset.done $0x0  }
0x87: {  	s11 =	rddreg [dreg:$0x7];
	[sflag:s7] =	ssyncadd.s32 $0xFFFFFFB0  }
0x88: {  	[hbm4b:s11+s3] =	stream.linear.scatter [tilespmem:s0], [sflag:s9], $0x50, $0x38;
	[tilespmem:$0x4378] =	vst v63  }
0x89: {  	_ =	swait.ge [sflag:s9], $0x50  }
0x8a: {  	[sflag:s9] =	ssyncset.done $0x0  }
0x8b: {  	[sflag:s9] =	ssyncadd.s32 $0xFFFFFFB0  }
0x8c: {  	[tilespmem:s0], [sflag:$0x3] =	stream.linear.gather [spmem:s21], $0x50, $0x38;
	[tilespmem:$0x4378] =	vst v63  }
0x8d: {  	_ =	swait.ge [sflag:s7], $0x50  }
0x8e: {  	[sflag:s7] =	ssyncset.done $0x0  }
0x8f: {  	s11 =	rddreg [dreg:$0x8];
	[sflag:s7] =	ssyncadd.s32 $0xFFFFFFB0  }
0x90: {  	[hbm4b:s11+s3] =	stream.linear.scatter [tilespmem:s0], [sflag:s9], $0x50, $0x38;
	[tilespmem:$0x4378] =	vst v63  }
0x91: {  	_ =	swait.ge [sflag:s9], $0x50  }
0x92: {  	[sflag:s9] =	ssyncset.done $0x0  }
0x93: {  	[sflag:s9] =	ssyncadd.s32 $0xFFFFFFB0  }
0x94: {  	[tilespmem:s0], [sflag:$0x3] =	stream.linear.gather [spmem:s22], $0x50, $0x38;
	[tilespmem:$0x4378] =	vst v63  }
0x95: {  	_ =	swait.ge [sflag:s7], $0x50  }
0x96: {  	[sflag:s7] =	ssyncset.done $0x0  }
0x97: {  	s11 =	rddreg [dreg:$0x9];
	[sflag:s7] =	ssyncadd.s32 $0xFFFFFFB0  }
0x98: {  	[hbm4b:s11+s3] =	stream.linear.scatter [tilespmem:s0], [sflag:s9], $0x50, $0x38;
	[tilespmem:$0x4378] =	vst v63  }
0x99: {  	_ =	swait.ge [sflag:s9], $0x50  }
0x9a: {  	[sflag:s9] =	ssyncset.done $0x0  }
0x9b: {  	[sflag:s9] =	ssyncadd.s32 $0xFFFFFFB0  }
0x9c: {  	[tilespmem:s0], [sflag:$0x3] =	stream.linear.gather [spmem:s23], $0x50, $0x38;
	[tilespmem:$0x4378] =	vst v63  }
0x9d: {  	_ =	swait.ge [sflag:s7], $0x50  }
0x9e: {  	[sflag:s7] =	ssyncset.done $0x0  }
0x9f: {  	[sflag:s7] =	ssyncadd.s32 $0xFFFFFFB0  }
0xa0: {  	[hbm4b:s12+s3] =	stream.linear.scatter [tilespmem:s0], [sflag:s9], $0x50, $0x38;
	[tilespmem:$0x4378] =	vst v63  }
0xa1: {  	_ =	swait.ge [sflag:s9], $0x50  }
0xa2: {  	[sflag:s9] =	ssyncset.done $0x0  }
0xa3: {  	[sflag:s9] =	ssyncadd.s32 $0xFFFFFFB0  }
0xa4: {  	[tilespmem:s0], [sflag:$0x3] =	stream.linear.gather [spmem:s24], $0x50, $0x38;
	[tilespmem:$0x4378] =	vst v63  }
0xa5: {  	_ =	swait.ge [sflag:s7], $0x50  }
0xa6: {  	[sflag:s7] =	ssyncset.done $0x0  }
0xa7: {  	[sflag:s7] =	ssyncadd.s32 $0xFFFFFFB0  }
0xa8: {  	[hbm4b:s13+s3] =	stream.linear.scatter [tilespmem:s0], [sflag:s9], $0x50, $0x38;
	[tilespmem:$0x4378] =	vst v63  }
0xa9: {  	_ =	swait.ge [sflag:s9], $0x50  }
0xaa: {  	[sflag:s9] =	ssyncset.done $0x0  }
0xab: {  	s10 =	simm.s32 @!p1 $0x4080;
	s11 =	simm.s32 @!p1 $0x3;
	[sflag:s9] =	ssyncadd.s32 $0xFFFFFFB0  }
0xac: {  	[tilespmem:s10], [sflag:$0x3] =	stream.linear.gather @!p1 [spmem:s25], $0x50, $0x38;
	[tilespmem:$0x4378] =	vst v63  }
0xad: {  	_ =	swait.ge @!p1 [sflag:s11], $0x50  }
0xae: {  	[sflag:s11] =	ssyncset.done @!p1 $0x0  }
0xaf: {  	[sflag:s11] =	ssyncadd.s32 @!p1 $0xFFFFFFB0;
	s11 =	simm.s32 @!p1 $0x0  }
0xb0: {  	[hbm4b:s14+s11] =	stream.linear.scatter @!p1 [tilespmem:s10], [sflag:s9], $0x50, $0x38;
	[tilespmem:$0x4378] =	vst v63  }
0xb1: {  	_ =	swait.ge @!p1 [sflag:s9], $0x50  }
0xb2: {  	s8 =	sadd.s32 $0x1, s8;
	s11 =	rddreg [dreg:$0x4]  }
0xb3: {  	p2 =	sne.s32 s8, s11  }
.Ltmp1:
0xb4: {  	_ = 	snop;
	(pc) =	sbr.rel @p2 .LBB2_1-.Ltmp1, $3  }
0xb5: {  	_ =	sdelay $0x1  }
0xb6: {  	[sflag:s9] =	ssyncset.done @!p1 $0x0  }
0xb7: {  	[sflag:s9] =	ssyncadd.s32 @!p1 $0xFFFFFFB0  }
0xb8: {  	_ =	sfence.sel $0x180000  }
0xb9: {  	[bflag:$0x0] =	sbarrier.arrive $0xFFFF  }
0xba: {  	_ =	strace $0x90000047  }
0xbb: {  	s0 =	stileid.u32;
	[bflag:$0x2] =	sbarrier.arrive $0xFFFF  }
0xbc: {  	p0 =	sne.s32 s0, $0x0;
	s0 =	rddreg [dreg:$0x2]  }
0xbd: {  	s0 =	sadd.s32 @!p0 $0x100000, s0  }
0xbe: {  	[sflag:s0] =	ssyncadd.tile.s32 @!p0 $0x1;
	_ =	shalt  }
.Lfunc_end2:
_tile_overlayer_lowered:
.L_overlay_start_2:
0xbf: {  	(tag) =	ssettag $0x2  }
0xc0: {  	s0 =	rddreg [dreg:$0x0];
	s2 =	stileid.u32  }
0xc1: {  	s1 =	rddreg [dreg:$0x1];
	p0 =	sne.s32 s2, $0x0  }
0xc2: {  	s3 =	rddreg [dreg:$0x2];
	[bflag:$0x3] =	sbarrier.arrive $0xFFFF;
	s2 =	simm.s32 @!p0 $0x1C02  }
0xc3: {  	[timem:s3], [sflag:s2] =	dma.local @!p0 [hbm:s0], s1  }
0xc4: {  	s0 =	simm.s32 @!p0 $0x2  }
0xc5: {  	_ =	swait.ge @!p0 [sflag:s0], s1  }
0xc6: {  	s1 =	ssub.s32 @!p0 $0x0, s1;
	[sflag:s0] =	ssyncset.done @!p0 $0x0  }
0xc7: {  	[sflag:s0] =	ssyncadd.s32 @!p0 s1  }
0xc8: {  	[bflag:$0x3] =	sbarrier.arrive $0xFFFF  }
0xc9: {  	_ =	shalt  }

// kernel: kernel.13.cloned.1.call-start
scs
__scs_entry_jumppad:
0x0: {  	(pc) =	sbr.rel $0x88, $3  }
0x1: {  	(tag) =	ssettag $0x0;
	lr =	simm.s32 $0x1  }
0x2: {  	[smem:$0x3F98] =	sst lr;
	_ =	strace $0xD0000000  }
0x3: {  	_ = 	snop  }
0x4: {  	_ = 	snop  }
0x5: {  	_ = 	snop  }
0x6: {  	_ = 	snop  }
0x7: {  	_ = 	snop  }
__scs_overlays_trampoline_lowered:
0x8: {  	[smem:$0x3FA7] =	sst s0  }
0x9: {  	[smem:$0x3FA8] =	sst s1  }
0xa: {  	[smem:$0x3FA9] =	sst s2  }
0xb: {  	[smem:$0x3FAA] =	sst s3  }
0xc: {  	[smem:$0x3FAB] =	sst s4  }
0xd: {  	[smem:$0x3FAC] =	sst s5  }
0xe: {  	[smem:$0x3FAD] =	sst s6  }
0xf: {  	[smem:$0x3FAE] =	sst s7  }
0x10: {  	[smem:$0x3FAF] =	sst s8  }
0x11: {  	[smem:$0x3FB0] =	sst s9;
	s0 =	simm.s32 @!p0 $0x0  }
0x12: {  	s1 =	sld [smem:$0x3F96];
	s0 =	simm.s32 @p0 $0x1  }
0x13: {  	[smem:$0x3FB1] =	sst s0;
	s0 =	simm.s32 @!p1 $0x0  }
0x14: {  	s2 =	sld [smem:$0x3F95];
	s0 =	simm.s32 @p1 $0x1  }
0x15: {  	[smem:$0x3FB2] =	sst s0;
	s0 =	simm.s32 @!p2 $0x0  }
0x16: {  	s3 =	sld [smem:$0x3FDB];
	s0 =	simm.s32 @p2 $0x1  }
0x17: {  	s4 =	simm.s32 $0x1BF5;
	[smem:$0x3FB4] =	sst s0  }
0x18: {  	s0 =	sld [smem:$0x3F97];
	_ =	swait.ge [sflag:s4], $0x0  }
0x19: {  	s7 =	sld [smem:$0x3F98]  }
0x1a: {  	s8 =	sadd.s32 $0xFFFFE003, lr  }
0x1b: {  	s9 =	sadd.s32 $0xFFFFFEF7, lr;
	s5 =	simm.s32 $0xFFFFFFFF;
	p2 =	slt.u32 s8, $0xFFFFF086  }
0x1c: {  	p1 =	slt.u32 s9, $0xF7A;
	s5 =	simm.s32 @!p2 $0x0  }
0x1d: {  	s5 =	simm.s32 @p1 $0x1;
	p0 =	seq.s32 s7, s2  }
0x1e: {  	s7 =	smul.u32 @!p0 $0xF7A, s2;
	p2 =	seq.s32 @!p0 s5, $0x0  }
0x1f: {  	s9 =	smul.u32 $0xF7A, s1;
	s8 =	simm.s32 @!p0 $0x1BF5;
	p2 =	por !p2, p0  }
0x20: {  	[sflag:s8] =	ssyncset.s32 @!p0 $0xFFFFF086;
	s6 =	sadd.s32 @!p0 s3, s7;
	s7 =	simm.s32 @!p0 $0x108  }
0x21: {  	s3 =	sadd.s32 s3, s9;
	s6 =	sadd.s32 @!p0 $0x88, s6;
	s7 =	simm.s32 @p2 $0x1082  }
0x22: {  	[simem:s7], [sflag:s8] =	dma.local @!p0 [hbm:s6], $0xF7A  }
0x23: {  	s9 =	sor.u32 $0xD0000000, s2;
	s6 =	simm.s32 $0x108;
	_ =	swait.ge @!p0 [sflag:s8], $0x0  }
0x24: {  	s3 =	sadd.s32 $0x88, s3;
	s6 =	simm.s32 @!p1 $0x1082;
	[sflag:s4] =	ssyncset.s32 $0xFFFFF086  }
0x25: {  	[simem:s6], [sflag:s4] =	dma.local [hbm:s3], $0xF7A  }
0x26: {  	[smem:$0x3F98] =	sst s1;
	(tag) =	ssettag s2;
	_ =	strace s9  }
0x27: {  	s1 =	sld [smem:$0x3FA8]  }
0x28: {  	s2 =	sld [smem:$0x3FA9]  }
0x29: {  	s4 =	sld [smem:$0x3FAB]  }
0x2a: {  	p0 =	seq.s32 s5, $0x0;
	s5 =	sld [smem:$0x3FAC]  }
0x2b: {  	s6 =	sld [smem:$0x3FAD]  }
0x2c: {  	s7 =	sld [smem:$0x3FAE]  }
0x2d: {  	s3 =	simm.s32 $0x108;
	s8 =	sld [smem:$0x3FAF]  }
0x2e: {  	s3 =	simm.s32 @!p0 $0x1082;
	s9 =	sld [smem:$0x3FB0]  }
0x2f: {  	lr =	sadd.s32 s0, s3;
	s0 =	sld [smem:$0x3FA7]  }
0x30: {  	s3 =	sld [smem:$0x3FAA]  }
0x31: {  	[smem:$0x3FB3] =	sst s10  }
0x32: {  	s10 =	sld [smem:$0x3FB1];
	_ =	sdelay $0x3  }
0x33: {  	p0 =	seq.s32 s10, $0x1;
	s10 =	sld [smem:$0x3FB3];
	_ =	sdelay $0x3  }
0x34: {  	[smem:$0x3FB3] =	sst s10  }
0x35: {  	s10 =	sld [smem:$0x3FB2];
	_ =	sdelay $0x3  }
0x36: {  	p1 =	seq.s32 s10, $0x1;
	s10 =	sld [smem:$0x3FB3];
	_ =	sdelay $0x3  }
0x37: {  	[smem:$0x3FB3] =	sst s10  }
0x38: {  	s10 =	sld [smem:$0x3FB4]  }
0x39: {  	_ = 	snop;
	(pc) =	sbr.ind lr, $3  }
0x3a: {  	_ = 	snop  }
0x3b: {  	_ = 	snop  }
0x3c: {  	p2 =	seq.s32 s10, $0x1;
	s10 =	sld [smem:$0x3FB3]  }
0x3d: {  	_ =	shalt  }
0x3e: {  	_ =	shalt  }
0x3f: {  	_ =	shalt  }
0x40: {  	_ =	shalt  }
0x41: {  	_ =	shalt  }
0x42: {  	_ =	shalt  }
0x43: {  	_ =	shalt  }
0x44: {  	_ =	shalt  }
0x45: {  	_ =	shalt  }
0x46: {  	_ =	shalt  }
0x47: {  	_ =	shalt  }
0x48: {  	_ =	shalt  }
0x49: {  	_ =	shalt  }
0x4a: {  	_ =	shalt  }
0x4b: {  	_ =	shalt  }
0x4c: {  	_ =	shalt  }
0x4d: {  	_ =	shalt  }
0x4e: {  	_ =	shalt  }
0x4f: {  	_ =	shalt  }
0x50: {  	_ =	shalt  }
0x51: {  	_ =	shalt  }
0x52: {  	_ =	shalt  }
0x53: {  	_ =	shalt  }
0x54: {  	_ =	shalt  }
0x55: {  	_ =	shalt  }
0x56: {  	_ =	shalt  }
0x57: {  	_ =	shalt  }
0x58: {  	_ =	shalt  }
0x59: {  	_ =	shalt  }
0x5a: {  	_ =	shalt  }
0x5b: {  	_ =	shalt  }
0x5c: {  	_ =	shalt  }
0x5d: {  	_ =	shalt  }
0x5e: {  	_ =	shalt  }
0x5f: {  	_ =	shalt  }
0x60: {  	_ =	shalt  }
0x61: {  	_ =	shalt  }
0x62: {  	_ =	shalt  }
0x63: {  	_ =	shalt  }
0x64: {  	_ =	shalt  }
0x65: {  	_ =	shalt  }
0x66: {  	_ =	shalt  }
0x67: {  	_ =	shalt  }
0x68: {  	_ =	shalt  }
0x69: {  	_ =	shalt  }
0x6a: {  	_ =	shalt  }
0x6b: {  	_ =	shalt  }
0x6c: {  	_ =	shalt  }
0x6d: {  	_ =	shalt  }
0x6e: {  	_ =	shalt  }
0x6f: {  	_ =	shalt  }
0x70: {  	_ =	shalt  }
0x71: {  	_ =	shalt  }
0x72: {  	_ =	shalt  }
0x73: {  	_ =	shalt  }
0x74: {  	_ =	shalt  }
0x75: {  	_ =	shalt  }
0x76: {  	_ =	shalt  }
0x77: {  	_ =	shalt  }
0x78: {  	_ =	shalt  }
0x79: {  	_ =	shalt  }
0x7a: {  	_ =	shalt  }
0x7b: {  	_ =	shalt  }
0x7c: {  	_ =	shalt  }
0x7d: {  	_ =	shalt  }
0x7e: {  	_ =	shalt  }
0x7f: {  	_ =	shalt  }
0x80: {  	_ =	shalt  }
0x81: {  	_ =	shalt  }
0x82: {  	_ =	shalt  }
0x83: {  	_ =	shalt  }
0x84: {  	_ =	shalt  }
0x85: {  	_ =	shalt  }
0x86: {  	_ =	shalt  }
0x87: {  	_ =	shalt  }
.Lfunc_end0:
.L_simem_size_0:
called_computation.1_lowered:
.L_overlay_start_0:
0x88: {  	s2 =	sld [smem:$0x3FD9]  }
0x89: {  	s3 =	sld [smem:$0x3FFE];
	_ =	sdelay $0x1  }
0x8a: {  	s1 =	srdreg.scid  }
0x8b: {  	s0 =	sand.u32 $0x1, s1  }
0x8c: {  	s16 =	sshll.u32 s0, $0xA;
	s2 =	sadd.s32 s3, s2  }
0x8d: {  	s2 =	sadd.s32 s2, s16  }
0x8e: {  	[smem:$0x3FBF] =	sst s2  }
0x8f: {  	_ = 	snop  }
0x90: {  	(tm) =	ssettm $0x1  }
0x91: {  	s17 =	sld [smem:$0x3FFB];
	_ =	sdelay $0x3  }
0x92: {  	_ =	strace s17  }
0x93: {  	s2 =	sld [smem:$0x3FFC];
	_ =	sdelay $0x3  }
0x94: {  	_ =	strace s2  }
0x95: {  	s2 =	sld [smem:$0x3FFD];
	_ =	sdelay $0x3  }
0x96: {  	_ =	strace s2  }
0x97: {  	_ =	strace $0x8FFFFFFF  }
0x98: {  	s18 =	sld [smem:$0x3FDB];
	_ =	sdelay $0x1  }
0x99: {  	s19 =	simm.s32 $_scs_section_size  }
0x9a: {  	s4 =	simm.s32 $_size__tile_overlayer_lowered;
	s5 =	simm.s32 $_tile_overlayer_lowered  }
0x9b: {  	s22 =	simm.s32 $0x1BFF;
	s21 =	sshll.u32 s5, $0x1;
	s2 =	sadd.s32 s19, s18  }
0x9c: {  	s6 =	simm.s32 $0x0;
	s20 =	sshll.u32 s4, $0x1;
	s4 =	sadd.s32 s21, s2  }
0x9d: {  	[timem:s6], [sflag:s22] =	dma.local [hbm:s4], s20  }
0x9e: {  	_ =	swait.ge [sflag:s22], s20  }
0x9f: {  	s3 =	ssub.s32 $0x0, s20;
	[sflag:s22] =	ssyncset.done $0x0  }
0xa0: {  	[sflag:s22] =	ssyncadd.s32 s3;
	_ =	sdelay $0x1  }
0xa1: {  	s23 =	simm.s32 $0x1B8B  }
0xa2: {  	_ =	swait.ge [sflag:s23], $0x1  }
0xa3: {  	[sflag:s23] =	ssyncset.done $0x0  }
0xa4: {  	s25 =	simm.s32 $0x1B8E;
	s24 =	sld [smem:$0x3FFE];
	[sflag:s23] =	ssyncadd.s32 $0xFFFFFFFF  }
0xa5: {  	s26 =	simm.s32 $execute0_lowered;
	[smem:$0x3FD2] =	sst s25  }
0xa6: {  	s4 =	sshll.u32 s26, $0x1;
	_ =	strace $0x80000049;
	[dreg:$0x1] =	wrdreg $0xFFFFFFFF  }
0xa7: {  	s28 =	simm.s32 $_size_execute0_lowered;
	s2 =	sadd.s32 s2, s4;
	[dreg:$0x0] =	wrdreg $0x0  }
0xa8: {  	s4 =	sshll.u32 s28, $0x1;
	[dreg:$0x2] =	wrdreg s2  }
0xa9: {  	[dreg:$0x3] =	wrdreg s4  }
0xaa: {  	[dreg:$0x4] =	wrdreg $0xC0  }
0xab: {  	_ =	task [dreg:s6], $0x5FFFF  }
0xac: {  	[dreg:$0x1] =	wrdreg $0xFFFFFFFF  }
0xad: {  	[dreg:$0x0] =	wrdreg $0x60  }
0xae: {  	[dreg:$0x2] =	wrdreg s24  }
0xaf: {  	[dreg:$0x3] =	wrdreg $0x3D000  }
0xb0: {  	[dreg:$0x4] =	wrdreg $0x9  }
0xb1: {  	_ =	task.clear_ibuf [dreg:s6], $0x5FFFF;
	_ =	strace $0x90000049  }
0xb2: {  	s29 =	simm.s32 $0x9;
	_ =	strace $0x8000004B  }
0xb3: {  	_ =	swait.ge [sflag:s29], $0x1  }
0xb4: {  	[sflag:s29] =	ssyncadd.s32 $0xFFFFFFFF  }
0xb5: {  	_ =	strace $0x9000004B  }
0xb6: {  	_ =	sfence  }
0xb7: {  	s30 =	sld [smem:$0x0];
	_ =	sdelay $0x2  }
0xb8: {  	s31 =	sshll.u32 s1, $0xD;
	s1 =	sshrl.u32 s1, $0x2  }
0xb9: {  	s3 =	sand.u32 $0x4000, s31;
	s1 =	sadd.s32 s1, s30  }
0xba: {  	s0 =	sor.u32 s3, s0;
	s1 =	sshll.u32 s1, $0x11  }
0xbb: {  	s0 =	sor.u32 s1, s0  }
0xbc: {  	s0 =	sadd.s32 $0x8F2B, s0  }
0xbd: {  	[sflag:s0] =	ssyncadd.remote.s32 $0x1  }
0xbe: {  	_ =	sfence.sel $0xFFFF  }
0xbf: {  	[dreg:$0x0] =	wrdreg $0xFFFFFFFF;
	(pc) =	sbr.abs _section_cstart, $3  }
0xc0: {  	[dreg:$0x1] =	wrdreg $0xFFFFFFFF  }
0xc1: {  	_ =	task.clear_ibuf [dreg:s6], $0x2FFFF;
	_ =	strace $0x9FFFFFFF  }
0xc2: {  	(tm) =	ssettm $0x7FFFFFFF  }
0xc3: {  	_ =	shalt  }
tec
execute0_lowered:
.L_overlay_start_1:
0x0: {  	(tag) =	ssettag $0x1  }
0x1: {  	s0 =	rddreg [dreg:$0x0]  }
0x2: {  	s1 =	rddreg [dreg:$0x1];
	s2 =	simm.s32 $0x0  }
0x3: {  	s3 =	srdreg.scid;
	s28 =	simm.s32 $0x1500;
	s29 =	simm.s32 $0x0  }
0x4: {  	[smem:$0x7FF] =	sst s2;
	s2 =	stileid.u32;
	s3 =	sand.u32 $0x1, s3  }
0x5: {  	s5 =	sadd.s32 $0x32400, s0;
	s6 =	sadd.s32 $0x28600, s0;
	s7 =	sadd.s32 $0x80600, s0  }
0x6: {  	s8 =	sadd.s32 $0x94000, s0;
	_ =	strace $0x8000004A;
	s4 =	smul.u32 $0x4E20, s2  }
0x7: {  	s9 =	ssub.s32 $0x2, s3;
	s13 =	smul.u32 $0x5000, s2;
	s14 =	sor.u32 $0x10, s2  }
0x8: {  	p0 =	seq.s32 s3, $0x0;
	s30 =	sor.u32 $0x20, s2;
	s25 =	smul.u32 $0x5000, s14  }
0x9: {  	s16 =	sor.u32 $0x40, s2;
	s18 =	sor.u32 $0x70, s2;
	s26 =	smul.u32 $0x280, s14  }
0xa: {  	p1 =	sne.s32 s3, $0x0;
	s19 =	sor.u32 $0x50, s2;
	s31 =	smul.u32 $0x5000, s30  }
0xb: {  	s22 =	sor.u32 $0x60, s2;
	s10 =	sshrl.u32 s9, $0x1;
	s17 =	smul.u32 $0x5000, s16  }
0xc: {  	s14 =	sor.u32 $0x30, s2;
	s21 =	smul.u32 $0x5000, s19;
	s11 =	sshrl.u32 s4, $0x3  }
0xd: {  	s9 =	ssub.s32 s9, s10;
	s13 =	sshrl.u32 s13, $0x2;
	s15 =	smul.u32 $0x5000, s14  }
0xe: {  	s23 =	sadd.s32 $0x64, s11;
	s12 =	sadd.s32 s6, s11;
	[dreg:$0x6] =	wrdreg s26  }
0xf: {  	s9 =	smax.u32 s9, $0x1;
	s26 =	smul.u32 $0x280, s18;
	[dreg:$0x3] =	wrdreg s12  }
0x10: {  	s24 =	sadd.s32 s6, s23;
	s12 =	simm.s32 $0x3E00;
	[dreg:$0x5] =	wrdreg s9  }
0x11: {  	s9 =	sshrl.u32 s25, $0x2;
	s20 =	sshrl.u32 s15, $0x2;
	s15 =	smul.u32 $0x5000, s22  }
0x12: {  	[dreg:$0x4] =	wrdreg s24;
	s12 =	simm.s32 @!p0 $0x1E800;
	s9 =	sadd.s32 s9, s1  }
0x13: {  	p0 =	sgt.u32 s18, $0x7C;
	[dreg:$0x11] =	wrdreg s26;
	s26 =	simm.s32 $0x1  }
0x14: {  	s12 =	sadd.s32 s12, s0;
	s0 =	smul.u32 $0x280, s30;
	p2 =	sne.s32 @!p0 s3, $0x0  }
0x15: {  	s3 =	sadd.s32 s20, s1;
	s24 =	sshrl.u32 s15, $0x2;
	s9 =	sshrl.u32 s9, $0x3  }
0x16: {  	s30 =	sshll.u32 s2, $0xB;
	s11 =	sadd.s32 s12, s11;
	[dreg:$0x12] =	wrdreg s9  }
0x17: {  	s15 =	simm.s32 $0x2D00;
	s10 =	sadd.s32 s12, s23;
	[dreg:$0x7] =	wrdreg s11  }
0x18: {  	s23 =	smul.u32 $0x5000, s18;
	s3 =	sshrl.u32 s3, $0x3;
	[dreg:$0x8] =	wrdreg s10  }
0x19: {  	p2 =	por !p2, p0;
	s18 =	simm.s32 $0x3500;
	[dreg:$0x9] =	wrdreg s0  }
0x1a: {  	s11 =	sadd.s32 s13, s1;
	s0 =	smul.u32 $0x280, s14;
	[dreg:$0x13] =	wrdreg s3  }
0x1b: {  	s10 =	sshrl.u32 s31, $0x2;
	s13 =	sshrl.u32 s17, $0x2;
	[dreg:$0xa] =	wrdreg s11  }
0x1c: {  	s14 =	simm.s32 $0x3;
	s10 =	sadd.s32 s10, s1;
	[dreg:$0xb] =	wrdreg s0  }
0x1d: {  	s13 =	sadd.s32 s13, s1;
	[dreg:$0xc] =	wrdreg s10;
	s0 =	smul.u32 $0x280, s16  }
0x1e: {  	s11 =	smul.u32 $0x280, s22;
	s25 =	sshrl.u32 s23, $0x2;
	[dreg:$0xe] =	wrdreg s13  }
0x1f: {  	s23 =	simm.s32 $0x2;
	[dreg:$0xd] =	wrdreg s0;
	s0 =	smul.u32 $0x280, s19  }
0x20: {  	s10 =	sshrl.u32 s21, $0x2;
	s13 =	simm.s32 $0x1D00;
	[dreg:$0x10] =	wrdreg s11  }
0x21: {  	s10 =	sadd.s32 s10, s1;
	[dreg:$0xf] =	wrdreg s0;
	s0 =	sadd.s32 s24, s1  }
.Ltmp0:
0x22: {  	s11 =	sadd.s32 s25, s1;
	s0 =	sshrl.u32 s0, $0x3;
	(pc) =	sbr.rel .LBB2_1-.Ltmp0, $4  }
0x23: {  	s31 =	sshrl.u32 s10, $0x3;
	[dreg:$0x15] =	wrdreg s0;
	s0 =	simm.s32 @!p2 $0x0  }
0x24: {  	s25 =	sadd.s32 s30, s1;
	[dreg:$0x14] =	wrdreg s31;
	s0 =	simm.s32 @p2 $0x1  }
0x25: {  	s24 =	simm.s32 $0x2500;
	[smem:$0x7FD] =	sst s0;
	s0 =	sshrl.u32 @!p0 s11, $0x3  }
0x26: {  	v0 =	vimm.f32 $0.0e+00;
	vm0 =	vmmov $0xffff;
	s11 =	simm.s32 $0xD00;
	[dreg:$0x16] =	wrdreg s0;
	s0 =	smul.u32 $0x280, s2  }
.LBB2_14:
0x27: {  	s3 =	simm.s32 $0x4  }
0x28: {  	_ =	swait.ge [sflag:s3], $0x1000  }
0x29: {  	[sflag:s3] =	ssyncset.done $0x0  }
0x2a: {  	[sflag:s3] =	ssyncadd.s32 $0xFFFFF000  }
0x2b: {  	[bflag:$0x0] =	sbarrier.arrive $0xFFFF  }
0x2c: {  	s3 =	sshll.u32 @p1 s2, $0x6;
	s17 =	rddreg [dreg:$0xa]  }
0x2d: {  	s9 =	sadd.s32 @p1 s8, s0;
	s3 =	sor.u32 @p1 $0x1C08, s3;
	s10 =	sshrl.u32 @p1 s17, $0x3  }
0x2e: {  	[hbm:s9], [sflag:s3] =	dma.local @p1 [spmem:s10], $0x280  }
0x2f: {  	s9 =	simm.s32 @p1 $0x8  }
0x30: {  	_ =	swait.ge @p1 [sflag:s9], $0x280  }
0x31: {  	s16 =	sadd.s32 @!p1 s7, s0;
	s10 =	sshll.u32 @!p1 s2, $0x6;
	[sflag:s9] =	ssyncset.done @p1 $0x0  }
0x32: {  	s17 =	sshrl.u32 @!p1 s17, $0x3;
	s10 =	sor.u32 @!p1 $0x1C09, s10;
	[sflag:s9] =	ssyncadd.s32 @p1 $0xFFFFFD80  }
0x33: {  	[hbm:s16], [sflag:s10] =	dma.local @!p1 [spmem:s17], $0x280  }
0x34: {  	s19 =	smov.u32 s7;
	s16 =	simm.s32 @!p1 $0x9  }
0x35: {  	s20 =	sshll.u32 s2, $0x6;
	s17 =	simm.s32 @!p1 $0x9;
	_ =	swait.ge @!p1 [sflag:s16], $0x280  }
0x36: {  	s19 =	smov.u32 @p1 s8;
	s17 =	simm.s32 @p1 $0x8;
	s22 =	rddreg [dreg:$0x6]  }
0x37: {  	[sflag:s16] =	ssyncset.done @!p1 $0x0;
	s20 =	sadd.s32 s17, s20;
	s21 =	rddreg [dreg:$0x12]  }
0x38: {  	[sflag:s16] =	ssyncadd.s32 @!p1 $0xFFFFFD80;
	s22 =	sadd.s32 s19, s22;
	s20 =	sadd.s32 $0x1C00, s20  }
0x39: {  	[hbm:s22], [sflag:s20] =	dma.local [spmem:s21], $0x280  }
0x3a: {  	_ =	swait.ge [sflag:s17], $0x280  }
0x3b: {  	s31 =	rddreg [dreg:$0x9]  }
0x3c: {  	[sflag:s17] =	ssyncset.done $0x0;
	s21 =	rddreg [dreg:$0xc]  }
0x3d: {  	[sflag:s17] =	ssyncadd.s32 $0xFFFFFD80;
	s22 =	sadd.s32 @p1 s8, s31;
	s30 =	sshrl.u32 @p1 s21, $0x3  }
0x3e: {  	[hbm:s22], [sflag:s3] =	dma.local @p1 [spmem:s30], $0x280  }
0x3f: {  	_ =	swait.ge @p1 [sflag:s9], $0x280  }
0x40: {  	[sflag:s9] =	ssyncset.done @p1 $0x0  }
0x41: {  	s22 =	sadd.s32 @!p1 s7, s31;
	s30 =	sshrl.u32 @!p1 s21, $0x3;
	[sflag:s9] =	ssyncadd.s32 @p1 $0xFFFFFD80  }
0x42: {  	[hbm:s22], [sflag:s10] =	dma.local @!p1 [spmem:s30], $0x280  }
0x43: {  	_ =	swait.ge @!p1 [sflag:s16], $0x280  }
0x44: {  	[sflag:s16] =	ssyncset.done @!p1 $0x0;
	s30 =	rddreg [dreg:$0xb]  }
0x45: {  	s31 =	rddreg [dreg:$0x13];
	[sflag:s16] =	ssyncadd.s32 @!p1 $0xFFFFFD80;
	s22 =	sadd.s32 s19, s30  }
0x46: {  	[hbm:s22], [sflag:s20] =	dma.local [spmem:s31], $0x280  }
0x47: {  	_ =	swait.ge [sflag:s17], $0x280  }
0x48: {  	s21 =	rddreg [dreg:$0xd]  }
0x49: {  	[sflag:s17] =	ssyncset.done $0x0;
	s31 =	rddreg [dreg:$0xe]  }
0x4a: {  	[sflag:s17] =	ssyncadd.s32 $0xFFFFFD80;
	s22 =	sadd.s32 @p1 s8, s21;
	s30 =	sshrl.u32 @p1 s31, $0x3  }
0x4b: {  	[hbm:s22], [sflag:s3] =	dma.local @p1 [spmem:s30], $0x280  }
0x4c: {  	_ =	swait.ge @p1 [sflag:s9], $0x280  }
0x4d: {  	[sflag:s9] =	ssyncset.done @p1 $0x0  }
0x4e: {  	s3 =	sadd.s32 @!p1 s7, s21;
	[sflag:s9] =	ssyncadd.s32 @p1 $0xFFFFFD80;
	s9 =	sshrl.u32 @!p1 s31, $0x3  }
0x4f: {  	[hbm:s3], [sflag:s10] =	dma.local @!p1 [spmem:s9], $0x280  }
0x50: {  	_ =	swait.ge @!p1 [sflag:s16], $0x280  }
0x51: {  	[sflag:s16] =	ssyncset.done @!p1 $0x0;
	s10 =	rddreg [dreg:$0xf]  }
0x52: {  	[sflag:s16] =	ssyncadd.s32 @!p1 $0xFFFFFD80;
	s3 =	sadd.s32 s19, s10;
	s16 =	rddreg [dreg:$0x14]  }
0x53: {  	[hbm:s3], [sflag:s20] =	dma.local [spmem:s16], $0x280  }
0x54: {  	_ =	swait.ge [sflag:s17], $0x280  }
0x55: {  	[sflag:s17] =	ssyncset.done $0x0;
	s21 =	rddreg [dreg:$0x10]  }
0x56: {  	s22 =	rddreg [dreg:$0x15];
	[sflag:s17] =	ssyncadd.s32 $0xFFFFFD80;
	s3 =	sadd.s32 s19, s21  }
0x57: {  	[hbm:s3], [sflag:s20] =	dma.local [spmem:s22], $0x280  }
0x58: {  	_ =	swait.ge [sflag:s17], $0x280  }
0x59: {  	s30 =	sld [smem:$0x7FD];
	_ =	sdelay $0x1  }
0x5a: {  	s9 =	smov.u32 s8  }
0x5b: {  	s10 =	sshll.u32 @!p0 s2, $0x6;
	s3 =	simm.s32 @!p0 $0x8;
	p2 =	seq.s32 s30, $0x1  }
0x5c: {  	[sflag:s17] =	ssyncset.done $0x0;
	s16 =	rddreg [dreg:$0x11];
	s3 =	simm.s32 @p2 $0x9  }
0x5d: {  	[sflag:s17] =	ssyncadd.s32 $0xFFFFFD80;
	s9 =	smov.u32 @p2 s7;
	s10 =	sadd.s32 @!p0 s3, s10  }
0x5e: {  	s9 =	sadd.s32 @!p0 s9, s16;
	s16 =	rddreg [dreg:$0x16];
	s10 =	sadd.s32 @!p0 $0x1C00, s10  }
0x5f: {  	[hbm:s9], [sflag:s10] =	dma.local @!p0 [spmem:s16], $0x280  }
0x60: {  	_ =	swait.ge @!p0 [sflag:s3], $0x280  }
0x61: {  	s29 =	sadd.s32 $0x1, s29;
	s31 =	rddreg [dreg:$0x5]  }
0x62: {  	p2 =	sne.s32 s29, s31  }
.Ltmp1:
0x63: {  	_ = 	snop;
	(pc) =	sbr.rel @!p2 .LBB2_15-.Ltmp1, $3  }
0x64: {  	_ =	sdelay $0x1  }
0x65: {  	[sflag:s3] =	ssyncset.done @!p0 $0x0  }
0x66: {  	[sflag:s3] =	ssyncadd.s32 @!p0 $0xFFFFFD80  }
.LBB2_1:
0x67: {  	s3 =	simm.s32 $0x0;
	s9 =	rddreg [dreg:$0x7]  }
0x68: {  	[tilespmem:s3], [sflag:$0x7] =	stream.linear.gather [hbm4b:s9+s3], $0x320, $0x38;
	[tilespmem:$0xD980] =	vst v63  }
0x69: {  	s20 =	rddreg [dreg:$0x3];
	s10 =	simm.s32 $0x680  }
0x6a: {  	[tilespmem:s10], [sflag:$0x7] =	stream.linear.gather [hbm4b:s20+s3], $0x320, $0x38;
	[tilespmem:$0xD980] =	vst v63  }
0x6b: {  	s21 =	rddreg [dreg:$0x8];
	s22 =	simm.s32 $0x320  }
0x6c: {  	[tilespmem:s22], [sflag:$0x7] =	stream.linear.gather [hbm4b:s21+s3], $0x320, $0x38;
	[tilespmem:$0xD980] =	vst v63  }
0x6d: {  	s30 =	rddreg [dreg:$0x4];
	s31 =	simm.s32 $0x9A0  }
0x6e: {  	[tilespmem:s31], [sflag:$0x7] =	stream.linear.gather [hbm4b:s30+s3], $0x320, $0x38;
	[tilespmem:$0xD980] =	vst v63  }
0x6f: {  	s9 =	simm.s32 $0x200;
	s3 =	simm.s32 $0x0  }
.LBB2_2:
0x70: {  	p3 =	sne.s32 s9, $0x1E00;
	[tilespmem:s3+$0xD70] =	vst v0  }
0x71: {  	[tilespmem:s3+$0xD00] =	vst v0  }
0x72: {  	[tilespmem:s3+$0xD10] =	vst v0  }
.Ltmp2:
0x73: {  	[tilespmem:s3+$0xD20] =	vst v0;
	(pc) =	sbr.rel @p3 .LBB2_2-.Ltmp2, $4  }
0x74: {  	[tilespmem:s3+$0xD30] =	vst v0  }
0x75: {  	[tilespmem:s3+$0xD40] =	vst v0  }
0x76: {  	[tilespmem:s3+$0xD50] =	vst v0  }
0x77: {  	[tilespmem:s3+$0xD60] =	vst v0;
	s3 =	sshra.s32 s9, $0x2;
	s9 =	sadd.s32 $0x200, s9  }
0x78: {  	[tilespmem:s3+$0xD70] =	vst v0  }
0x79: {  	[tilespmem:s3+$0xD00] =	vst v0  }
0x7a: {  	[tilespmem:s3+$0xD10] =	vst v0  }
0x7b: {  	[tilespmem:s3+$0xD20] =	vst v0  }
0x7c: {  	[tilespmem:s3+$0xD30] =	vst v0  }
0x7d: {  	[tilespmem:s3+$0xD40] =	vst v0;
	s9 =	sadd.s32 $0x0, s2  }
0x7e: {  	[tilespmem:s3+$0xD50] =	vst v0;
	p3 =	sgt.u32 s9, $0x138  }
0x7f: {  	[tilespmem:s3+$0xD60] =	vst v0;
	s3 =	simm.s32 @!p3 $0xD00;
	s16 =	simm.s32 @!p3 $0x8  }
0x80: {  	[spmem:s25] =	stream.linear.scatter @!p3 [tilespmem:s3], [sflag:$0x8], $0x800, $0x38;
	[tilespmem:$0xD980] =	vst v63  }
0x81: {  	s10 =	simm.s32 $0x20;
	_ =	swait.ge @!p3 [sflag:s16], $0x800  }
0x82: {  	s9 =	simm.s32 $0x10;
	s3 =	sadd.s32 $0x8000, s25;
	[sflag:s16] =	ssyncset.done @!p3 $0x0  }
.LBB2_4:
0x83: {  	s17 =	sadd.s32 s9, s2;
	s9 =	smov.u32 s10;
	s10 =	sadd.s32 $0x10, s10  }
0x84: {  	[sflag:s16] =	ssyncadd.s32 @!p3 $0xFFFFF800;
	p4 =	sne.s32 s10, $0x140  }
.Ltmp3:
0x85: {  	p3 =	sgt.u32 s17, $0x138;
	(pc) =	sbr.rel @p4 .LBB2_4-.Ltmp3, $4  }
0x86: {  	s17 =	simm.s32 @!p3 $0xD00;
	s16 =	simm.s32 @!p3 $0x8  }
0x87: {  	[spmem:s3] =	stream.linear.scatter @!p3 [tilespmem:s17], [sflag:$0x8], $0x800, $0x38;
	[tilespmem:$0xD980] =	vst v63  }
0x88: {  	_ =	swait.ge @!p3 [sflag:s16], $0x800  }
0x89: {  	s3 =	sadd.s32 $0x8000, s3;
	[sflag:s16] =	ssyncset.done @!p3 $0x0  }
0x8a: {  	s9 =	sadd.s32 s9, s2  }
0x8b: {  	p4 =	sgt.u32 s9, $0x138  }
0x8c: {  	[sflag:s16] =	ssyncadd.s32 @!p3 $0xFFFFF800;
	s9 =	simm.s32 @!p4 $0xD00;
	s10 =	simm.s32 @!p4 $0x8  }
0x8d: {  	[spmem:s3] =	stream.linear.scatter @!p4 [tilespmem:s9], [sflag:$0x8], $0x800, $0x38;
	[tilespmem:$0xD980] =	vst v63  }
0x8e: {  	_ =	swait.ge @!p4 [sflag:s10], $0x800  }
0x8f: {  	[sflag:s10] =	ssyncset.done @!p4 $0x0  }
0x90: {  	[sflag:s10] =	ssyncadd.s32 @!p4 $0xFFFFF800  }
0x91: {  	s30 =	simm.s32 $0x7;
	[bflag:$0x0] =	sbarrier.arrive $0xFFFF  }
0x92: {  	_ =	swait.ge [sflag:s30], $0x640  }
.Ltmp4:
0x93: {  	[sflag:s30] =	ssyncset.done $0x0;
	(pc) =	sbr.rel .LBB2_7-.Ltmp4, $4  }
0x94: {  	s31 =	simm.s32 $0x20;
	s3 =	simm.s32 $0x0;
	[sflag:s30] =	ssyncadd.s32 $0xFFFFF9C0  }
0x95: {  	[tilespmem:s11], [sflag:$0x1] =	stream.indirect.gather [hbm4b:s5+s31], $0x80, s3, s31, $0xb8;
	[tilespmem:$0xD980] =	vst v63  }
0x96: {  	_ = 	snop  }
0x97: {  	[tilespmem:s13], [sflag:$0x2] =	stream.indirect.gather [hbm4b:s5+s31], $0x80, s31, s31, $0xb8;
	[tilespmem:$0xD980] =	vst v63  }
.LBB2_6:
0x98: {  	p3 =	seq.s32 s3, $0x19  }
.Ltmp5:
0x99: {  	_ = 	snop;
	(pc) =	sbr.rel @p3 .LBB2_14-.Ltmp5, $1  }
0x9a: {  	_ =	sdelay $0x3  }
.LBB2_7:
0x9b: {  	p5 =	seq.s32 s3, $0x0  }
0x9c: {  	p6 =	seq.s32 @!p5 s3, $0x18  }
0x9d: {  	s31 =	smov.u32 s3;
	s3 =	sadd.s32 $0x1, s3;
	p3 =	por p6, p5  }
0x9e: {  	s16 =	sand.u32 $0x1, s31;
	s9 =	smul.u32 @!p3 $0x320, s3;
	s10 =	sand.u32 @!p3 $0x1, s3  }
0x9f: {  	p4 =	seq.s32 s16, $0x1;
	p2 =	seq.s32 @!p3 s10, $0x1  }
0xa0: {  	s17 =	simm.s32 @!p3 $0x0;
	s9 =	sadd.s32 @!p3 s4, s9;
	p2 =	por @!p5 !p2, p6  }
0xa1: {  	s10 =	simm.s32 @!p3 $0x320;
	p2 =	por !p2, p5;
	s9 =	sshrl.u32 @!p3 s9, $0x3  }
0xa2: {  	s10 =	simm.s32 @!p2 $0x0;
	s16 =	sadd.s32 @!p3 s12, s9;
	s9 =	sadd.s32 @!p3 s6, s9  }
0xa3: {  	[tilespmem:s10], [sflag:$0x7] =	stream.linear.gather @!p3 [hbm4b:s16+s17], $0x320, $0x38;
	[tilespmem:$0xD980] =	vst v63  }
.Ltmp6:
0xa4: {  	s16 =	simm.s32 $0x320;
	s10 =	sadd.s32 @!p3 $0x680, s10;
	(pc) =	sbr.rel .LBB2_8-.Ltmp6, $4  }
0xa5: {  	[tilespmem:s10], [sflag:$0x7] =	stream.linear.gather @!p3 [hbm4b:s9+s17], $0x320, $0x38;
	[tilespmem:$0xD980] =	vst v63  }
0xa6: {  	s30 =	smov.u32 s31;
	s16 =	simm.s32 @!p4 $0x0;
	s17 =	simm.s32 $0xFFFFFD20  }
0xa7: {  	s9 =	sadd.s32 $0x40, s16;
	s22 =	sadd.s32 $0x690, s16;
	p3 =	seq.s32 s31, $0x18  }
0xa8: {  	s16 =	simm.s32 $0x0;
	s17 =	simm.s32 @!p4 $0x40;
	p4 =	sne.s32 s31, $0x18  }
.LBB2_12:
0xa9: {  	p2 =	seq.s32 s20, $0x0  }
0xaa: {  	s19 =	simm.s32 @!p2 $0x5  }
0xab: {  	_ =	swait.ge @!p2 [sflag:s19], $0x1000  }
0xac: {  	[sflag:s19] =	ssyncset.done @!p2 $0x0  }
0xad: {  	s20 =	simm.s32 @p5 $0x1D00;
	[sflag:s19] =	ssyncadd.s32 @!p2 $0xFFFFF000;
	s19 =	simm.s32 @p5 $0x20  }
0xae: {  	[tilespmem:s20], [sflag:$0x2] =	stream.indirect.gather @p5 [hbm4b:s5+s19], $0x80, s10, s19, $0xb8;
	[tilespmem:$0xD980] =	vst v63  }
0xaf: {  	_ =	swait.ge [sflag:s14], $0x1000  }
0xb0: {  	[sflag:s14] =	ssyncset.done $0x0  }
0xb1: {  	[sflag:s14] =	ssyncadd.s32 $0xFFFFF000  }
0xb2: {  	v1 =	vld [tilespmem:s22+$0xFFFFFFF0];
	_ =	sdelay $0x7  }
0xb3: {  	[spmem:s1] =	stream.indirect_vreg.scatter.add.f32 [tilespmem:s15], [sflag:$0x6], $0x80, v1, vm0, $0xb8;
	[tilespmem:$0xD980] =	vst v63  }
0xb4: {  	v1 =	vld [tilespmem:s22+$0x0];
	_ =	sdelay $0x7  }
0xb5: {  	[spmem:s1] =	stream.indirect_vreg.scatter.add.f32 [tilespmem:s18], [sflag:$0x6], $0x80, v1, vm0, $0xb8;
	[tilespmem:$0xD980] =	vst v63  }
.LBB2_13:
0xb6: {  	s16 =	sadd.s32 $0x1, s16  }
0xb7: {  	p2 =	seq.s32 s16, $0x19  }
.Ltmp7:
0xb8: {  	_ = 	snop;
	(pc) =	sbr.rel @p2 .LBB2_6-.Ltmp7, $3  }
0xb9: {  	_ =	sdelay $0x1  }
0xba: {  	s30 =	sadd.s32 $0x1, s30  }
0xbb: {  	s9 =	sadd.s32 $0x20, s9;
	s17 =	sadd.s32 $0x20, s17;
	s22 =	sadd.s32 $0x20, s22  }
.LBB2_8:
0xbc: {  	s10 =	smulhi.u32 $0xAAAAAAAB, s30;
	s19 =	sadd.s32 $0x2, s16  }
0xbd: {  	p2 =	sne.s32 @!p3 s19, $0x19  }
0xbe: {  	s10 =	sshrl.u32 s10, $0x1;
	p2 =	por p2, p3  }
0xbf: {  	s10 =	smul.u32 $0x3, s10;
	s20 =	simm.s32 @!p2 $0x7  }
0xc0: {  	_ =	swait.ge @!p2 [sflag:s20], $0x640  }
0xc1: {  	s19 =	ssub.s32 s30, s10;
	[sflag:s20] =	ssyncset.done @!p2 $0x0  }
0xc2: {  	[sflag:s20] =	ssyncadd.s32 @!p2 $0xFFFFF9C0;
	p2 =	seq.s32 s19, $0x2  }
.Ltmp8:
0xc3: {  	_ = 	snop;
	(pc) =	sbr.rel @p2 .LBB2_12-.Ltmp8, $3  }
0xc4: {  	_ =	sdelay $0x1  }
0xc5: {  	p5 =	slt.u32 s16, $0x17;
	s10 =	smov.u32 s17  }
0xc6: {  	s10 =	smov.u32 @p5 s9;
	p5 =	por p4, p5;
	s20 =	sor.u32 s31, s16  }
0xc7: {  	p2 =	seq.s32 s19, $0x1  }
.Ltmp9:
0xc8: {  	_ = 	snop;
	(pc) =	sbr.rel @!p2 .LBB2_10-.Ltmp9, $1  }
0xc9: {  	_ =	sdelay $0x3  }
0xca: {  	p2 =	seq.s32 s20, $0x0  }
0xcb: {  	s19 =	simm.s32 @!p2 $0x4  }
0xcc: {  	_ =	swait.ge @!p2 [sflag:s19], $0x1000  }
0xcd: {  	[sflag:s19] =	ssyncset.done @!p2 $0x0  }
0xce: {  	s20 =	simm.s32 @p5 $0xD00;
	[sflag:s19] =	ssyncadd.s32 @!p2 $0xFFFFF000;
	s19 =	simm.s32 @p5 $0x20  }
0xcf: {  	[tilespmem:s20], [sflag:$0x1] =	stream.indirect.gather @p5 [hbm4b:s5+s19], $0x80, s10, s19, $0xb8;
	[tilespmem:$0xD980] =	vst v63  }
0xd0: {  	_ =	swait.ge [sflag:s23], $0x1000  }
0xd1: {  	[sflag:s23] =	ssyncset.done $0x0  }
0xd2: {  	[sflag:s23] =	ssyncadd.s32 $0xFFFFF000  }
0xd3: {  	v1 =	vld [tilespmem:s22+$0xFFFFFFF0];
	_ =	sdelay $0x7  }
0xd4: {  	[spmem:s1] =	stream.indirect_vreg.scatter.add.f32 [tilespmem:s13], [sflag:$0x5], $0x80, v1, vm0, $0xb8;
	[tilespmem:$0xD980] =	vst v63  }
0xd5: {  	v1 =	vld [tilespmem:s22+$0x0];
	_ =	sdelay $0x3  }
.Ltmp10:
0xd6: {  	_ = 	snop;
	(pc) =	sbr.rel .LBB2_13-.Ltmp10, $2  }
0xd7: {  	_ =	sdelay $0x2  }
0xd8: {  	[spmem:s1] =	stream.indirect_vreg.scatter.add.f32 [tilespmem:s24], [sflag:$0x5], $0x80, v1, vm0, $0xb8;
	[tilespmem:$0xD980] =	vst v63  }
.LBB2_10:
0xd9: {  	p2 =	seq.s32 s20, $0x0  }
0xda: {  	s19 =	simm.s32 @!p2 $0x6  }
0xdb: {  	_ =	swait.ge @!p2 [sflag:s19], $0x1000  }
0xdc: {  	[sflag:s19] =	ssyncset.done @!p2 $0x0  }
0xdd: {  	s20 =	simm.s32 @p5 $0x2D00;
	[sflag:s19] =	ssyncadd.s32 @!p2 $0xFFFFF000;
	s19 =	simm.s32 @p5 $0x20  }
0xde: {  	[tilespmem:s20], [sflag:$0x3] =	stream.indirect.gather @p5 [hbm4b:s5+s19], $0x80, s10, s19, $0xb8;
	[tilespmem:$0xD980] =	vst v63  }
0xdf: {  	_ =	swait.ge [sflag:s26], $0x1000  }
0xe0: {  	[sflag:s26] =	ssyncset.done $0x0  }
0xe1: {  	[sflag:s26] =	ssyncadd.s32 $0xFFFFF000  }
0xe2: {  	v1 =	vld [tilespmem:s22+$0xFFFFFFF0];
	_ =	sdelay $0x7  }
0xe3: {  	[spmem:s1] =	stream.indirect_vreg.scatter.add.f32 [tilespmem:s11], [sflag:$0x4], $0x80, v1, vm0, $0xb8;
	[tilespmem:$0xD980] =	vst v63  }
0xe4: {  	v1 =	vld [tilespmem:s22+$0x0];
	_ =	sdelay $0x3  }
.Ltmp11:
0xe5: {  	_ = 	snop;
	(pc) =	sbr.rel .LBB2_13-.Ltmp11, $2  }
0xe6: {  	_ =	sdelay $0x2  }
0xe7: {  	[spmem:s1] =	stream.indirect_vreg.scatter.add.f32 [tilespmem:s28], [sflag:$0x4], $0x80, v1, vm0, $0xb8;
	[tilespmem:$0xD980] =	vst v63  }
.LBB2_15:
0xe8: {  	_ =	sfence.sel $0x180000  }
0xe9: {  	[bflag:$0x0] =	sbarrier.arrive $0xFFFF  }
0xea: {  	_ =	strace $0x9000004A  }
0xeb: {  	[bflag:$0x2] =	sbarrier.arrive $0xFFFF  }
0xec: {  	p0 =	sne.s32 s2, $0x0;
	s0 =	rddreg [dreg:$0x2]  }
0xed: {  	s0 =	sadd.s32 @!p0 $0x100000, s0  }
0xee: {  	[sflag:s0] =	ssyncadd.tile.s32 @!p0 $0x1;
	_ =	shalt  }
.Lfunc_end2:
_tile_overlayer_lowered:
.L_overlay_start_2:
0xef: {  	(tag) =	ssettag $0x2  }
0xf0: {  	s0 =	rddreg [dreg:$0x0];
	s2 =	stileid.u32  }
0xf1: {  	s1 =	rddreg [dreg:$0x1];
	p0 =	sne.s32 s2, $0x0  }
0xf2: {  	s3 =	rddreg [dreg:$0x2];
	[bflag:$0x3] =	sbarrier.arrive $0xFFFF;
	s2 =	simm.s32 @!p0 $0x1C08  }
0xf3: {  	[timem:s3], [sflag:s2] =	dma.local @!p0 [hbm:s0], s1  }
0xf4: {  	s0 =	simm.s32 @!p0 $0x8  }
0xf5: {  	_ =	swait.ge @!p0 [sflag:s0], s1  }
0xf6: {  	s1 =	ssub.s32 @!p0 $0x0, s1;
	[sflag:s0] =	ssyncset.done @!p0 $0x0  }
0xf7: {  	[sflag:s0] =	ssyncadd.s32 @!p0 s1  }
0xf8: {  	[bflag:$0x3] =	sbarrier.arrive $0xFFFF  }
0xf9: {  	_ =	shalt  }

// kernel: kernel.16.cloned.1.call-start
scs
__scs_entry_jumppad:
0x0: {  	(pc) =	sbr.rel $0x88, $3  }
0x1: {  	(tag) =	ssettag $0x0;
	lr =	simm.s32 $0x1  }
0x2: {  	[smem:$0x3F98] =	sst lr;
	_ =	strace $0xD0000000  }
0x3: {  	_ = 	snop  }
0x4: {  	_ = 	snop  }
0x5: {  	_ = 	snop  }
0x6: {  	_ = 	snop  }
0x7: {  	_ = 	snop  }
__scs_overlays_trampoline_lowered:
0x8: {  	[smem:$0x3FA7] =	sst s0  }
0x9: {  	[smem:$0x3FA8] =	sst s1  }
0xa: {  	[smem:$0x3FA9] =	sst s2  }
0xb: {  	[smem:$0x3FAA] =	sst s3  }
0xc: {  	[smem:$0x3FAB] =	sst s4  }
0xd: {  	[smem:$0x3FAC] =	sst s5  }
0xe: {  	[smem:$0x3FAD] =	sst s6  }
0xf: {  	[smem:$0x3FAE] =	sst s7  }
0x10: {  	[smem:$0x3FAF] =	sst s8  }
0x11: {  	[smem:$0x3FB0] =	sst s9;
	s0 =	simm.s32 @!p0 $0x0  }
0x12: {  	s1 =	sld [smem:$0x3F96];
	s0 =	simm.s32 @p0 $0x1  }
0x13: {  	[smem:$0x3FB1] =	sst s0;
	s0 =	simm.s32 @!p1 $0x0  }
0x14: {  	s2 =	sld [smem:$0x3F95];
	s0 =	simm.s32 @p1 $0x1  }
0x15: {  	[smem:$0x3FB2] =	sst s0;
	s0 =	simm.s32 @!p2 $0x0  }
0x16: {  	s3 =	sld [smem:$0x3FDB];
	s0 =	simm.s32 @p2 $0x1  }
0x17: {  	s4 =	simm.s32 $0x1BF5;
	[smem:$0x3FB4] =	sst s0  }
0x18: {  	s0 =	sld [smem:$0x3F97];
	_ =	swait.ge [sflag:s4], $0x0  }
0x19: {  	s7 =	sld [smem:$0x3F98]  }
0x1a: {  	s8 =	sadd.s32 $0xFFFFE003, lr  }
0x1b: {  	s9 =	sadd.s32 $0xFFFFFEF7, lr;
	s5 =	simm.s32 $0xFFFFFFFF;
	p2 =	slt.u32 s8, $0xFFFFF086  }
0x1c: {  	p1 =	slt.u32 s9, $0xF7A;
	s5 =	simm.s32 @!p2 $0x0  }
0x1d: {  	s5 =	simm.s32 @p1 $0x1;
	p0 =	seq.s32 s7, s2  }
0x1e: {  	s7 =	smul.u32 @!p0 $0xF7A, s2;
	p2 =	seq.s32 @!p0 s5, $0x0  }
0x1f: {  	s9 =	smul.u32 $0xF7A, s1;
	s8 =	simm.s32 @!p0 $0x1BF5;
	p2 =	por !p2, p0  }
0x20: {  	[sflag:s8] =	ssyncset.s32 @!p0 $0xFFFFF086;
	s6 =	sadd.s32 @!p0 s3, s7;
	s7 =	simm.s32 @!p0 $0x108  }
0x21: {  	s3 =	sadd.s32 s3, s9;
	s6 =	sadd.s32 @!p0 $0x88, s6;
	s7 =	simm.s32 @p2 $0x1082  }
0x22: {  	[simem:s7], [sflag:s8] =	dma.local @!p0 [hbm:s6], $0xF7A  }
0x23: {  	s9 =	sor.u32 $0xD0000000, s2;
	s6 =	simm.s32 $0x108;
	_ =	swait.ge @!p0 [sflag:s8], $0x0  }
0x24: {  	s3 =	sadd.s32 $0x88, s3;
	s6 =	simm.s32 @!p1 $0x1082;
	[sflag:s4] =	ssyncset.s32 $0xFFFFF086  }
0x25: {  	[simem:s6], [sflag:s4] =	dma.local [hbm:s3], $0xF7A  }
0x26: {  	[smem:$0x3F98] =	sst s1;
	(tag) =	ssettag s2;
	_ =	strace s9  }
0x27: {  	s1 =	sld [smem:$0x3FA8]  }
0x28: {  	s2 =	sld [smem:$0x3FA9]  }
0x29: {  	s4 =	sld [smem:$0x3FAB]  }
0x2a: {  	p0 =	seq.s32 s5, $0x0;
	s5 =	sld [smem:$0x3FAC]  }
0x2b: {  	s6 =	sld [smem:$0x3FAD]  }
0x2c: {  	s7 =	sld [smem:$0x3FAE]  }
0x2d: {  	s3 =	simm.s32 $0x108;
	s8 =	sld [smem:$0x3FAF]  }
0x2e: {  	s3 =	simm.s32 @!p0 $0x1082;
	s9 =	sld [smem:$0x3FB0]  }
0x2f: {  	lr =	sadd.s32 s0, s3;
	s0 =	sld [smem:$0x3FA7]  }
0x30: {  	s3 =	sld [smem:$0x3FAA]  }
0x31: {  	[smem:$0x3FB3] =	sst s10  }
0x32: {  	s10 =	sld [smem:$0x3FB1];
	_ =	sdelay $0x3  }
0x33: {  	p0 =	seq.s32 s10, $0x1;
	s10 =	sld [smem:$0x3FB3];
	_ =	sdelay $0x3  }
0x34: {  	[smem:$0x3FB3] =	sst s10  }
0x35: {  	s10 =	sld [smem:$0x3FB2];
	_ =	sdelay $0x3  }
0x36: {  	p1 =	seq.s32 s10, $0x1;
	s10 =	sld [smem:$0x3FB3];
	_ =	sdelay $0x3  }
0x37: {  	[smem:$0x3FB3] =	sst s10  }
0x38: {  	s10 =	sld [smem:$0x3FB4]  }
0x39: {  	_ = 	snop;
	(pc) =	sbr.ind lr, $3  }
0x3a: {  	_ = 	snop  }
0x3b: {  	_ = 	snop  }
0x3c: {  	p2 =	seq.s32 s10, $0x1;
	s10 =	sld [smem:$0x3FB3]  }
0x3d: {  	_ =	shalt  }
0x3e: {  	_ =	shalt  }
0x3f: {  	_ =	shalt  }
0x40: {  	_ =	shalt  }
0x41: {  	_ =	shalt  }
0x42: {  	_ =	shalt  }
0x43: {  	_ =	shalt  }
0x44: {  	_ =	shalt  }
0x45: {  	_ =	shalt  }
0x46: {  	_ =	shalt  }
0x47: {  	_ =	shalt  }
0x48: {  	_ =	shalt  }
0x49: {  	_ =	shalt  }
0x4a: {  	_ =	shalt  }
0x4b: {  	_ =	shalt  }
0x4c: {  	_ =	shalt  }
0x4d: {  	_ =	shalt  }
0x4e: {  	_ =	shalt  }
0x4f: {  	_ =	shalt  }
0x50: {  	_ =	shalt  }
0x51: {  	_ =	shalt  }
0x52: {  	_ =	shalt  }
0x53: {  	_ =	shalt  }
0x54: {  	_ =	shalt  }
0x55: {  	_ =	shalt  }
0x56: {  	_ =	shalt  }
0x57: {  	_ =	shalt  }
0x58: {  	_ =	shalt  }
0x59: {  	_ =	shalt  }
0x5a: {  	_ =	shalt  }
0x5b: {  	_ =	shalt  }
0x5c: {  	_ =	shalt  }
0x5d: {  	_ =	shalt  }
0x5e: {  	_ =	shalt  }
0x5f: {  	_ =	shalt  }
0x60: {  	_ =	shalt  }
0x61: {  	_ =	shalt  }
0x62: {  	_ =	shalt  }
0x63: {  	_ =	shalt  }
0x64: {  	_ =	shalt  }
0x65: {  	_ =	shalt  }
0x66: {  	_ =	shalt  }
0x67: {  	_ =	shalt  }
0x68: {  	_ =	shalt  }
0x69: {  	_ =	shalt  }
0x6a: {  	_ =	shalt  }
0x6b: {  	_ =	shalt  }
0x6c: {  	_ =	shalt  }
0x6d: {  	_ =	shalt  }
0x6e: {  	_ =	shalt  }
0x6f: {  	_ =	shalt  }
0x70: {  	_ =	shalt  }
0x71: {  	_ =	shalt  }
0x72: {  	_ =	shalt  }
0x73: {  	_ =	shalt  }
0x74: {  	_ =	shalt  }
0x75: {  	_ =	shalt  }
0x76: {  	_ =	shalt  }
0x77: {  	_ =	shalt  }
0x78: {  	_ =	shalt  }
0x79: {  	_ =	shalt  }
0x7a: {  	_ =	shalt  }
0x7b: {  	_ =	shalt  }
0x7c: {  	_ =	shalt  }
0x7d: {  	_ =	shalt  }
0x7e: {  	_ =	shalt  }
0x7f: {  	_ =	shalt  }
0x80: {  	_ =	shalt  }
0x81: {  	_ =	shalt  }
0x82: {  	_ =	shalt  }
0x83: {  	_ =	shalt  }
0x84: {  	_ =	shalt  }
0x85: {  	_ =	shalt  }
0x86: {  	_ =	shalt  }
0x87: {  	_ =	shalt  }
.Lfunc_end0:
.L_simem_size_0:
called_computation.2_lowered:
.L_overlay_start_0:
0x88: {  	s2 =	sld [smem:$0x3FD9]  }
0x89: {  	s3 =	sld [smem:$0x3FFE];
	_ =	sdelay $0x1  }
0x8a: {  	s1 =	srdreg.scid  }
0x8b: {  	s0 =	sand.u32 $0x1, s1  }
0x8c: {  	s16 =	sshll.u32 s0, $0xA;
	s2 =	sadd.s32 s3, s2  }
0x8d: {  	s2 =	sadd.s32 s2, s16  }
0x8e: {  	[smem:$0x3FBF] =	sst s2  }
0x8f: {  	_ = 	snop  }
0x90: {  	(tm) =	ssettm $0x1  }
0x91: {  	s17 =	sld [smem:$0x3FFB];
	_ =	sdelay $0x3  }
0x92: {  	_ =	strace s17  }
0x93: {  	s2 =	sld [smem:$0x3FFC];
	_ =	sdelay $0x3  }
0x94: {  	_ =	strace s2  }
0x95: {  	s2 =	sld [smem:$0x3FFD];
	_ =	sdelay $0x3  }
0x96: {  	_ =	strace s2  }
0x97: {  	_ =	strace $0x8FFFFFFF  }
0x98: {  	s18 =	sld [smem:$0x3FDB];
	_ =	sdelay $0x1  }
0x99: {  	s19 =	simm.s32 $_scs_section_size  }
0x9a: {  	s4 =	simm.s32 $_size__tile_overlayer_lowered;
	s5 =	simm.s32 $_tile_overlayer_lowered  }
0x9b: {  	s22 =	simm.s32 $0x1BFF;
	s21 =	sshll.u32 s5, $0x1;
	s2 =	sadd.s32 s19, s18  }
0x9c: {  	s6 =	simm.s32 $0x0;
	s20 =	sshll.u32 s4, $0x1;
	s4 =	sadd.s32 s21, s2  }
0x9d: {  	[timem:s6], [sflag:s22] =	dma.local [hbm:s4], s20  }
0x9e: {  	_ =	swait.ge [sflag:s22], s20  }
0x9f: {  	s3 =	ssub.s32 $0x0, s20;
	[sflag:s22] =	ssyncset.done $0x0  }
0xa0: {  	[sflag:s22] =	ssyncadd.s32 s3;
	_ =	sdelay $0x1  }
0xa1: {  	s23 =	simm.s32 $0x1B8B  }
0xa2: {  	_ =	swait.ge [sflag:s23], $0x1  }
0xa3: {  	[sflag:s23] =	ssyncset.done $0x0  }
0xa4: {  	s25 =	simm.s32 $0x1B8E;
	s24 =	sld [smem:$0x3FFE];
	[sflag:s23] =	ssyncadd.s32 $0xFFFFFFFF  }
0xa5: {  	s26 =	simm.s32 $execute0_lowered;
	[smem:$0x3FD2] =	sst s25  }
0xa6: {  	s4 =	sshll.u32 s26, $0x1;
	_ =	strace $0x8000004C;
	[dreg:$0x1] =	wrdreg $0xFFFFFFFF  }
0xa7: {  	s28 =	simm.s32 $_size_execute0_lowered;
	s2 =	sadd.s32 s2, s4;
	[dreg:$0x0] =	wrdreg $0x0  }
0xa8: {  	s4 =	sshll.u32 s28, $0x1;
	[dreg:$0x2] =	wrdreg s2  }
0xa9: {  	[dreg:$0x3] =	wrdreg s4  }
0xaa: {  	[dreg:$0x4] =	wrdreg $0xC0  }
0xab: {  	_ =	task [dreg:s6], $0x5FFFF  }
0xac: {  	[dreg:$0x1] =	wrdreg $0xFFFFFFFF  }
0xad: {  	[dreg:$0x0] =	wrdreg $0x60  }
0xae: {  	[dreg:$0x2] =	wrdreg s24  }
0xaf: {  	[dreg:$0x3] =	wrdreg $0x3D000  }
0xb0: {  	[dreg:$0x4] =	wrdreg $0x9  }
0xb1: {  	_ =	task.clear_ibuf [dreg:s6], $0x5FFFF;
	_ =	strace $0x9000004C  }
0xb2: {  	s29 =	simm.s32 $0x9;
	_ =	strace $0x8000004E  }
0xb3: {  	_ =	swait.ge [sflag:s29], $0x1  }
0xb4: {  	[sflag:s29] =	ssyncadd.s32 $0xFFFFFFFF  }
0xb5: {  	_ =	strace $0x9000004E  }
0xb6: {  	_ =	sfence  }
0xb7: {  	s30 =	sld [smem:$0x0];
	_ =	sdelay $0x2  }
0xb8: {  	s31 =	sshll.u32 s1, $0xD;
	s1 =	sshrl.u32 s1, $0x2  }
0xb9: {  	s3 =	sand.u32 $0x4000, s31;
	s1 =	sadd.s32 s1, s30  }
0xba: {  	s0 =	sor.u32 s3, s0;
	s1 =	sshll.u32 s1, $0x11  }
0xbb: {  	s0 =	sor.u32 s1, s0  }
0xbc: {  	s0 =	sadd.s32 $0x8F2B, s0  }
0xbd: {  	[sflag:s0] =	ssyncadd.remote.s32 $0x1  }
0xbe: {  	_ =	sfence.sel $0xFFFF  }
0xbf: {  	[dreg:$0x0] =	wrdreg $0xFFFFFFFF;
	(pc) =	sbr.abs _section_cstart, $3  }
0xc0: {  	[dreg:$0x1] =	wrdreg $0xFFFFFFFF  }
0xc1: {  	_ =	task.clear_ibuf [dreg:s6], $0x2FFFF;
	_ =	strace $0x9FFFFFFF  }
0xc2: {  	(tm) =	ssettm $0x7FFFFFFF  }
0xc3: {  	_ =	shalt  }
tec
execute0_lowered:
.L_overlay_start_1:
0x0: {  	(tag) =	ssettag $0x1  }
0x1: {  	s0 =	rddreg [dreg:$0x0]  }
0x2: {  	s1 =	rddreg [dreg:$0x1];
	s2 =	simm.s32 $0x0  }
0x3: {  	s3 =	srdreg.scid;
	s28 =	simm.s32 $0x1500;
	s29 =	simm.s32 $0x0  }
0x4: {  	[smem:$0x7FF] =	sst s2;
	s2 =	stileid.u32;
	s3 =	sand.u32 $0x1, s3  }
0x5: {  	s5 =	sadd.s32 $0x32400, s0;
	s6 =	sadd.s32 $0x28600, s0;
	s7 =	sadd.s32 $0x80600, s0  }
0x6: {  	s8 =	sadd.s32 $0x94000, s0;
	_ =	strace $0x8000004D;
	s4 =	smul.u32 $0x4E20, s2  }
0x7: {  	s9 =	ssub.s32 $0x2, s3;
	s13 =	smul.u32 $0x5000, s2;
	s14 =	sor.u32 $0x10, s2  }
0x8: {  	p0 =	seq.s32 s3, $0x0;
	s30 =	sor.u32 $0x20, s2;
	s25 =	smul.u32 $0x5000, s14  }
0x9: {  	s16 =	sor.u32 $0x40, s2;
	s18 =	sor.u32 $0x70, s2;
	s26 =	smul.u32 $0x280, s14  }
0xa: {  	p1 =	sne.s32 s3, $0x0;
	s19 =	sor.u32 $0x50, s2;
	s31 =	smul.u32 $0x5000, s30  }
0xb: {  	s22 =	sor.u32 $0x60, s2;
	s10 =	sshrl.u32 s9, $0x1;
	s17 =	smul.u32 $0x5000, s16  }
0xc: {  	s14 =	sor.u32 $0x30, s2;
	s21 =	smul.u32 $0x5000, s19;
	s11 =	sshrl.u32 s4, $0x3  }
0xd: {  	s9 =	ssub.s32 s9, s10;
	s13 =	sshrl.u32 s13, $0x2;
	s15 =	smul.u32 $0x5000, s14  }
0xe: {  	s23 =	sadd.s32 $0x64, s11;
	s12 =	sadd.s32 s6, s11;
	[dreg:$0x6] =	wrdreg s26  }
0xf: {  	s9 =	smax.u32 s9, $0x1;
	s26 =	smul.u32 $0x280, s18;
	[dreg:$0x3] =	wrdreg s12  }
0x10: {  	s24 =	sadd.s32 s6, s23;
	s12 =	simm.s32 $0x3E00;
	[dreg:$0x5] =	wrdreg s9  }
0x11: {  	s9 =	sshrl.u32 s25, $0x2;
	s20 =	sshrl.u32 s15, $0x2;
	s15 =	smul.u32 $0x5000, s22  }
0x12: {  	[dreg:$0x4] =	wrdreg s24;
	s12 =	simm.s32 @!p0 $0x1E800;
	s9 =	sadd.s32 s9, s1  }
0x13: {  	p0 =	sgt.u32 s18, $0x7C;
	[dreg:$0x11] =	wrdreg s26;
	s26 =	simm.s32 $0x1  }
0x14: {  	s12 =	sadd.s32 s12, s0;
	s0 =	smul.u32 $0x280, s30;
	p2 =	sne.s32 @!p0 s3, $0x0  }
0x15: {  	s3 =	sadd.s32 s20, s1;
	s24 =	sshrl.u32 s15, $0x2;
	s9 =	sshrl.u32 s9, $0x3  }
0x16: {  	s30 =	sshll.u32 s2, $0xB;
	s11 =	sadd.s32 s12, s11;
	[dreg:$0x12] =	wrdreg s9  }
0x17: {  	s15 =	simm.s32 $0x2D00;
	s10 =	sadd.s32 s12, s23;
	[dreg:$0x7] =	wrdreg s11  }
0x18: {  	s23 =	smul.u32 $0x5000, s18;
	s3 =	sshrl.u32 s3, $0x3;
	[dreg:$0x8] =	wrdreg s10  }
0x19: {  	p2 =	por !p2, p0;
	s18 =	simm.s32 $0x3500;
	[dreg:$0x9] =	wrdreg s0  }
0x1a: {  	s11 =	sadd.s32 s13, s1;
	s0 =	smul.u32 $0x280, s14;
	[dreg:$0x13] =	wrdreg s3  }
0x1b: {  	s10 =	sshrl.u32 s31, $0x2;
	s13 =	sshrl.u32 s17, $0x2;
	[dreg:$0xa] =	wrdreg s11  }
0x1c: {  	s14 =	simm.s32 $0x3;
	s10 =	sadd.s32 s10, s1;
	[dreg:$0xb] =	wrdreg s0  }
0x1d: {  	s13 =	sadd.s32 s13, s1;
	[dreg:$0xc] =	wrdreg s10;
	s0 =	smul.u32 $0x280, s16  }
0x1e: {  	s11 =	smul.u32 $0x280, s22;
	s25 =	sshrl.u32 s23, $0x2;
	[dreg:$0xe] =	wrdreg s13  }
0x1f: {  	s23 =	simm.s32 $0x2;
	[dreg:$0xd] =	wrdreg s0;
	s0 =	smul.u32 $0x280, s19  }
0x20: {  	s10 =	sshrl.u32 s21, $0x2;
	s13 =	simm.s32 $0x1D00;
	[dreg:$0x10] =	wrdreg s11  }
0x21: {  	s10 =	sadd.s32 s10, s1;
	[dreg:$0xf] =	wrdreg s0;
	s0 =	sadd.s32 s24, s1  }
.Ltmp0:
0x22: {  	s11 =	sadd.s32 s25, s1;
	s0 =	sshrl.u32 s0, $0x3;
	(pc) =	sbr.rel .LBB2_1-.Ltmp0, $4  }
0x23: {  	s31 =	sshrl.u32 s10, $0x3;
	[dreg:$0x15] =	wrdreg s0;
	s0 =	simm.s32 @!p2 $0x0  }
0x24: {  	s25 =	sadd.s32 s30, s1;
	[dreg:$0x14] =	wrdreg s31;
	s0 =	simm.s32 @p2 $0x1  }
0x25: {  	s24 =	simm.s32 $0x2500;
	[smem:$0x7FD] =	sst s0;
	s0 =	sshrl.u32 @!p0 s11, $0x3  }
0x26: {  	v0 =	vimm.f32 $0.0e+00;
	vm0 =	vmmov $0xffff;
	s11 =	simm.s32 $0xD00;
	[dreg:$0x16] =	wrdreg s0;
	s0 =	smul.u32 $0x280, s2  }
.LBB2_14:
0x27: {  	s3 =	simm.s32 $0x4  }
0x28: {  	_ =	swait.ge [sflag:s3], $0x1000  }
0x29: {  	[sflag:s3] =	ssyncset.done $0x0  }
0x2a: {  	[sflag:s3] =	ssyncadd.s32 $0xFFFFF000  }
0x2b: {  	[bflag:$0x0] =	sbarrier.arrive $0xFFFF  }
0x2c: {  	s3 =	sshll.u32 @p1 s2, $0x6;
	s17 =	rddreg [dreg:$0xa]  }
0x2d: {  	s9 =	sadd.s32 @p1 s8, s0;
	s3 =	sor.u32 @p1 $0x1C08, s3;
	s10 =	sshrl.u32 @p1 s17, $0x3  }
0x2e: {  	[hbm:s9], [sflag:s3] =	dma.local @p1 [spmem:s10], $0x280  }
0x2f: {  	s9 =	simm.s32 @p1 $0x8  }
0x30: {  	_ =	swait.ge @p1 [sflag:s9], $0x280  }
0x31: {  	s16 =	sadd.s32 @!p1 s7, s0;
	s10 =	sshll.u32 @!p1 s2, $0x6;
	[sflag:s9] =	ssyncset.done @p1 $0x0  }
0x32: {  	s17 =	sshrl.u32 @!p1 s17, $0x3;
	s10 =	sor.u32 @!p1 $0x1C09, s10;
	[sflag:s9] =	ssyncadd.s32 @p1 $0xFFFFFD80  }
0x33: {  	[hbm:s16], [sflag:s10] =	dma.local @!p1 [spmem:s17], $0x280  }
0x34: {  	s19 =	smov.u32 s7;
	s16 =	simm.s32 @!p1 $0x9  }
0x35: {  	s20 =	sshll.u32 s2, $0x6;
	s17 =	simm.s32 @!p1 $0x9;
	_ =	swait.ge @!p1 [sflag:s16], $0x280  }
0x36: {  	s19 =	smov.u32 @p1 s8;
	s17 =	simm.s32 @p1 $0x8;
	s22 =	rddreg [dreg:$0x6]  }
0x37: {  	[sflag:s16] =	ssyncset.done @!p1 $0x0;
	s20 =	sadd.s32 s17, s20;
	s21 =	rddreg [dreg:$0x12]  }
0x38: {  	[sflag:s16] =	ssyncadd.s32 @!p1 $0xFFFFFD80;
	s22 =	sadd.s32 s19, s22;
	s20 =	sadd.s32 $0x1C00, s20  }
0x39: {  	[hbm:s22], [sflag:s20] =	dma.local [spmem:s21], $0x280  }
0x3a: {  	_ =	swait.ge [sflag:s17], $0x280  }
0x3b: {  	s31 =	rddreg [dreg:$0x9]  }
0x3c: {  	[sflag:s17] =	ssyncset.done $0x0;
	s21 =	rddreg [dreg:$0xc]  }
0x3d: {  	[sflag:s17] =	ssyncadd.s32 $0xFFFFFD80;
	s22 =	sadd.s32 @p1 s8, s31;
	s30 =	sshrl.u32 @p1 s21, $0x3  }
0x3e: {  	[hbm:s22], [sflag:s3] =	dma.local @p1 [spmem:s30], $0x280  }
0x3f: {  	_ =	swait.ge @p1 [sflag:s9], $0x280  }
0x40: {  	[sflag:s9] =	ssyncset.done @p1 $0x0  }
0x41: {  	s22 =	sadd.s32 @!p1 s7, s31;
	s30 =	sshrl.u32 @!p1 s21, $0x3;
	[sflag:s9] =	ssyncadd.s32 @p1 $0xFFFFFD80  }
0x42: {  	[hbm:s22], [sflag:s10] =	dma.local @!p1 [spmem:s30], $0x280  }
0x43: {  	_ =	swait.ge @!p1 [sflag:s16], $0x280  }
0x44: {  	[sflag:s16] =	ssyncset.done @!p1 $0x0;
	s30 =	rddreg [dreg:$0xb]  }
0x45: {  	s31 =	rddreg [dreg:$0x13];
	[sflag:s16] =	ssyncadd.s32 @!p1 $0xFFFFFD80;
	s22 =	sadd.s32 s19, s30  }
0x46: {  	[hbm:s22], [sflag:s20] =	dma.local [spmem:s31], $0x280  }
0x47: {  	_ =	swait.ge [sflag:s17], $0x280  }
0x48: {  	s21 =	rddreg [dreg:$0xd]  }
0x49: {  	[sflag:s17] =	ssyncset.done $0x0;
	s31 =	rddreg [dreg:$0xe]  }
0x4a: {  	[sflag:s17] =	ssyncadd.s32 $0xFFFFFD80;
	s22 =	sadd.s32 @p1 s8, s21;
	s30 =	sshrl.u32 @p1 s31, $0x3  }
0x4b: {  	[hbm:s22], [sflag:s3] =	dma.local @p1 [spmem:s30], $0x280  }
0x4c: {  	_ =	swait.ge @p1 [sflag:s9], $0x280  }
0x4d: {  	[sflag:s9] =	ssyncset.done @p1 $0x0  }
0x4e: {  	s3 =	sadd.s32 @!p1 s7, s21;
	[sflag:s9] =	ssyncadd.s32 @p1 $0xFFFFFD80;
	s9 =	sshrl.u32 @!p1 s31, $0x3  }
0x4f: {  	[hbm:s3], [sflag:s10] =	dma.local @!p1 [spmem:s9], $0x280  }
0x50: {  	_ =	swait.ge @!p1 [sflag:s16], $0x280  }
0x51: {  	[sflag:s16] =	ssyncset.done @!p1 $0x0;
	s10 =	rddreg [dreg:$0xf]  }
0x52: {  	[sflag:s16] =	ssyncadd.s32 @!p1 $0xFFFFFD80;
	s3 =	sadd.s32 s19, s10;
	s16 =	rddreg [dreg:$0x14]  }
0x53: {  	[hbm:s3], [sflag:s20] =	dma.local [spmem:s16], $0x280  }
0x54: {  	_ =	swait.ge [sflag:s17], $0x280  }
0x55: {  	[sflag:s17] =	ssyncset.done $0x0;
	s21 =	rddreg [dreg:$0x10]  }
0x56: {  	s22 =	rddreg [dreg:$0x15];
	[sflag:s17] =	ssyncadd.s32 $0xFFFFFD80;
	s3 =	sadd.s32 s19, s21  }
0x57: {  	[hbm:s3], [sflag:s20] =	dma.local [spmem:s22], $0x280  }
0x58: {  	_ =	swait.ge [sflag:s17], $0x280  }
0x59: {  	s30 =	sld [smem:$0x7FD];
	_ =	sdelay $0x1  }
0x5a: {  	s9 =	smov.u32 s8  }
0x5b: {  	s10 =	sshll.u32 @!p0 s2, $0x6;
	s3 =	simm.s32 @!p0 $0x8;
	p2 =	seq.s32 s30, $0x1  }
0x5c: {  	[sflag:s17] =	ssyncset.done $0x0;
	s16 =	rddreg [dreg:$0x11];
	s3 =	simm.s32 @p2 $0x9  }
0x5d: {  	[sflag:s17] =	ssyncadd.s32 $0xFFFFFD80;
	s9 =	smov.u32 @p2 s7;
	s10 =	sadd.s32 @!p0 s3, s10  }
0x5e: {  	s9 =	sadd.s32 @!p0 s9, s16;
	s16 =	rddreg [dreg:$0x16];
	s10 =	sadd.s32 @!p0 $0x1C00, s10  }
0x5f: {  	[hbm:s9], [sflag:s10] =	dma.local @!p0 [spmem:s16], $0x280  }
0x60: {  	_ =	swait.ge @!p0 [sflag:s3], $0x280  }
0x61: {  	s29 =	sadd.s32 $0x1, s29;
	s31 =	rddreg [dreg:$0x5]  }
0x62: {  	p2 =	sne.s32 s29, s31  }
.Ltmp1:
0x63: {  	_ = 	snop;
	(pc) =	sbr.rel @!p2 .LBB2_15-.Ltmp1, $3  }
0x64: {  	_ =	sdelay $0x1  }
0x65: {  	[sflag:s3] =	ssyncset.done @!p0 $0x0  }
0x66: {  	[sflag:s3] =	ssyncadd.s32 @!p0 $0xFFFFFD80  }
.LBB2_1:
0x67: {  	s3 =	simm.s32 $0x0;
	s9 =	rddreg [dreg:$0x7]  }
0x68: {  	[tilespmem:s3], [sflag:$0x7] =	stream.linear.gather [hbm4b:s9+s3], $0x320, $0x38;
	[tilespmem:$0xD980] =	vst v63  }
0x69: {  	s20 =	rddreg [dreg:$0x3];
	s10 =	simm.s32 $0x680  }
0x6a: {  	[tilespmem:s10], [sflag:$0x7] =	stream.linear.gather [hbm4b:s20+s3], $0x320, $0x38;
	[tilespmem:$0xD980] =	vst v63  }
0x6b: {  	s21 =	rddreg [dreg:$0x8];
	s22 =	simm.s32 $0x320  }
0x6c: {  	[tilespmem:s22], [sflag:$0x7] =	stream.linear.gather [hbm4b:s21+s3], $0x320, $0x38;
	[tilespmem:$0xD980] =	vst v63  }
0x6d: {  	s30 =	rddreg [dreg:$0x4];
	s31 =	simm.s32 $0x9A0  }
0x6e: {  	[tilespmem:s31], [sflag:$0x7] =	stream.linear.gather [hbm4b:s30+s3], $0x320, $0x38;
	[tilespmem:$0xD980] =	vst v63  }
0x6f: {  	s9 =	simm.s32 $0x200;
	s3 =	simm.s32 $0x0  }
.LBB2_2:
0x70: {  	p3 =	sne.s32 s9, $0x1E00;
	[tilespmem:s3+$0xD70] =	vst v0  }
0x71: {  	[tilespmem:s3+$0xD00] =	vst v0  }
0x72: {  	[tilespmem:s3+$0xD10] =	vst v0  }
.Ltmp2:
0x73: {  	[tilespmem:s3+$0xD20] =	vst v0;
	(pc) =	sbr.rel @p3 .LBB2_2-.Ltmp2, $4  }
0x74: {  	[tilespmem:s3+$0xD30] =	vst v0  }
0x75: {  	[tilespmem:s3+$0xD40] =	vst v0  }
0x76: {  	[tilespmem:s3+$0xD50] =	vst v0  }
0x77: {  	[tilespmem:s3+$0xD60] =	vst v0;
	s3 =	sshra.s32 s9, $0x2;
	s9 =	sadd.s32 $0x200, s9  }
0x78: {  	[tilespmem:s3+$0xD70] =	vst v0  }
0x79: {  	[tilespmem:s3+$0xD00] =	vst v0  }
0x7a: {  	[tilespmem:s3+$0xD10] =	vst v0  }
0x7b: {  	[tilespmem:s3+$0xD20] =	vst v0  }
0x7c: {  	[tilespmem:s3+$0xD30] =	vst v0  }
0x7d: {  	[tilespmem:s3+$0xD40] =	vst v0;
	s9 =	sadd.s32 $0x0, s2  }
0x7e: {  	[tilespmem:s3+$0xD50] =	vst v0;
	p3 =	sgt.u32 s9, $0x138  }
0x7f: {  	[tilespmem:s3+$0xD60] =	vst v0;
	s3 =	simm.s32 @!p3 $0xD00;
	s16 =	simm.s32 @!p3 $0x8  }
0x80: {  	[spmem:s25] =	stream.linear.scatter @!p3 [tilespmem:s3], [sflag:$0x8], $0x800, $0x38;
	[tilespmem:$0xD980] =	vst v63  }
0x81: {  	s10 =	simm.s32 $0x20;
	_ =	swait.ge @!p3 [sflag:s16], $0x800  }
0x82: {  	s9 =	simm.s32 $0x10;
	s3 =	sadd.s32 $0x8000, s25;
	[sflag:s16] =	ssyncset.done @!p3 $0x0  }
.LBB2_4:
0x83: {  	s17 =	sadd.s32 s9, s2;
	s9 =	smov.u32 s10;
	s10 =	sadd.s32 $0x10, s10  }
0x84: {  	[sflag:s16] =	ssyncadd.s32 @!p3 $0xFFFFF800;
	p4 =	sne.s32 s10, $0x140  }
.Ltmp3:
0x85: {  	p3 =	sgt.u32 s17, $0x138;
	(pc) =	sbr.rel @p4 .LBB2_4-.Ltmp3, $4  }
0x86: {  	s17 =	simm.s32 @!p3 $0xD00;
	s16 =	simm.s32 @!p3 $0x8  }
0x87: {  	[spmem:s3] =	stream.linear.scatter @!p3 [tilespmem:s17], [sflag:$0x8], $0x800, $0x38;
	[tilespmem:$0xD980] =	vst v63  }
0x88: {  	_ =	swait.ge @!p3 [sflag:s16], $0x800  }
0x89: {  	s3 =	sadd.s32 $0x8000, s3;
	[sflag:s16] =	ssyncset.done @!p3 $0x0  }
0x8a: {  	s9 =	sadd.s32 s9, s2  }
0x8b: {  	p4 =	sgt.u32 s9, $0x138  }
0x8c: {  	[sflag:s16] =	ssyncadd.s32 @!p3 $0xFFFFF800;
	s9 =	simm.s32 @!p4 $0xD00;
	s10 =	simm.s32 @!p4 $0x8  }
0x8d: {  	[spmem:s3] =	stream.linear.scatter @!p4 [tilespmem:s9], [sflag:$0x8], $0x800, $0x38;
	[tilespmem:$0xD980] =	vst v63  }
0x8e: {  	_ =	swait.ge @!p4 [sflag:s10], $0x800  }
0x8f: {  	[sflag:s10] =	ssyncset.done @!p4 $0x0  }
0x90: {  	[sflag:s10] =	ssyncadd.s32 @!p4 $0xFFFFF800  }
0x91: {  	s30 =	simm.s32 $0x7;
	[bflag:$0x0] =	sbarrier.arrive $0xFFFF  }
0x92: {  	_ =	swait.ge [sflag:s30], $0x640  }
.Ltmp4:
0x93: {  	[sflag:s30] =	ssyncset.done $0x0;
	(pc) =	sbr.rel .LBB2_7-.Ltmp4, $4  }
0x94: {  	s31 =	simm.s32 $0x20;
	s3 =	simm.s32 $0x0;
	[sflag:s30] =	ssyncadd.s32 $0xFFFFF9C0  }
0x95: {  	[tilespmem:s11], [sflag:$0x1] =	stream.indirect.gather [hbm4b:s5+s31], $0x80, s3, s31, $0xb8;
	[tilespmem:$0xD980] =	vst v63  }
0x96: {  	_ = 	snop  }
0x97: {  	[tilespmem:s13], [sflag:$0x2] =	stream.indirect.gather [hbm4b:s5+s31], $0x80, s31, s31, $0xb8;
	[tilespmem:$0xD980] =	vst v63  }
.LBB2_6:
0x98: {  	p3 =	seq.s32 s3, $0x19  }
.Ltmp5:
0x99: {  	_ = 	snop;
	(pc) =	sbr.rel @p3 .LBB2_14-.Ltmp5, $1  }
0x9a: {  	_ =	sdelay $0x3  }
.LBB2_7:
0x9b: {  	p5 =	seq.s32 s3, $0x0  }
0x9c: {  	p6 =	seq.s32 @!p5 s3, $0x18  }
0x9d: {  	s31 =	smov.u32 s3;
	s3 =	sadd.s32 $0x1, s3;
	p3 =	por p6, p5  }
0x9e: {  	s16 =	sand.u32 $0x1, s31;
	s9 =	smul.u32 @!p3 $0x320, s3;
	s10 =	sand.u32 @!p3 $0x1, s3  }
0x9f: {  	p4 =	seq.s32 s16, $0x1;
	p2 =	seq.s32 @!p3 s10, $0x1  }
0xa0: {  	s17 =	simm.s32 @!p3 $0x0;
	s9 =	sadd.s32 @!p3 s4, s9;
	p2 =	por @!p5 !p2, p6  }
0xa1: {  	s10 =	simm.s32 @!p3 $0x320;
	p2 =	por !p2, p5;
	s9 =	sshrl.u32 @!p3 s9, $0x3  }
0xa2: {  	s10 =	simm.s32 @!p2 $0x0;
	s16 =	sadd.s32 @!p3 s12, s9;
	s9 =	sadd.s32 @!p3 s6, s9  }
0xa3: {  	[tilespmem:s10], [sflag:$0x7] =	stream.linear.gather @!p3 [hbm4b:s16+s17], $0x320, $0x38;
	[tilespmem:$0xD980] =	vst v63  }
.Ltmp6:
0xa4: {  	s16 =	simm.s32 $0x320;
	s10 =	sadd.s32 @!p3 $0x680, s10;
	(pc) =	sbr.rel .LBB2_8-.Ltmp6, $4  }
0xa5: {  	[tilespmem:s10], [sflag:$0x7] =	stream.linear.gather @!p3 [hbm4b:s9+s17], $0x320, $0x38;
	[tilespmem:$0xD980] =	vst v63  }
0xa6: {  	s30 =	smov.u32 s31;
	s16 =	simm.s32 @!p4 $0x0;
	s17 =	simm.s32 $0xFFFFFD20  }
0xa7: {  	s9 =	sadd.s32 $0x40, s16;
	s22 =	sadd.s32 $0x690, s16;
	p3 =	seq.s32 s31, $0x18  }
0xa8: {  	s16 =	simm.s32 $0x0;
	s17 =	simm.s32 @!p4 $0x40;
	p4 =	sne.s32 s31, $0x18  }
.LBB2_12:
0xa9: {  	p2 =	seq.s32 s20, $0x0  }
0xaa: {  	s19 =	simm.s32 @!p2 $0x5  }
0xab: {  	_ =	swait.ge @!p2 [sflag:s19], $0x1000  }
0xac: {  	[sflag:s19] =	ssyncset.done @!p2 $0x0  }
0xad: {  	s20 =	simm.s32 @p5 $0x1D00;
	[sflag:s19] =	ssyncadd.s32 @!p2 $0xFFFFF000;
	s19 =	simm.s32 @p5 $0x20  }
0xae: {  	[tilespmem:s20], [sflag:$0x2] =	stream.indirect.gather @p5 [hbm4b:s5+s19], $0x80, s10, s19, $0xb8;
	[tilespmem:$0xD980] =	vst v63  }
0xaf: {  	_ =	swait.ge [sflag:s14], $0x1000  }
0xb0: {  	[sflag:s14] =	ssyncset.done $0x0  }
0xb1: {  	[sflag:s14] =	ssyncadd.s32 $0xFFFFF000  }
0xb2: {  	v1 =	vld [tilespmem:s22+$0xFFFFFFF0];
	_ =	sdelay $0x7  }
0xb3: {  	[spmem:s1] =	stream.indirect_vreg.scatter.add.f32 [tilespmem:s15], [sflag:$0x6], $0x80, v1, vm0, $0xb8;
	[tilespmem:$0xD980] =	vst v63  }
0xb4: {  	v1 =	vld [tilespmem:s22+$0x0];
	_ =	sdelay $0x7  }
0xb5: {  	[spmem:s1] =	stream.indirect_vreg.scatter.add.f32 [tilespmem:s18], [sflag:$0x6], $0x80, v1, vm0, $0xb8;
	[tilespmem:$0xD980] =	vst v63  }
.LBB2_13:
0xb6: {  	s16 =	sadd.s32 $0x1, s16  }
0xb7: {  	p2 =	seq.s32 s16, $0x19  }
.Ltmp7:
0xb8: {  	_ = 	snop;
	(pc) =	sbr.rel @p2 .LBB2_6-.Ltmp7, $3  }
0xb9: {  	_ =	sdelay $0x1  }
0xba: {  	s30 =	sadd.s32 $0x1, s30  }
0xbb: {  	s9 =	sadd.s32 $0x20, s9;
	s17 =	sadd.s32 $0x20, s17;
	s22 =	sadd.s32 $0x20, s22  }
.LBB2_8:
0xbc: {  	s10 =	smulhi.u32 $0xAAAAAAAB, s30;
	s19 =	sadd.s32 $0x2, s16  }
0xbd: {  	p2 =	sne.s32 @!p3 s19, $0x19  }
0xbe: {  	s10 =	sshrl.u32 s10, $0x1;
	p2 =	por p2, p3  }
0xbf: {  	s10 =	smul.u32 $0x3, s10;
	s20 =	simm.s32 @!p2 $0x7  }
0xc0: {  	_ =	swait.ge @!p2 [sflag:s20], $0x640  }
0xc1: {  	s19 =	ssub.s32 s30, s10;
	[sflag:s20] =	ssyncset.done @!p2 $0x0  }
0xc2: {  	[sflag:s20] =	ssyncadd.s32 @!p2 $0xFFFFF9C0;
	p2 =	seq.s32 s19, $0x2  }
.Ltmp8:
0xc3: {  	_ = 	snop;
	(pc) =	sbr.rel @p2 .LBB2_12-.Ltmp8, $3  }
0xc4: {  	_ =	sdelay $0x1  }
0xc5: {  	p5 =	slt.u32 s16, $0x17;
	s10 =	smov.u32 s17  }
0xc6: {  	s10 =	smov.u32 @p5 s9;
	p5 =	por p4, p5;
	s20 =	sor.u32 s31, s16  }
0xc7: {  	p2 =	seq.s32 s19, $0x1  }
.Ltmp9:
0xc8: {  	_ = 	snop;
	(pc) =	sbr.rel @!p2 .LBB2_10-.Ltmp9, $1  }
0xc9: {  	_ =	sdelay $0x3  }
0xca: {  	p2 =	seq.s32 s20, $0x0  }
0xcb: {  	s19 =	simm.s32 @!p2 $0x4  }
0xcc: {  	_ =	swait.ge @!p2 [sflag:s19], $0x1000  }
0xcd: {  	[sflag:s19] =	ssyncset.done @!p2 $0x0  }
0xce: {  	s20 =	simm.s32 @p5 $0xD00;
	[sflag:s19] =	ssyncadd.s32 @!p2 $0xFFFFF000;
	s19 =	simm.s32 @p5 $0x20  }
0xcf: {  	[tilespmem:s20], [sflag:$0x1] =	stream.indirect.gather @p5 [hbm4b:s5+s19], $0x80, s10, s19, $0xb8;
	[tilespmem:$0xD980] =	vst v63  }
0xd0: {  	_ =	swait.ge [sflag:s23], $0x1000  }
0xd1: {  	[sflag:s23] =	ssyncset.done $0x0  }
0xd2: {  	[sflag:s23] =	ssyncadd.s32 $0xFFFFF000  }
0xd3: {  	v1 =	vld [tilespmem:s22+$0xFFFFFFF0];
	_ =	sdelay $0x7  }
0xd4: {  	[spmem:s1] =	stream.indirect_vreg.scatter.add.f32 [tilespmem:s13], [sflag:$0x5], $0x80, v1, vm0, $0xb8;
	[tilespmem:$0xD980] =	vst v63  }
0xd5: {  	v1 =	vld [tilespmem:s22+$0x0];
	_ =	sdelay $0x3  }
.Ltmp10:
0xd6: {  	_ = 	snop;
	(pc) =	sbr.rel .LBB2_13-.Ltmp10, $2  }
0xd7: {  	_ =	sdelay $0x2  }
0xd8: {  	[spmem:s1] =	stream.indirect_vreg.scatter.add.f32 [tilespmem:s24], [sflag:$0x5], $0x80, v1, vm0, $0xb8;
	[tilespmem:$0xD980] =	vst v63  }
.LBB2_10:
0xd9: {  	p2 =	seq.s32 s20, $0x0  }
0xda: {  	s19 =	simm.s32 @!p2 $0x6  }
0xdb: {  	_ =	swait.ge @!p2 [sflag:s19], $0x1000  }
0xdc: {  	[sflag:s19] =	ssyncset.done @!p2 $0x0  }
0xdd: {  	s20 =	simm.s32 @p5 $0x2D00;
	[sflag:s19] =	ssyncadd.s32 @!p2 $0xFFFFF000;
	s19 =	simm.s32 @p5 $0x20  }
0xde: {  	[tilespmem:s20], [sflag:$0x3] =	stream.indirect.gather @p5 [hbm4b:s5+s19], $0x80, s10, s19, $0xb8;
	[tilespmem:$0xD980] =	vst v63  }
0xdf: {  	_ =	swait.ge [sflag:s26], $0x1000  }
0xe0: {  	[sflag:s26] =	ssyncset.done $0x0  }
0xe1: {  	[sflag:s26] =	ssyncadd.s32 $0xFFFFF000  }
0xe2: {  	v1 =	vld [tilespmem:s22+$0xFFFFFFF0];
	_ =	sdelay $0x7  }
0xe3: {  	[spmem:s1] =	stream.indirect_vreg.scatter.add.f32 [tilespmem:s11], [sflag:$0x4], $0x80, v1, vm0, $0xb8;
	[tilespmem:$0xD980] =	vst v63  }
0xe4: {  	v1 =	vld [tilespmem:s22+$0x0];
	_ =	sdelay $0x3  }
.Ltmp11:
0xe5: {  	_ = 	snop;
	(pc) =	sbr.rel .LBB2_13-.Ltmp11, $2  }
0xe6: {  	_ =	sdelay $0x2  }
0xe7: {  	[spmem:s1] =	stream.indirect_vreg.scatter.add.f32 [tilespmem:s28], [sflag:$0x4], $0x80, v1, vm0, $0xb8;
	[tilespmem:$0xD980] =	vst v63  }
.LBB2_15:
0xe8: {  	_ =	sfence.sel $0x180000  }
0xe9: {  	[bflag:$0x0] =	sbarrier.arrive $0xFFFF  }
0xea: {  	_ =	strace $0x9000004D  }
0xeb: {  	[bflag:$0x2] =	sbarrier.arrive $0xFFFF  }
0xec: {  	p0 =	sne.s32 s2, $0x0;
	s0 =	rddreg [dreg:$0x2]  }
0xed: {  	s0 =	sadd.s32 @!p0 $0x100000, s0  }
0xee: {  	[sflag:s0] =	ssyncadd.tile.s32 @!p0 $0x1;
	_ =	shalt  }
.Lfunc_end2:
_tile_overlayer_lowered:
.L_overlay_start_2:
0xef: {  	(tag) =	ssettag $0x2  }
0xf0: {  	s0 =	rddreg [dreg:$0x0];
	s2 =	stileid.u32  }
0xf1: {  	s1 =	rddreg [dreg:$0x1];
	p0 =	sne.s32 s2, $0x0  }
0xf2: {  	s3 =	rddreg [dreg:$0x2];
	[bflag:$0x3] =	sbarrier.arrive $0xFFFF;
	s2 =	simm.s32 @!p0 $0x1C08  }
0xf3: {  	[timem:s3], [sflag:s2] =	dma.local @!p0 [hbm:s0], s1  }
0xf4: {  	s0 =	simm.s32 @!p0 $0x8  }
0xf5: {  	_ =	swait.ge @!p0 [sflag:s0], s1  }
0xf6: {  	s1 =	ssub.s32 @!p0 $0x0, s1;
	[sflag:s0] =	ssyncset.done @!p0 $0x0  }
0xf7: {  	[sflag:s0] =	ssyncadd.s32 @!p0 s1  }
0xf8: {  	[bflag:$0x3] =	sbarrier.arrive $0xFFFF  }
0xf9: {  	_ =	shalt  }

</sc_bundles>
